<compile_context>
chip_gen: v7x
topology: tpu7x:2x2x1
jax: 0.10.2.dev20260603
libtpu: 0.0.44.dev20260713+nightly
codegen_flags: <defaults>
</compile_context>

<pallas_src>
import functools

import jax
import jax.numpy as jnp
from jax import lax
from jax.experimental import pallas as pl
from jax.experimental.pallas import tpu as pltpu
from jax.experimental.pallas import tpu_sc as plsc

_N = 10000
_D = 128
_DH = _D // 2
_E = 320000
_NC = 2
_NS = 16
_NW = _NC * _NS
_ACHUNK = 80
_NCHUNK_AGG = _E // _NS // _ACHUNK
_NCHUNK_DEG = _NCHUNK_AGG // _NC
_NBUF = 5
_NGROUP = _NCHUNK_AGG // _NBUF
_NPAD = 10240
_ROWS_PER_TILE = _NPAD // _NS
_ZROWS = 128
_NB = 2000


def _sc_degree(edge4, ones_h, zdeg_h):
    mesh = plsc.VectorSubcoreMesh(core_axis_name="c", subcore_axis_name="s")

    @functools.partial(
        pl.kernel,
        out_type=jax.ShapeDtypeStruct((_NC, _NPAD), jnp.float32),
        mesh=mesh,
        compiler_params=pltpu.CompilerParams(use_tc_tiling_on_sc=False),
        scratch_types=[
            pltpu.VMEM((_NCHUNK_DEG, _ACHUNK), jnp.int32),
            pltpu.VMEM((_ACHUNK,), jnp.float32),
            pltpu.VMEM_SHARED((_NPAD,), jnp.float32),
            pltpu.SemaphoreType.DMA,
        ],
    )
    def deg_kernel(edge_h, ones_hbm, z_hbm, out_h, dst_v, ones_v, acc, sem):
        c = lax.axis_index("c")
        s = lax.axis_index("s")
        pltpu.sync_copy(
            edge_h.at[1].at[s].at[pl.ds(c * _NCHUNK_DEG, _NCHUNK_DEG)], dst_v)
        pltpu.sync_copy(ones_hbm, ones_v)
        sl = pl.ds(s * (_NPAD // _NS), _NPAD // _NS)
        pltpu.sync_copy(z_hbm, acc.at[sl])
        plsc.subcore_barrier()

        def fire(j, carry):
            pltpu.async_copy(ones_v, acc.at[dst_v.at[j]], sem, add=True)
            return carry

        lax.fori_loop(0, _NCHUNK_DEG, fire, 0)

        def drain(j, carry):
            pltpu.make_async_copy(ones_v, acc.at[dst_v.at[0]], sem).wait()
            return carry

        lax.fori_loop(0, _NCHUNK_DEG, drain, 0)
        plsc.subcore_barrier()
        pltpu.sync_copy(acc.at[sl], out_h.at[c].at[sl])

    return deg_kernel(edge4, ones_h, zdeg_h)


def _sc_aggregate(y2d, edge4, zrows_h):
    mesh = plsc.VectorSubcoreMesh(core_axis_name="c", subcore_axis_name="s")

    @functools.partial(
        pl.kernel,
        out_type=jax.ShapeDtypeStruct((_NPAD, _D), jnp.float32),
        mesh=mesh,
        compiler_params=pltpu.CompilerParams(use_tc_tiling_on_sc=False),
        scratch_types=[
            pltpu.VMEM((_NCHUNK_AGG, _ACHUNK), jnp.int32),
            pltpu.VMEM((_NCHUNK_AGG, _ACHUNK), jnp.int32),
            pltpu.VMEM((_NBUF, _ACHUNK, _DH), jnp.float32),
            pltpu.VMEM((_ZROWS, _DH), jnp.float32),
            pltpu.VMEM_SHARED((_NPAD, _DH), jnp.float32),
            [pltpu.SemaphoreType.DMA] * _NBUF,
            [pltpu.SemaphoreType.DMA] * _NBUF,
        ],
    )
    def agg_kernel(y_h, edge_h, z_h, out_h,
                   src_v, dst_v, rows_v, zrow_v, acc, sem_g, sem_s):
        c = lax.axis_index("c")
        s = lax.axis_index("s")
        cp_s = pltpu.async_copy(edge_h.at[0].at[s], src_v, sem_g[0])
        cp_d = pltpu.async_copy(edge_h.at[1].at[s], dst_v, sem_g[1])
        cp_z = pltpu.async_copy(z_h, zrow_v, sem_g[2])
        two = jnp.int32(2)

        def zslice(i):
            return acc.at[pl.ds(s * _ROWS_PER_TILE + i * _ZROWS, _ZROWS)]

        cp_z.wait()
        for i in range(_ROWS_PER_TILE // _ZROWS):
            pltpu.async_copy(zrow_v, zslice(i), sem_s[i])
        cp_s.wait()

        def transform(j, carry):
            for t in range(_ACHUNK // 16):
                sl = pl.ds(t * 16, 16)
                src_v[j, sl] = src_v[j, sl] * two + c
            return carry

        lax.fori_loop(0, _NCHUNK_AGG, transform, 0)
        cp_d.wait()
        for i in range(_ROWS_PER_TILE // _ZROWS):
            pltpu.make_async_copy(zrow_v, zslice(i), sem_s[i]).wait()
        plsc.subcore_barrier()
        yc = y_h

        for b in range(_NBUF):
            pltpu.async_copy(yc.at[src_v.at[b]], rows_v.at[b], sem_g[b])

        def group(g, carry):
            base = g * _NBUF
            for b in range(_NBUF):
                j = base + b
                pltpu.make_async_copy(
                    yc.at[src_v.at[j]], rows_v.at[b], sem_g[b]).wait()
                pltpu.async_copy(
                    rows_v.at[b], acc.at[dst_v.at[j]], sem_s[b], add=True)
            for b in range(_NBUF):
                j = base + b
                pltpu.make_async_copy(
                    rows_v.at[b], acc.at[dst_v.at[j]], sem_s[b]).wait()

                @pl.when(g < _NGROUP - 1)
                def _():
                    pltpu.async_copy(
                        yc.at[src_v.at[base + _NBUF + b]], rows_v.at[b], sem_g[b])
            return carry

        lax.fori_loop(0, _NGROUP, group, 0)
        plsc.subcore_barrier()
        rsl = pl.ds(s * _ROWS_PER_TILE, _ROWS_PER_TILE)
        pltpu.sync_copy(acc.at[rsl], out_h.at[rsl, pl.ds(c * _DH, _DH)])

    return agg_kernel(y2d, edge4, zrows_h)


def _norm_of(d0_ref, d1_ref):
    return lax.rsqrt(jnp.maximum(d0_ref[...] + d1_ref[...], 1.0))


def _tc1_body(d0_ref, d1_ref, x_ref, y_ref):
    y_ref[...] = x_ref[...] * _norm_of(d0_ref, d1_ref)


def _tc1(d0, d1, x):
    return pl.pallas_call(
        _tc1_body,
        out_shape=jax.ShapeDtypeStruct((_N, _D), jnp.float32),
        grid=(_N // _NB,),
        in_specs=[
            pl.BlockSpec((_NB, 1), lambda i: (i, 0)),
            pl.BlockSpec((_NB, 1), lambda i: (i, 0)),
            pl.BlockSpec((_NB, _D), lambda i: (i, 0)),
        ],
        out_specs=pl.BlockSpec((_NB, _D), lambda i: (i, 0)),
    )(d0, d1, x)


def _tc2_body(d0_ref, d1_ref, p_ref, x_ref, w_ref, b_ref, y_ref):
    norm = _norm_of(d0_ref, d1_ref)
    agg = p_ref[...] * norm
    h = jnp.dot(agg, w_ref[...], preferred_element_type=jnp.float32)
    h = jnp.maximum(h + b_ref[...] + x_ref[...], 0.0)
    y_ref[...] = h * norm


def _tc2(d0, d1, p, x, W, b):
    return pl.pallas_call(
        _tc2_body,
        out_shape=jax.ShapeDtypeStruct((_N, _D), jnp.float32),
        grid=(_N // _NB,),
        in_specs=[
            pl.BlockSpec((_NB, 1), lambda i: (i, 0)),
            pl.BlockSpec((_NB, 1), lambda i: (i, 0)),
            pl.BlockSpec((_NB, _D), lambda i: (i, 0)),
            pl.BlockSpec((_NB, _D), lambda i: (i, 0)),
            pl.BlockSpec((_D, _D), lambda i: (0, 0)),
            pl.BlockSpec((1, _D), lambda i: (0, 0)),
        ],
        out_specs=pl.BlockSpec((_NB, _D), lambda i: (i, 0)),
    )(d0, d1, p, x, W, b)


def _tc3_body(d0_ref, d1_ref, p_ref, w_ref, b_ref, y_ref):
    norm = _norm_of(d0_ref, d1_ref)
    agg = p_ref[...] * norm
    h = jnp.dot(agg, w_ref[...], preferred_element_type=jnp.float32)
    y_ref[...] = h + b_ref[...]


def _tc3(d0, d1, p, W, b):
    return pl.pallas_call(
        _tc3_body,
        out_shape=jax.ShapeDtypeStruct((_N, _D), jnp.float32),
        grid=(_N // _NB,),
        in_specs=[
            pl.BlockSpec((_NB, 1), lambda i: (i, 0)),
            pl.BlockSpec((_NB, 1), lambda i: (i, 0)),
            pl.BlockSpec((_NB, _D), lambda i: (i, 0)),
            pl.BlockSpec((_D, _D), lambda i: (0, 0)),
            pl.BlockSpec((1, _D), lambda i: (0, 0)),
        ],
        out_specs=pl.BlockSpec((_NB, _D), lambda i: (i, 0)),
    )(d0, d1, p, W, b)


def kernel(inputs, edge_index, W1, b1, W2, b2):
    x = inputs
    edge_agg = edge_index.reshape(2, _NS, _NCHUNK_AGG, _ACHUNK)
    ones_h = jnp.ones((_ACHUNK,), jnp.float32)
    zdeg_h = jnp.zeros((_NPAD // _NS,), jnp.float32)
    zrows_h = jnp.zeros((_ZROWS, _DH), jnp.float32)

    degp = _sc_degree(edge_agg, ones_h, zdeg_h)
    d0 = degp[0, :_N].reshape(_N, 1)
    d1 = degp[1, :_N].reshape(_N, 1)

    y1 = _tc1(d0, d1, x)
    p = _sc_aggregate(y1.reshape(_N * _NC, _DH), edge_agg, zrows_h)
    y2 = _tc2(d0, d1, p, x, W1, b1.reshape(1, _D))
    q = _sc_aggregate(y2.reshape(_N * _NC, _DH), edge_agg, zrows_h)
    out = _tc3(d0, d1, q, W2, b2.reshape(1, _D))
    return out

# --- scband reference (transcript-rebuilt; emitter-appended) ---
"""Pipeline reference for scband-gcn-62414464746096 (READ-ONLY COPY).

The authoritative reference and input builder live on the scoring server;
editing this copy changes nothing except your own understanding.
"""

import jax, jax.numpy as jnp
import numpy as np

N = 10000
E = 320000
D = 128


def setup_inputs(seed: int = 0) -> dict:
    key = jax.random.key(seed)
    k1, k2, k3, k4 = jax.random.split(key, 4)
    x = jax.random.normal(k1, (N, D), dtype=jnp.float32)
    edge_index = jax.random.randint(k2, (2, E), 0, N, dtype=jnp.int32)
    s = 1.0 / np.sqrt(D)
    W1 = jax.random.normal(k3, (D, D), dtype=jnp.float32) * s
    b1 = jnp.zeros((D,), dtype=jnp.float32)
    W2 = jax.random.normal(k4, (D, D), dtype=jnp.float32) * s
    b2 = jnp.zeros((D,), dtype=jnp.float32)
    return {"inputs": x, "edge_index": edge_index, "W1": W1, "b1": b1, "W2": W2, "b2": b2}


def _gcn_layer(x, src, dst, W, b):
    # Symmetric-normalized GCN aggregation: D^{-1/2} A D^{-1/2} X W + b
    n = x.shape[0]
    deg = jnp.zeros((n,), dtype=x.dtype).at[dst].add(1.0)
    norm = jax.lax.rsqrt(jnp.clip(deg, 1.0))
    msg = x[src] * norm[src][:, None]
    agg = jax.ops.segment_sum(msg, dst, num_segments=n)
    agg = agg * norm[:, None]
    return agg @ W + b


def reference(inputs, edge_index, W1, b1, W2, b2):
    src = edge_index[0]
    dst = edge_index[1]
    # dropout p=0.0 and eval mode -> identity
    # layer 1: GCNLayer(in_dim=128 -> num_hidden=128), residual=True, activation=relu
    h = _gcn_layer(inputs, src, dst, W1, b1)
    h = jax.nn.relu(h + inputs)
    # layer 2 (last, encoding=False): no residual, no norm, no activation
    out = _gcn_layer(h, src, dst, W2, b2)
    # head = nn.Identity()
    return out

if __name__ == "__main__":
    import jax
    _d = setup_inputs()
    print(jax.jit(kernel)(*tuple(_d.values())))

</pallas_src>

<mosaic_0001>
#map = affine_map<(d0, d1) -> (0, 0)>
#map1 = affine_map<(d0, d1) -> (0, 0, 0, 0)>
module attributes {stable_mosaic.version = 14 : i64} {
  func.func @agg_kernel(%arg0: i32, %arg1: i32, %arg2: memref<20000x64xf32, #tpu.memory_space<hbm>>, %arg3: memref<2x16x250x80xi32, #tpu.memory_space<hbm>>, %arg4: memref<128x64xf32, #tpu.memory_space<hbm>>, %arg5: memref<10240x128xf32, #tpu.memory_space<hbm>>, %arg6: memref<250x80xi32, #tpu.memory_space<vmem>>, %arg7: memref<250x80xi32, #tpu.memory_space<vmem>>, %arg8: memref<5x80x64xf32, #tpu.memory_space<vmem>>, %arg9: memref<128x64xf32, #tpu.memory_space<vmem>>, %arg10: memref<10240x64xf32, #tpu.memory_space<vmem_shared>>, %arg11: memref<!tpu.dma_semaphore, #tpu.memory_space<semaphore_mem>>, %arg12: memref<!tpu.dma_semaphore, #tpu.memory_space<semaphore_mem>>, %arg13: memref<!tpu.dma_semaphore, #tpu.memory_space<semaphore_mem>>, %arg14: memref<!tpu.dma_semaphore, #tpu.memory_space<semaphore_mem>>, %arg15: memref<!tpu.dma_semaphore, #tpu.memory_space<semaphore_mem>>, %arg16: memref<!tpu.dma_semaphore, #tpu.memory_space<semaphore_mem>>, %arg17: memref<!tpu.dma_semaphore, #tpu.memory_space<semaphore_mem>>, %arg18: memref<!tpu.dma_semaphore, #tpu.memory_space<semaphore_mem>>, %arg19: memref<!tpu.dma_semaphore, #tpu.memory_space<semaphore_mem>>, %arg20: memref<!tpu.dma_semaphore, #tpu.memory_space<semaphore_mem>>) attributes {dimension_semantics = [#tpu.dimension_semantics<core_parallel>, #tpu.dimension_semantics<subcore_parallel>], iteration_bounds = array<i64: 2, 16>, scalar_prefetch = 0 : i64, scratch_operands = 15 : i64, tpu.core_type = #tpu.core_type<sc_vector_subcore>, window_params = [{transform_indices = #map}, {transform_indices = #map1}, {transform_indices = #map}, {transform_indices = #map}]} {
    %dma_start3A = arith.constant 0 : i32
    %dma_start3A_0 = arith.constant 0 : i32
    %dma_start3A_1 = arith.constant 0 : i32
    %dma_start3A_2 = arith.constant 0 : i32
    %dma_start3A_3 = tpu.memref_slice %arg3[%dma_start3A, %dma_start3A_0, %dma_start3A_1, %dma_start3A_2] : memref<2x16x250x80xi32, #tpu.memory_space<hbm>> -> memref<1x16x250x80xi32, #tpu.memory_space<hbm>>
    %dma_start3A_4 = tpu.memref_squeeze %dma_start3A_3 : memref<1x16x250x80xi32, #tpu.memory_space<hbm>> -> memref<16x250x80xi32, #tpu.memory_space<hbm>>
    %dma_start3A_5 = arith.constant 0 : i32
    %dma_start3A_6 = arith.constant 0 : i32
    %dma_start3A_7 = tpu.memref_slice %dma_start3A_4[%arg1, %dma_start3A_5, %dma_start3A_6] : memref<16x250x80xi32, #tpu.memory_space<hbm>> -> memref<1x250x80xi32, #tpu.memory_space<hbm>>
    %dma_start3A_8 = tpu.memref_squeeze %dma_start3A_7 : memref<1x250x80xi32, #tpu.memory_space<hbm>> -> memref<250x80xi32, #tpu.memory_space<hbm>>
    %dma_start3A_9 = arith.constant 0 : i32
    %dma_start3A_10 = arith.constant 0 : i32
    %dma_start3A_11 = arith.constant 0 : i32
    %dma_start3A_12 = tpu.memref_slice %arg3[%dma_start3A, %dma_start3A_9, %dma_start3A_10, %dma_start3A_11] : memref<2x16x250x80xi32, #tpu.memory_space<hbm>> -> memref<1x16x250x80xi32, #tpu.memory_space<hbm>>
    %dma_start3A_13 = tpu.memref_squeeze %dma_start3A_12 : memref<1x16x250x80xi32, #tpu.memory_space<hbm>> -> memref<16x250x80xi32, #tpu.memory_space<hbm>>
    %dma_start3A_14 = arith.constant 0 : i32
    %dma_start3A_15 = arith.constant 0 : i32
    %dma_start3A_16 = tpu.memref_slice %dma_start3A_13[%arg1, %dma_start3A_14, %dma_start3A_15] : memref<16x250x80xi32, #tpu.memory_space<hbm>> -> memref<1x250x80xi32, #tpu.memory_space<hbm>>
    %dma_start3A_17 = tpu.memref_squeeze %dma_start3A_16 : memref<1x250x80xi32, #tpu.memory_space<hbm>> -> memref<250x80xi32, #tpu.memory_space<hbm>>
    tpu.enqueue_dma source(%dma_start3A_17 : memref<250x80xi32, #tpu.memory_space<hbm>>) target(%arg6 : memref<250x80xi32, #tpu.memory_space<vmem>>) target_semaphore(%arg11 : memref<!tpu.dma_semaphore, #tpu.memory_space<semaphore_mem>>)
    %dma_start3A_18 = arith.constant 1 : i32
    %dma_start3A_19 = arith.constant 0 : i32
    %dma_start3A_20 = arith.constant 0 : i32
    %dma_start3A_21 = arith.constant 0 : i32
    %dma_start3A_22 = tpu.memref_slice %arg3[%dma_start3A_18, %dma_start3A_19, %dma_start3A_20, %dma_start3A_21] : memref<2x16x250x80xi32, #tpu.memory_space<hbm>> -> memref<1x16x250x80xi32, #tpu.memory_space<hbm>>
    %dma_start3A_23 = tpu.memref_squeeze %dma_start3A_22 : memref<1x16x250x80xi32, #tpu.memory_space<hbm>> -> memref<16x250x80xi32, #tpu.memory_space<hbm>>
    %dma_start3A_24 = arith.constant 0 : i32
    %dma_start3A_25 = arith.constant 0 : i32
    %dma_start3A_26 = tpu.memref_slice %dma_start3A_23[%arg1, %dma_start3A_24, %dma_start3A_25] : memref<16x250x80xi32, #tpu.memory_space<hbm>> -> memref<1x250x80xi32, #tpu.memory_space<hbm>>
    %dma_start3A_27 = tpu.memref_squeeze %dma_start3A_26 : memref<1x250x80xi32, #tpu.memory_space<hbm>> -> memref<250x80xi32, #tpu.memory_space<hbm>>
    %dma_start3A_28 = arith.constant 0 : i32
    %dma_start3A_29 = arith.constant 0 : i32
    %dma_start3A_30 = arith.constant 0 : i32
    %dma_start3A_31 = tpu.memref_slice %arg3[%dma_start3A_18, %dma_start3A_28, %dma_start3A_29, %dma_start3A_30] : memref<2x16x250x80xi32, #tpu.memory_space<hbm>> -> memref<1x16x250x80xi32, #tpu.memory_space<hbm>>
    %dma_start3A_32 = tpu.memref_squeeze %dma_start3A_31 : memref<1x16x250x80xi32, #tpu.memory_space<hbm>> -> memref<16x250x80xi32, #tpu.memory_space<hbm>>
    %dma_start3A_33 = arith.constant 0 : i32
    %dma_start3A_34 = arith.constant 0 : i32
    %dma_start3A_35 = tpu.memref_slice %dma_start3A_32[%arg1, %dma_start3A_33, %dma_start3A_34] : memref<16x250x80xi32, #tpu.memory_space<hbm>> -> memref<1x250x80xi32, #tpu.memory_space<hbm>>
    %dma_start3A_36 = tpu.memref_squeeze %dma_start3A_35 : memref<1x250x80xi32, #tpu.memory_space<hbm>> -> memref<250x80xi32, #tpu.memory_space<hbm>>
    tpu.enqueue_dma source(%dma_start3A_36 : memref<250x80xi32, #tpu.memory_space<hbm>>) target(%arg7 : memref<250x80xi32, #tpu.memory_space<vmem>>) target_semaphore(%arg12 : memref<!tpu.dma_semaphore, #tpu.memory_space<semaphore_mem>>)
    tpu.enqueue_dma source(%arg4 : memref<128x64xf32, #tpu.memory_space<hbm>>) target(%arg9 : memref<128x64xf32, #tpu.memory_space<vmem>>) target_semaphore(%arg13 : memref<!tpu.dma_semaphore, #tpu.memory_space<semaphore_mem>>)
    tpu.wait_dma2 semaphore(%arg13 : memref<!tpu.dma_semaphore, #tpu.memory_space<semaphore_mem>>) src(%arg4 : memref<128x64xf32, #tpu.memory_space<hbm>>) dst(%arg9 : memref<128x64xf32, #tpu.memory_space<vmem>>)
    %mul3A = arith.constant 640 : i32
    %mul3A_37 = arith.muli %arg1, %mul3A : i32
    %add3A = arith.constant 0 : i32
    %add3A_38 = arith.addi %mul3A_37, %add3A : i32
    %dma_start3A_39 = arith.constant 0 : i32
    %dma_start3A_40 = tpu.memref_slice %arg10[%add3A_38, %dma_start3A_39] : memref<10240x64xf32, #tpu.memory_space<vmem_shared>> -> memref<128x64xf32, #tpu.memory_space<vmem_shared>>
    %dma_start3A_41 = arith.constant 0 : i32
    %dma_start3A_42 = tpu.memref_slice %arg10[%add3A_38, %dma_start3A_41] : memref<10240x64xf32, #tpu.memory_space<vmem_shared>> -> memref<128x64xf32, #tpu.memory_space<vmem_shared>>
    tpu.enqueue_dma source(%arg9 : memref<128x64xf32, #tpu.memory_space<vmem>>) target(%dma_start3A_42 : memref<128x64xf32, #tpu.memory_space<vmem_shared>>) target_semaphore(%arg16 : memref<!tpu.dma_semaphore, #tpu.memory_space<semaphore_mem>>)
    %mul3A_43 = arith.constant 640 : i32
    %mul3A_44 = arith.muli %arg1, %mul3A_43 : i32
    %add3A_45 = arith.constant 128 : i32
    %add3A_46 = arith.addi %mul3A_44, %add3A_45 : i32
    %dma_start3A_47 = arith.constant 0 : i32
    %dma_start3A_48 = tpu.memref_slice %arg10[%add3A_46, %dma_start3A_47] : memref<10240x64xf32, #tpu.memory_space<vmem_shared>> -> memref<128x64xf32, #tpu.memory_space<vmem_shared>>
    %dma_start3A_49 = arith.constant 0 : i32
    %dma_start3A_50 = tpu.memref_slice %arg10[%add3A_46, %dma_start3A_49] : memref<10240x64xf32, #tpu.memory_space<vmem_shared>> -> memref<128x64xf32, #tpu.memory_space<vmem_shared>>
    tpu.enqueue_dma source(%arg9 : memref<128x64xf32, #tpu.memory_space<vmem>>) target(%dma_start3A_50 : memref<128x64xf32, #tpu.memory_space<vmem_shared>>) target_semaphore(%arg17 : memref<!tpu.dma_semaphore, #tpu.memory_space<semaphore_mem>>)
    %mul3A_51 = arith.constant 640 : i32
    %mul3A_52 = arith.muli %arg1, %mul3A_51 : i32
    %add3A_53 = arith.constant 256 : i32
    %add3A_54 = arith.addi %mul3A_52, %add3A_53 : i32
    %dma_start3A_55 = arith.constant 0 : i32
    %dma_start3A_56 = tpu.memref_slice %arg10[%add3A_54, %dma_start3A_55] : memref<10240x64xf32, #tpu.memory_space<vmem_shared>> -> memref<128x64xf32, #tpu.memory_space<vmem_shared>>
    %dma_start3A_57 = arith.constant 0 : i32
    %dma_start3A_58 = tpu.memref_slice %arg10[%add3A_54, %dma_start3A_57] : memref<10240x64xf32, #tpu.memory_space<vmem_shared>> -> memref<128x64xf32, #tpu.memory_space<vmem_shared>>
    tpu.enqueue_dma source(%arg9 : memref<128x64xf32, #tpu.memory_space<vmem>>) target(%dma_start3A_58 : memref<128x64xf32, #tpu.memory_space<vmem_shared>>) target_semaphore(%arg18 : memref<!tpu.dma_semaphore, #tpu.memory_space<semaphore_mem>>)
    %mul3A_59 = arith.constant 640 : i32
    %mul3A_60 = arith.muli %arg1, %mul3A_59 : i32
    %add3A_61 = arith.constant 384 : i32
    %add3A_62 = arith.addi %mul3A_60, %add3A_61 : i32
    %dma_start3A_63 = arith.constant 0 : i32
    %dma_start3A_64 = tpu.memref_slice %arg10[%add3A_62, %dma_start3A_63] : memref<10240x64xf32, #tpu.memory_space<vmem_shared>> -> memref<128x64xf32, #tpu.memory_space<vmem_shared>>
    %dma_start3A_65 = arith.constant 0 : i32
    %dma_start3A_66 = tpu.memref_slice %arg10[%add3A_62, %dma_start3A_65] : memref<10240x64xf32, #tpu.memory_space<vmem_shared>> -> memref<128x64xf32, #tpu.memory_space<vmem_shared>>
    tpu.enqueue_dma source(%arg9 : memref<128x64xf32, #tpu.memory_space<vmem>>) target(%dma_start3A_66 : memref<128x64xf32, #tpu.memory_space<vmem_shared>>) target_semaphore(%arg19 : memref<!tpu.dma_semaphore, #tpu.memory_space<semaphore_mem>>)
    %mul3A_67 = arith.constant 640 : i32
    %mul3A_68 = arith.muli %arg1, %mul3A_67 : i32
    %add3A_69 = arith.constant 512 : i32
    %add3A_70 = arith.addi %mul3A_68, %add3A_69 : i32
    %dma_start3A_71 = arith.constant 0 : i32
    %dma_start3A_72 = tpu.memref_slice %arg10[%add3A_70, %dma_start3A_71] : memref<10240x64xf32, #tpu.memory_space<vmem_shared>> -> memref<128x64xf32, #tpu.memory_space<vmem_shared>>
    %dma_start3A_73 = arith.constant 0 : i32
    %dma_start3A_74 = tpu.memref_slice %arg10[%add3A_70, %dma_start3A_73] : memref<10240x64xf32, #tpu.memory_space<vmem_shared>> -> memref<128x64xf32, #tpu.memory_space<vmem_shared>>
    tpu.enqueue_dma source(%arg9 : memref<128x64xf32, #tpu.memory_space<vmem>>) target(%dma_start3A_74 : memref<128x64xf32, #tpu.memory_space<vmem_shared>>) target_semaphore(%arg20 : memref<!tpu.dma_semaphore, #tpu.memory_space<semaphore_mem>>)
    %dma_wait3A = arith.constant 0 : i32
    %dma_wait3A_75 = arith.constant 0 : i32
    %dma_wait3A_76 = arith.constant 0 : i32
    %dma_wait3A_77 = arith.constant 0 : i32
    %dma_wait3A_78 = tpu.memref_slice %arg3[%dma_wait3A, %dma_wait3A_75, %dma_wait3A_76, %dma_wait3A_77] : memref<2x16x250x80xi32, #tpu.memory_space<hbm>> -> memref<1x16x250x80xi32, #tpu.memory_space<hbm>>
    %dma_wait3A_79 = tpu.memref_squeeze %dma_wait3A_78 : memref<1x16x250x80xi32, #tpu.memory_space<hbm>> -> memref<16x250x80xi32, #tpu.memory_space<hbm>>
    %dma_wait3A_80 = arith.constant 0 : i32
    %dma_wait3A_81 = arith.constant 0 : i32
    %dma_wait3A_82 = tpu.memref_slice %dma_wait3A_79[%arg1, %dma_wait3A_80, %dma_wait3A_81] : memref<16x250x80xi32, #tpu.memory_space<hbm>> -> memref<1x250x80xi32, #tpu.memory_space<hbm>>
    %dma_wait3A_83 = tpu.memref_squeeze %dma_wait3A_82 : memref<1x250x80xi32, #tpu.memory_space<hbm>> -> memref<250x80xi32, #tpu.memory_space<hbm>>
    %dma_wait3A_84 = arith.constant 0 : i32
    %dma_wait3A_85 = arith.constant 0 : i32
    %dma_wait3A_86 = arith.constant 0 : i32
    %dma_wait3A_87 = tpu.memref_slice %arg3[%dma_wait3A, %dma_wait3A_84, %dma_wait3A_85, %dma_wait3A_86] : memref<2x16x250x80xi32, #tpu.memory_space<hbm>> -> memref<1x16x250x80xi32, #tpu.memory_space<hbm>>
    %dma_wait3A_88 = tpu.memref_squeeze %dma_wait3A_87 : memref<1x16x250x80xi32, #tpu.memory_space<hbm>> -> memref<16x250x80xi32, #tpu.memory_space<hbm>>
    %dma_wait3A_89 = arith.constant 0 : i32
    %dma_wait3A_90 = arith.constant 0 : i32
    %dma_wait3A_91 = tpu.memref_slice %dma_wait3A_88[%arg1, %dma_wait3A_89, %dma_wait3A_90] : memref<16x250x80xi32, #tpu.memory_space<hbm>> -> memref<1x250x80xi32, #tpu.memory_space<hbm>>
    %dma_wait3A_92 = tpu.memref_squeeze %dma_wait3A_91 : memref<1x250x80xi32, #tpu.memory_space<hbm>> -> memref<250x80xi32, #tpu.memory_space<hbm>>
    tpu.wait_dma2 semaphore(%arg11 : memref<!tpu.dma_semaphore, #tpu.memory_space<semaphore_mem>>) src(%dma_wait3A_92 : memref<250x80xi32, #tpu.memory_space<hbm>>) dst(%arg6 : memref<250x80xi32, #tpu.memory_space<vmem>>)
    %scan3A = arith.constant 0 : i32
    %scan3A_93 = arith.constant 2 : i32
    %scan3A_94 = arith.constant 0 : i32
    %scan3A_95 = arith.constant 250 : i32
    %scan3A_96 = arith.addi %scan3A_94, %scan3A_95 : i32
    %scan3A_97 = arith.constant 1 : i32
    scf.for %scan3A_229 = %scan3A_94 to %scan3A_96 step %scan3A_97  : i32 {
      %get3A = arith.index_cast %scan3A_229 : i32 to index
      %get3A_230 = arith.constant 0 : index
      %get3A_231 = tpu.vector_load %arg6[%get3A, %get3A_230] {strides = array<i32>} : memref<250x80xi32, #tpu.memory_space<vmem>>, vector<1x16xi32>,
      %get3A_232 = vector.shape_cast %get3A_231 : vector<1x16xi32> to vector<16xi32>
      %mul3A_233 = vector.broadcast %scan3A_93 : i32 to vector<16xi32>
      %mul3A_234 = arith.muli %get3A_232, %mul3A_233 : vector<16xi32>
      %add3A_235 = vector.broadcast %arg0 : i32 to vector<16xi32>
      %add3A_236 = arith.addi %mul3A_234, %add3A_235 : vector<16xi32>
      %swap3A = arith.index_cast %scan3A_229 : i32 to index
      %swap3A_237 = arith.constant 0 : index
      %swap3A_238 = tpu.vector_load %arg6[%swap3A, %swap3A_237] {strides = array<i32>} : memref<250x80xi32, #tpu.memory_space<vmem>>, vector<1x16xi32>,
      %swap3A_239 = vector.shape_cast %swap3A_238 : vector<1x16xi32> to vector<16xi32>
      %swap3A_240 = vector.shape_cast %add3A_236 : vector<16xi32> to vector<1x16xi32>
      tpu.vector_store %arg6[%swap3A, %swap3A_237], %swap3A_240 {strides = array<i32>} : memref<250x80xi32, #tpu.memory_space<vmem>>, vector<1x16xi32>,
      %get3A_241 = arith.index_cast %scan3A_229 : i32 to index
      %get3A_242 = arith.constant 16 : index
      %get3A_243 = tpu.vector_load %arg6[%get3A_241, %get3A_242] {strides = array<i32>} : memref<250x80xi32, #tpu.memory_space<vmem>>, vector<1x16xi32>,
      %get3A_244 = vector.shape_cast %get3A_243 : vector<1x16xi32> to vector<16xi32>
      %mul3A_245 = vector.broadcast %scan3A_93 : i32 to vector<16xi32>
      %mul3A_246 = arith.muli %get3A_244, %mul3A_245 : vector<16xi32>
      %add3A_247 = vector.broadcast %arg0 : i32 to vector<16xi32>
      %add3A_248 = arith.addi %mul3A_246, %add3A_247 : vector<16xi32>
      %swap3A_249 = arith.index_cast %scan3A_229 : i32 to index
      %swap3A_250 = arith.constant 16 : index
      %swap3A_251 = tpu.vector_load %arg6[%swap3A_249, %swap3A_250] {strides = array<i32>} : memref<250x80xi32, #tpu.memory_space<vmem>>, vector<1x16xi32>,
      %swap3A_252 = vector.shape_cast %swap3A_251 : vector<1x16xi32> to vector<16xi32>
      %swap3A_253 = vector.shape_cast %add3A_248 : vector<16xi32> to vector<1x16xi32>
      tpu.vector_store %arg6[%swap3A_249, %swap3A_250], %swap3A_253 {strides = array<i32>} : memref<250x80xi32, #tpu.memory_space<vmem>>, vector<1x16xi32>,
      %get3A_254 = arith.index_cast %scan3A_229 : i32 to index
      %get3A_255 = arith.constant 32 : index
      %get3A_256 = tpu.vector_load %arg6[%get3A_254, %get3A_255] {strides = array<i32>} : memref<250x80xi32, #tpu.memory_space<vmem>>, vector<1x16xi32>,
      %get3A_257 = vector.shape_cast %get3A_256 : vector<1x16xi32> to vector<16xi32>
      %mul3A_258 = vector.broadcast %scan3A_93 : i32 to vector<16xi32>
      %mul3A_259 = arith.muli %get3A_257, %mul3A_258 : vector<16xi32>
      %add3A_260 = vector.broadcast %arg0 : i32 to vector<16xi32>
      %add3A_261 = arith.addi %mul3A_259, %add3A_260 : vector<16xi32>
      %swap3A_262 = arith.index_cast %scan3A_229 : i32 to index
      %swap3A_263 = arith.constant 32 : index
      %swap3A_264 = tpu.vector_load %arg6[%swap3A_262, %swap3A_263] {strides = array<i32>} : memref<250x80xi32, #tpu.memory_space<vmem>>, vector<1x16xi32>,
      %swap3A_265 = vector.shape_cast %swap3A_264 : vector<1x16xi32> to vector<16xi32>
      %swap3A_266 = vector.shape_cast %add3A_261 : vector<16xi32> to vector<1x16xi32>
      tpu.vector_store %arg6[%swap3A_262, %swap3A_263], %swap3A_266 {strides = array<i32>} : memref<250x80xi32, #tpu.memory_space<vmem>>, vector<1x16xi32>,
      %get3A_267 = arith.index_cast %scan3A_229 : i32 to index
      %get3A_268 = arith.constant 48 : index
      %get3A_269 = tpu.vector_load %arg6[%get3A_267, %get3A_268] {strides = array<i32>} : memref<250x80xi32, #tpu.memory_space<vmem>>, vector<1x16xi32>,
      %get3A_270 = vector.shape_cast %get3A_269 : vector<1x16xi32> to vector<16xi32>
      %mul3A_271 = vector.broadcast %scan3A_93 : i32 to vector<16xi32>
      %mul3A_272 = arith.muli %get3A_270, %mul3A_271 : vector<16xi32>
      %add3A_273 = vector.broadcast %arg0 : i32 to vector<16xi32>
      %add3A_274 = arith.addi %mul3A_272, %add3A_273 : vector<16xi32>
      %swap3A_275 = arith.index_cast %scan3A_229 : i32 to index
      %swap3A_276 = arith.constant 48 : index
      %swap3A_277 = tpu.vector_load %arg6[%swap3A_275, %swap3A_276] {strides = array<i32>} : memref<250x80xi32, #tpu.memory_space<vmem>>, vector<1x16xi32>,
      %swap3A_278 = vector.shape_cast %swap3A_277 : vector<1x16xi32> to vector<16xi32>
      %swap3A_279 = vector.shape_cast %add3A_274 : vector<16xi32> to vector<1x16xi32>
      tpu.vector_store %arg6[%swap3A_275, %swap3A_276], %swap3A_279 {strides = array<i32>} : memref<250x80xi32, #tpu.memory_space<vmem>>, vector<1x16xi32>,
      %get3A_280 = arith.index_cast %scan3A_229 : i32 to index
      %get3A_281 = arith.constant 64 : index
      %get3A_282 = tpu.vector_load %arg6[%get3A_280, %get3A_281] {strides = array<i32>} : memref<250x80xi32, #tpu.memory_space<vmem>>, vector<1x16xi32>,
      %get3A_283 = vector.shape_cast %get3A_282 : vector<1x16xi32> to vector<16xi32>
      %mul3A_284 = vector.broadcast %scan3A_93 : i32 to vector<16xi32>
      %mul3A_285 = arith.muli %get3A_283, %mul3A_284 : vector<16xi32>
      %add3A_286 = vector.broadcast %arg0 : i32 to vector<16xi32>
      %add3A_287 = arith.addi %mul3A_285, %add3A_286 : vector<16xi32>
      %swap3A_288 = arith.index_cast %scan3A_229 : i32 to index
      %swap3A_289 = arith.constant 64 : index
      %swap3A_290 = tpu.vector_load %arg6[%swap3A_288, %swap3A_289] {strides = array<i32>} : memref<250x80xi32, #tpu.memory_space<vmem>>, vector<1x16xi32>,
      %swap3A_291 = vector.shape_cast %swap3A_290 : vector<1x16xi32> to vector<16xi32>
      %swap3A_292 = vector.shape_cast %add3A_287 : vector<16xi32> to vector<1x16xi32>
      tpu.vector_store %arg6[%swap3A_288, %swap3A_289], %swap3A_292 {strides = array<i32>} : memref<250x80xi32, #tpu.memory_space<vmem>>, vector<1x16xi32>,
    }
    %scan3A_98 = arith.constant 250 : i32
    %dma_wait3A_99 = arith.constant 1 : i32
    %dma_wait3A_100 = arith.constant 0 : i32
    %dma_wait3A_101 = arith.constant 0 : i32
    %dma_wait3A_102 = arith.constant 0 : i32
    %dma_wait3A_103 = tpu.memref_slice %arg3[%dma_wait3A_99, %dma_wait3A_100, %dma_wait3A_101, %dma_wait3A_102] : memref<2x16x250x80xi32, #tpu.memory_space<hbm>> -> memref<1x16x250x80xi32, #tpu.memory_space<hbm>>
    %dma_wait3A_104 = tpu.memref_squeeze %dma_wait3A_103 : memref<1x16x250x80xi32, #tpu.memory_space<hbm>> -> memref<16x250x80xi32, #tpu.memory_space<hbm>>
    %dma_wait3A_105 = arith.constant 0 : i32
    %dma_wait3A_106 = arith.constant 0 : i32
    %dma_wait3A_107 = tpu.memref_slice %dma_wait3A_104[%arg1, %dma_wait3A_105, %dma_wait3A_106] : memref<16x250x80xi32, #tpu.memory_space<hbm>> -> memref<1x250x80xi32, #tpu.memory_space<hbm>>
    %dma_wait3A_108 = tpu.memref_squeeze %dma_wait3A_107 : memref<1x250x80xi32, #tpu.memory_space<hbm>> -> memref<250x80xi32, #tpu.memory_space<hbm>>
    %dma_wait3A_109 = arith.constant 0 : i32
    %dma_wait3A_110 = arith.constant 0 : i32
    %dma_wait3A_111 = arith.constant 0 : i32
    %dma_wait3A_112 = tpu.memref_slice %arg3[%dma_wait3A_99, %dma_wait3A_109, %dma_wait3A_110, %dma_wait3A_111] : memref<2x16x250x80xi32, #tpu.memory_space<hbm>> -> memref<1x16x250x80xi32, #tpu.memory_space<hbm>>
    %dma_wait3A_113 = tpu.memref_squeeze %dma_wait3A_112 : memref<1x16x250x80xi32, #tpu.memory_space<hbm>> -> memref<16x250x80xi32, #tpu.memory_space<hbm>>
    %dma_wait3A_114 = arith.constant 0 : i32
    %dma_wait3A_115 = arith.constant 0 : i32
    %dma_wait3A_116 = tpu.memref_slice %dma_wait3A_113[%arg1, %dma_wait3A_114, %dma_wait3A_115] : memref<16x250x80xi32, #tpu.memory_space<hbm>> -> memref<1x250x80xi32, #tpu.memory_space<hbm>>
    %dma_wait3A_117 = tpu.memref_squeeze %dma_wait3A_116 : memref<1x250x80xi32, #tpu.memory_space<hbm>> -> memref<250x80xi32, #tpu.memory_space<hbm>>
    tpu.wait_dma2 semaphore(%arg12 : memref<!tpu.dma_semaphore, #tpu.memory_space<semaphore_mem>>) src(%dma_wait3A_117 : memref<250x80xi32, #tpu.memory_space<hbm>>) dst(%arg7 : memref<250x80xi32, #tpu.memory_space<vmem>>)
    %mul3A_118 = arith.constant 640 : i32
    %mul3A_119 = arith.muli %arg1, %mul3A_118 : i32
    %add3A_120 = arith.constant 0 : i32
    %add3A_121 = arith.addi %mul3A_119, %add3A_120 : i32
    %dma_wait3A_122 = arith.constant 0 : i32
    %dma_wait3A_123 = tpu.memref_slice %arg10[%add3A_121, %dma_wait3A_122] : memref<10240x64xf32, #tpu.memory_space<vmem_shared>> -> memref<128x64xf32, #tpu.memory_space<vmem_shared>>
    %dma_wait3A_124 = arith.constant 0 : i32
    %dma_wait3A_125 = tpu.memref_slice %arg10[%add3A_121, %dma_wait3A_124] : memref<10240x64xf32, #tpu.memory_space<vmem_shared>> -> memref<128x64xf32, #tpu.memory_space<vmem_shared>>
    tpu.wait_dma2 semaphore(%arg16 : memref<!tpu.dma_semaphore, #tpu.memory_space<semaphore_mem>>) src(%arg9 : memref<128x64xf32, #tpu.memory_space<vmem>>) dst(%dma_wait3A_125 : memref<128x64xf32, #tpu.memory_space<vmem_shared>>)
    %mul3A_126 = arith.constant 640 : i32
    %mul3A_127 = arith.muli %arg1, %mul3A_126 : i32
    %add3A_128 = arith.constant 128 : i32
    %add3A_129 = arith.addi %mul3A_127, %add3A_128 : i32
    %dma_wait3A_130 = arith.constant 0 : i32
    %dma_wait3A_131 = tpu.memref_slice %arg10[%add3A_129, %dma_wait3A_130] : memref<10240x64xf32, #tpu.memory_space<vmem_shared>> -> memref<128x64xf32, #tpu.memory_space<vmem_shared>>
    %dma_wait3A_132 = arith.constant 0 : i32
    %dma_wait3A_133 = tpu.memref_slice %arg10[%add3A_129, %dma_wait3A_132] : memref<10240x64xf32, #tpu.memory_space<vmem_shared>> -> memref<128x64xf32, #tpu.memory_space<vmem_shared>>
    tpu.wait_dma2 semaphore(%arg17 : memref<!tpu.dma_semaphore, #tpu.memory_space<semaphore_mem>>) src(%arg9 : memref<128x64xf32, #tpu.memory_space<vmem>>) dst(%dma_wait3A_133 : memref<128x64xf32, #tpu.memory_space<vmem_shared>>)
    %mul3A_134 = arith.constant 640 : i32
    %mul3A_135 = arith.muli %arg1, %mul3A_134 : i32
    %add3A_136 = arith.constant 256 : i32
    %add3A_137 = arith.addi %mul3A_135, %add3A_136 : i32
    %dma_wait3A_138 = arith.constant 0 : i32
    %dma_wait3A_139 = tpu.memref_slice %arg10[%add3A_137, %dma_wait3A_138] : memref<10240x64xf32, #tpu.memory_space<vmem_shared>> -> memref<128x64xf32, #tpu.memory_space<vmem_shared>>
    %dma_wait3A_140 = arith.constant 0 : i32
    %dma_wait3A_141 = tpu.memref_slice %arg10[%add3A_137, %dma_wait3A_140] : memref<10240x64xf32, #tpu.memory_space<vmem_shared>> -> memref<128x64xf32, #tpu.memory_space<vmem_shared>>
    tpu.wait_dma2 semaphore(%arg18 : memref<!tpu.dma_semaphore, #tpu.memory_space<semaphore_mem>>) src(%arg9 : memref<128x64xf32, #tpu.memory_space<vmem>>) dst(%dma_wait3A_141 : memref<128x64xf32, #tpu.memory_space<vmem_shared>>)
    %mul3A_142 = arith.constant 640 : i32
    %mul3A_143 = arith.muli %arg1, %mul3A_142 : i32
    %add3A_144 = arith.constant 384 : i32
    %add3A_145 = arith.addi %mul3A_143, %add3A_144 : i32
    %dma_wait3A_146 = arith.constant 0 : i32
    %dma_wait3A_147 = tpu.memref_slice %arg10[%add3A_145, %dma_wait3A_146] : memref<10240x64xf32, #tpu.memory_space<vmem_shared>> -> memref<128x64xf32, #tpu.memory_space<vmem_shared>>
    %dma_wait3A_148 = arith.constant 0 : i32
    %dma_wait3A_149 = tpu.memref_slice %arg10[%add3A_145, %dma_wait3A_148] : memref<10240x64xf32, #tpu.memory_space<vmem_shared>> -> memref<128x64xf32, #tpu.memory_space<vmem_shared>>
    tpu.wait_dma2 semaphore(%arg19 : memref<!tpu.dma_semaphore, #tpu.memory_space<semaphore_mem>>) src(%arg9 : memref<128x64xf32, #tpu.memory_space<vmem>>) dst(%dma_wait3A_149 : memref<128x64xf32, #tpu.memory_space<vmem_shared>>)
    %mul3A_150 = arith.constant 640 : i32
    %mul3A_151 = arith.muli %arg1, %mul3A_150 : i32
    %add3A_152 = arith.constant 512 : i32
    %add3A_153 = arith.addi %mul3A_151, %add3A_152 : i32
    %dma_wait3A_154 = arith.constant 0 : i32
    %dma_wait3A_155 = tpu.memref_slice %arg10[%add3A_153, %dma_wait3A_154] : memref<10240x64xf32, #tpu.memory_space<vmem_shared>> -> memref<128x64xf32, #tpu.memory_space<vmem_shared>>
    %dma_wait3A_156 = arith.constant 0 : i32
    %dma_wait3A_157 = tpu.memref_slice %arg10[%add3A_153, %dma_wait3A_156] : memref<10240x64xf32, #tpu.memory_space<vmem_shared>> -> memref<128x64xf32, #tpu.memory_space<vmem_shared>>
    tpu.wait_dma2 semaphore(%arg20 : memref<!tpu.dma_semaphore, #tpu.memory_space<semaphore_mem>>) src(%arg9 : memref<128x64xf32, #tpu.memory_space<vmem>>) dst(%dma_wait3A_157 : memref<128x64xf32, #tpu.memory_space<vmem_shared>>)
    %barrier3A = arith.constant 0 : index
    tpu.barrier barrier_id(%barrier3A)
    %dma_start3A_158 = arith.constant 0 : i32
    %dma_start3A_159 = arith.constant 0 : i32
    %dma_start3A_160 = arith.constant 0 : i32
    %dma_start3A_161 = arith.constant 0 : i32
    %dma_start3A_162 = tpu.memref_slice %arg8[%dma_start3A_159, %dma_start3A_160, %dma_start3A_161] : memref<5x80x64xf32, #tpu.memory_space<vmem>> -> memref<1x80x64xf32, #tpu.memory_space<vmem>>
    %dma_start3A_163 = tpu.memref_squeeze %dma_start3A_162 : memref<1x80x64xf32, #tpu.memory_space<vmem>> -> memref<80x64xf32, #tpu.memory_space<vmem>>
    %dma_start3A_164 = arith.constant 0 : i32
    %dma_start3A_165 = tpu.memref_slice %arg6[%dma_start3A_158, %dma_start3A_164] : memref<250x80xi32, #tpu.memory_space<vmem>> -> memref<1x80xi32, #tpu.memory_space<vmem>>
    %dma_start3A_166 = tpu.memref_squeeze %dma_start3A_165 : memref<1x80xi32, #tpu.memory_space<vmem>> -> memref<80xi32, #tpu.memory_space<vmem>>
    %dma_start3A_167 = arith.constant 0 : i32
    %dma_start3A_168 = arith.constant 0 : i32
    %dma_start3A_169 = tpu.memref_slice %arg2[%dma_start3A_167, %dma_start3A_168] : memref<20000x64xf32, #tpu.memory_space<hbm>> -> memref<20000x64xf32, #tpu.memory_space<hbm>>
    tpu.enqueue_indirect_dma source(%dma_start3A_169 : memref<20000x64xf32, #tpu.memory_space<hbm>>) target(%dma_start3A_163 : memref<80x64xf32, #tpu.memory_space<vmem>>) offsets(%dma_start3A_166 : memref<80xi32, #tpu.memory_space<vmem>>) semaphore(%arg11 : memref<!tpu.dma_semaphore, #tpu.memory_space<semaphore_mem>>)
    %dma_start3A_170 = arith.constant 1 : i32
    %dma_start3A_171 = arith.constant 1 : i32
    %dma_start3A_172 = arith.constant 0 : i32
    %dma_start3A_173 = arith.constant 0 : i32
    %dma_start3A_174 = tpu.memref_slice %arg8[%dma_start3A_171, %dma_start3A_172, %dma_start3A_173] : memref<5x80x64xf32, #tpu.memory_space<vmem>> -> memref<1x80x64xf32, #tpu.memory_space<vmem>>
    %dma_start3A_175 = tpu.memref_squeeze %dma_start3A_174 : memref<1x80x64xf32, #tpu.memory_space<vmem>> -> memref<80x64xf32, #tpu.memory_space<vmem>>
    %dma_start3A_176 = arith.constant 0 : i32
    %dma_start3A_177 = tpu.memref_slice %arg6[%dma_start3A_170, %dma_start3A_176] : memref<250x80xi32, #tpu.memory_space<vmem>> -> memref<1x80xi32, #tpu.memory_space<vmem>>
    %dma_start3A_178 = tpu.memref_squeeze %dma_start3A_177 : memref<1x80xi32, #tpu.memory_space<vmem>> -> memref<80xi32, #tpu.memory_space<vmem>>
    %dma_start3A_179 = arith.constant 0 : i32
    %dma_start3A_180 = arith.constant 0 : i32
    %dma_start3A_181 = tpu.memref_slice %arg2[%dma_start3A_179, %dma_start3A_180] : memref<20000x64xf32, #tpu.memory_space<hbm>> -> memref<20000x64xf32, #tpu.memory_space<hbm>>
    tpu.enqueue_indirect_dma source(%dma_start3A_181 : memref<20000x64xf32, #tpu.memory_space<hbm>>) target(%dma_start3A_175 : memref<80x64xf32, #tpu.memory_space<vmem>>) offsets(%dma_start3A_178 : memref<80xi32, #tpu.memory_space<vmem>>) semaphore(%arg12 : memref<!tpu.dma_semaphore, #tpu.memory_space<semaphore_mem>>)
    %dma_start3A_182 = arith.constant 2 : i32
    %dma_start3A_183 = arith.constant 2 : i32
    %dma_start3A_184 = arith.constant 0 : i32
    %dma_start3A_185 = arith.constant 0 : i32
    %dma_start3A_186 = tpu.memref_slice %arg8[%dma_start3A_183, %dma_start3A_184, %dma_start3A_185] : memref<5x80x64xf32, #tpu.memory_space<vmem>> -> memref<1x80x64xf32, #tpu.memory_space<vmem>>
    %dma_start3A_187 = tpu.memref_squeeze %dma_start3A_186 : memref<1x80x64xf32, #tpu.memory_space<vmem>> -> memref<80x64xf32, #tpu.memory_space<vmem>>
    %dma_start3A_188 = arith.constant 0 : i32
    %dma_start3A_189 = tpu.memref_slice %arg6[%dma_start3A_182, %dma_start3A_188] : memref<250x80xi32, #tpu.memory_space<vmem>> -> memref<1x80xi32, #tpu.memory_space<vmem>>
    %dma_start3A_190 = tpu.memref_squeeze %dma_start3A_189 : memref<1x80xi32, #tpu.memory_space<vmem>> -> memref<80xi32, #tpu.memory_space<vmem>>
    %dma_start3A_191 = arith.constant 0 : i32
    %dma_start3A_192 = arith.constant 0 : i32
    %dma_start3A_193 = tpu.memref_slice %arg2[%dma_start3A_191, %dma_start3A_192] : memref<20000x64xf32, #tpu.memory_space<hbm>> -> memref<20000x64xf32, #tpu.memory_space<hbm>>
    tpu.enqueue_indirect_dma source(%dma_start3A_193 : memref<20000x64xf32, #tpu.memory_space<hbm>>) target(%dma_start3A_187 : memref<80x64xf32, #tpu.memory_space<vmem>>) offsets(%dma_start3A_190 : memref<80xi32, #tpu.memory_space<vmem>>) semaphore(%arg13 : memref<!tpu.dma_semaphore, #tpu.memory_space<semaphore_mem>>)
    %dma_start3A_194 = arith.constant 3 : i32
    %dma_start3A_195 = arith.constant 3 : i32
    %dma_start3A_196 = arith.constant 0 : i32
    %dma_start3A_197 = arith.constant 0 : i32
    %dma_start3A_198 = tpu.memref_slice %arg8[%dma_start3A_195, %dma_start3A_196, %dma_start3A_197] : memref<5x80x64xf32, #tpu.memory_space<vmem>> -> memref<1x80x64xf32, #tpu.memory_space<vmem>>
    %dma_start3A_199 = tpu.memref_squeeze %dma_start3A_198 : memref<1x80x64xf32, #tpu.memory_space<vmem>> -> memref<80x64xf32, #tpu.memory_space<vmem>>
    %dma_start3A_200 = arith.constant 0 : i32
    %dma_start3A_201 = tpu.memref_slice %arg6[%dma_start3A_194, %dma_start3A_200] : memref<250x80xi32, #tpu.memory_space<vmem>> -> memref<1x80xi32, #tpu.memory_space<vmem>>
    %dma_start3A_202 = tpu.memref_squeeze %dma_start3A_201 : memref<1x80xi32, #tpu.memory_space<vmem>> -> memref<80xi32, #tpu.memory_space<vmem>>
    %dma_start3A_203 = arith.constant 0 : i32
    %dma_start3A_204 = arith.constant 0 : i32
    %dma_start3A_205 = tpu.memref_slice %arg2[%dma_start3A_203, %dma_start3A_204] : memref<20000x64xf32, #tpu.memory_space<hbm>> -> memref<20000x64xf32, #tpu.memory_space<hbm>>
    tpu.enqueue_indirect_dma source(%dma_start3A_205 : memref<20000x64xf32, #tpu.memory_space<hbm>>) target(%dma_start3A_199 : memref<80x64xf32, #tpu.memory_space<vmem>>) offsets(%dma_start3A_202 : memref<80xi32, #tpu.memory_space<vmem>>) semaphore(%arg14 : memref<!tpu.dma_semaphore, #tpu.memory_space<semaphore_mem>>)
    %dma_start3A_206 = arith.constant 4 : i32
    %dma_start3A_207 = arith.constant 4 : i32
    %dma_start3A_208 = arith.constant 0 : i32
    %dma_start3A_209 = arith.constant 0 : i32
    %dma_start3A_210 = tpu.memref_slice %arg8[%dma_start3A_207, %dma_start3A_208, %dma_start3A_209] : memref<5x80x64xf32, #tpu.memory_space<vmem>> -> memref<1x80x64xf32, #tpu.memory_space<vmem>>
    %dma_start3A_211 = tpu.memref_squeeze %dma_start3A_210 : memref<1x80x64xf32, #tpu.memory_space<vmem>> -> memref<80x64xf32, #tpu.memory_space<vmem>>
    %dma_start3A_212 = arith.constant 0 : i32
    %dma_start3A_213 = tpu.memref_slice %arg6[%dma_start3A_206, %dma_start3A_212] : memref<250x80xi32, #tpu.memory_space<vmem>> -> memref<1x80xi32, #tpu.memory_space<vmem>>
    %dma_start3A_214 = tpu.memref_squeeze %dma_start3A_213 : memref<1x80xi32, #tpu.memory_space<vmem>> -> memref<80xi32, #tpu.memory_space<vmem>>
    %dma_start3A_215 = arith.constant 0 : i32
    %dma_start3A_216 = arith.constant 0 : i32
    %dma_start3A_217 = tpu.memref_slice %arg2[%dma_start3A_215, %dma_start3A_216] : memref<20000x64xf32, #tpu.memory_space<hbm>> -> memref<20000x64xf32, #tpu.memory_space<hbm>>
    tpu.enqueue_indirect_dma source(%dma_start3A_217 : memref<20000x64xf32, #tpu.memory_space<hbm>>) target(%dma_start3A_211 : memref<80x64xf32, #tpu.memory_space<vmem>>) offsets(%dma_start3A_214 : memref<80xi32, #tpu.memory_space<vmem>>) semaphore(%arg15 : memref<!tpu.dma_semaphore, #tpu.memory_space<semaphore_mem>>)
    %scan3A_218 = arith.constant 0 : i32
    %scan3A_219 = arith.constant 0 : i32
    %scan3A_220 = arith.constant 50 : i32
    %scan3A_221 = arith.addi %scan3A_219, %scan3A_220 : i32
    %scan3A_222 = arith.constant 1 : i32
    scf.for %scan3A_229 = %scan3A_219 to %scan3A_221 step %scan3A_222  : i32 {
      %mul3A_230 = arith.constant 5 : i32
      %mul3A_231 = arith.muli %scan3A_229, %mul3A_230 : i32
      %add3A_232 = arith.constant 0 : i32
      %add3A_233 = arith.addi %mul3A_231, %add3A_232 : i32
      %dma_wait3A_234 = arith.constant 0 : i32
      %dma_wait3A_235 = arith.constant 0 : i32
      %dma_wait3A_236 = arith.constant 0 : i32
      %dma_wait3A_237 = tpu.memref_slice %arg8[%dma_wait3A_234, %dma_wait3A_235, %dma_wait3A_236] : memref<5x80x64xf32, #tpu.memory_space<vmem>> -> memref<1x80x64xf32, #tpu.memory_space<vmem>>
      %dma_wait3A_238 = tpu.memref_squeeze %dma_wait3A_237 : memref<1x80x64xf32, #tpu.memory_space<vmem>> -> memref<80x64xf32, #tpu.memory_space<vmem>>
      %dma_wait3A_239 = arith.constant 0 : i32
      %dma_wait3A_240 = tpu.memref_slice %arg6[%add3A_233, %dma_wait3A_239] : memref<250x80xi32, #tpu.memory_space<vmem>> -> memref<1x80xi32, #tpu.memory_space<vmem>>
      %dma_wait3A_241 = tpu.memref_squeeze %dma_wait3A_240 : memref<1x80xi32, #tpu.memory_space<vmem>> -> memref<80xi32, #tpu.memory_space<vmem>>
      %dma_wait3A_242 = arith.constant 0 : i32
      %dma_wait3A_243 = arith.constant 0 : i32
      %dma_wait3A_244 = tpu.memref_slice %arg2[%dma_wait3A_242, %dma_wait3A_243] : memref<20000x64xf32, #tpu.memory_space<hbm>> -> memref<20000x64xf32, #tpu.memory_space<hbm>>
      tpu.wait_indirect_dma semaphore(%arg11 : memref<!tpu.dma_semaphore, #tpu.memory_space<semaphore_mem>>) src(%dma_wait3A_244 : memref<20000x64xf32, #tpu.memory_space<hbm>>) dst(%dma_wait3A_238 : memref<80x64xf32, #tpu.memory_space<vmem>>)
      %dma_start3A_245 = arith.constant 0 : i32
      %dma_start3A_246 = arith.constant 0 : i32
      %dma_start3A_247 = arith.constant 0 : i32
      %dma_start3A_248 = tpu.memref_slice %arg8[%dma_start3A_245, %dma_start3A_246, %dma_start3A_247] : memref<5x80x64xf32, #tpu.memory_space<vmem>> -> memref<1x80x64xf32, #tpu.memory_space<vmem>>
      %dma_start3A_249 = tpu.memref_squeeze %dma_start3A_248 : memref<1x80x64xf32, #tpu.memory_space<vmem>> -> memref<80x64xf32, #tpu.memory_space<vmem>>
      %dma_start3A_250 = arith.constant 0 : i32
      %dma_start3A_251 = tpu.memref_slice %arg7[%add3A_233, %dma_start3A_250] : memref<250x80xi32, #tpu.memory_space<vmem>> -> memref<1x80xi32, #tpu.memory_space<vmem>>
      %dma_start3A_252 = tpu.memref_squeeze %dma_start3A_251 : memref<1x80xi32, #tpu.memory_space<vmem>> -> memref<80xi32, #tpu.memory_space<vmem>>
      %dma_start3A_253 = arith.constant 0 : i32
      %dma_start3A_254 = arith.constant 0 : i32
      %dma_start3A_255 = tpu.memref_slice %arg10[%dma_start3A_253, %dma_start3A_254] : memref<10240x64xf32, #tpu.memory_space<vmem_shared>> -> memref<10240x64xf32, #tpu.memory_space<vmem_shared>>
      tpu.enqueue_indirect_dma source(%dma_start3A_249 : memref<80x64xf32, #tpu.memory_space<vmem>>) target(%dma_start3A_255 : memref<10240x64xf32, #tpu.memory_space<vmem_shared>>) offsets(%dma_start3A_252 : memref<80xi32, #tpu.memory_space<vmem>>) semaphore(%arg16 : memref<!tpu.dma_semaphore, #tpu.memory_space<semaphore_mem>>) {add = true}
      %add3A_256 = arith.constant 1 : i32
      %add3A_257 = arith.addi %mul3A_231, %add3A_256 : i32
      %dma_wait3A_258 = arith.constant 1 : i32
      %dma_wait3A_259 = arith.constant 0 : i32
      %dma_wait3A_260 = arith.constant 0 : i32
      %dma_wait3A_261 = tpu.memref_slice %arg8[%dma_wait3A_258, %dma_wait3A_259, %dma_wait3A_260] : memref<5x80x64xf32, #tpu.memory_space<vmem>> -> memref<1x80x64xf32, #tpu.memory_space<vmem>>
      %dma_wait3A_262 = tpu.memref_squeeze %dma_wait3A_261 : memref<1x80x64xf32, #tpu.memory_space<vmem>> -> memref<80x64xf32, #tpu.memory_space<vmem>>
      %dma_wait3A_263 = arith.constant 0 : i32
      %dma_wait3A_264 = tpu.memref_slice %arg6[%add3A_257, %dma_wait3A_263] : memref<250x80xi32, #tpu.memory_space<vmem>> -> memref<1x80xi32, #tpu.memory_space<vmem>>
      %dma_wait3A_265 = tpu.memref_squeeze %dma_wait3A_264 : memref<1x80xi32, #tpu.memory_space<vmem>> -> memref<80xi32, #tpu.memory_space<vmem>>
      %dma_wait3A_266 = arith.constant 0 : i32
      %dma_wait3A_267 = arith.constant 0 : i32
      %dma_wait3A_268 = tpu.memref_slice %arg2[%dma_wait3A_266, %dma_wait3A_267] : memref<20000x64xf32, #tpu.memory_space<hbm>> -> memref<20000x64xf32, #tpu.memory_space<hbm>>
      tpu.wait_indirect_dma semaphore(%arg12 : memref<!tpu.dma_semaphore, #tpu.memory_space<semaphore_mem>>) src(%dma_wait3A_268 : memref<20000x64xf32, #tpu.memory_space<hbm>>) dst(%dma_wait3A_262 : memref<80x64xf32, #tpu.memory_space<vmem>>)
      %dma_start3A_269 = arith.constant 1 : i32
      %dma_start3A_270 = arith.constant 0 : i32
      %dma_start3A_271 = arith.constant 0 : i32
      %dma_start3A_272 = tpu.memref_slice %arg8[%dma_start3A_269, %dma_start3A_270, %dma_start3A_271] : memref<5x80x64xf32, #tpu.memory_space<vmem>> -> memref<1x80x64xf32, #tpu.memory_space<vmem>>
      %dma_start3A_273 = tpu.memref_squeeze %dma_start3A_272 : memref<1x80x64xf32, #tpu.memory_space<vmem>> -> memref<80x64xf32, #tpu.memory_space<vmem>>
      %dma_start3A_274 = arith.constant 0 : i32
      %dma_start3A_275 = tpu.memref_slice %arg7[%add3A_257, %dma_start3A_274] : memref<250x80xi32, #tpu.memory_space<vmem>> -> memref<1x80xi32, #tpu.memory_space<vmem>>
      %dma_start3A_276 = tpu.memref_squeeze %dma_start3A_275 : memref<1x80xi32, #tpu.memory_space<vmem>> -> memref<80xi32, #tpu.memory_space<vmem>>
      %dma_start3A_277 = arith.constant 0 : i32
      %dma_start3A_278 = arith.constant 0 : i32
      %dma_start3A_279 = tpu.memref_slice %arg10[%dma_start3A_277, %dma_start3A_278] : memref<10240x64xf32, #tpu.memory_space<vmem_shared>> -> memref<10240x64xf32, #tpu.memory_space<vmem_shared>>
      tpu.enqueue_indirect_dma source(%dma_start3A_273 : memref<80x64xf32, #tpu.memory_space<vmem>>) target(%dma_start3A_279 : memref<10240x64xf32, #tpu.memory_space<vmem_shared>>) offsets(%dma_start3A_276 : memref<80xi32, #tpu.memory_space<vmem>>) semaphore(%arg17 : memref<!tpu.dma_semaphore, #tpu.memory_space<semaphore_mem>>) {add = true}
      %add3A_280 = arith.constant 2 : i32
      %add3A_281 = arith.addi %mul3A_231, %add3A_280 : i32
      %dma_wait3A_282 = arith.constant 2 : i32
      %dma_wait3A_283 = arith.constant 0 : i32
      %dma_wait3A_284 = arith.constant 0 : i32
      %dma_wait3A_285 = tpu.memref_slice %arg8[%dma_wait3A_282, %dma_wait3A_283, %dma_wait3A_284] : memref<5x80x64xf32, #tpu.memory_space<vmem>> -> memref<1x80x64xf32, #tpu.memory_space<vmem>>
      %dma_wait3A_286 = tpu.memref_squeeze %dma_wait3A_285 : memref<1x80x64xf32, #tpu.memory_space<vmem>> -> memref<80x64xf32, #tpu.memory_space<vmem>>
      %dma_wait3A_287 = arith.constant 0 : i32
      %dma_wait3A_288 = tpu.memref_slice %arg6[%add3A_281, %dma_wait3A_287] : memref<250x80xi32, #tpu.memory_space<vmem>> -> memref<1x80xi32, #tpu.memory_space<vmem>>
      %dma_wait3A_289 = tpu.memref_squeeze %dma_wait3A_288 : memref<1x80xi32, #tpu.memory_space<vmem>> -> memref<80xi32, #tpu.memory_space<vmem>>
      %dma_wait3A_290 = arith.constant 0 : i32
      %dma_wait3A_291 = arith.constant 0 : i32
      %dma_wait3A_292 = tpu.memref_slice %arg2[%dma_wait3A_290, %dma_wait3A_291] : memref<20000x64xf32, #tpu.memory_space<hbm>> -> memref<20000x64xf32, #tpu.memory_space<hbm>>
      tpu.wait_indirect_dma semaphore(%arg13 : memref<!tpu.dma_semaphore, #tpu.memory_space<semaphore_mem>>) src(%dma_wait3A_292 : memref<20000x64xf32, #tpu.memory_space<hbm>>) dst(%dma_wait3A_286 : memref<80x64xf32, #tpu.memory_space<vmem>>)
      %dma_start3A_293 = arith.constant 2 : i32
      %dma_start3A_294 = arith.constant 0 : i32
      %dma_start3A_295 = arith.constant 0 : i32
      %dma_start3A_296 = tpu.memref_slice %arg8[%dma_start3A_293, %dma_start3A_294, %dma_start3A_295] : memref<5x80x64xf32, #tpu.memory_space<vmem>> -> memref<1x80x64xf32, #tpu.memory_space<vmem>>
      %dma_start3A_297 = tpu.memref_squeeze %dma_start3A_296 : memref<1x80x64xf32, #tpu.memory_space<vmem>> -> memref<80x64xf32, #tpu.memory_space<vmem>>
      %dma_start3A_298 = arith.constant 0 : i32
      %dma_start3A_299 = tpu.memref_slice %arg7[%add3A_281, %dma_start3A_298] : memref<250x80xi32, #tpu.memory_space<vmem>> -> memref<1x80xi32, #tpu.memory_space<vmem>>
      %dma_start3A_300 = tpu.memref_squeeze %dma_start3A_299 : memref<1x80xi32, #tpu.memory_space<vmem>> -> memref<80xi32, #tpu.memory_space<vmem>>
      %dma_start3A_301 = arith.constant 0 : i32
      %dma_start3A_302 = arith.constant 0 : i32
      %dma_start3A_303 = tpu.memref_slice %arg10[%dma_start3A_301, %dma_start3A_302] : memref<10240x64xf32, #tpu.memory_space<vmem_shared>> -> memref<10240x64xf32, #tpu.memory_space<vmem_shared>>
      tpu.enqueue_indirect_dma source(%dma_start3A_297 : memref<80x64xf32, #tpu.memory_space<vmem>>) target(%dma_start3A_303 : memref<10240x64xf32, #tpu.memory_space<vmem_shared>>) offsets(%dma_start3A_300 : memref<80xi32, #tpu.memory_space<vmem>>) semaphore(%arg18 : memref<!tpu.dma_semaphore, #tpu.memory_space<semaphore_mem>>) {add = true}
      %add3A_304 = arith.constant 3 : i32
      %add3A_305 = arith.addi %mul3A_231, %add3A_304 : i32
      %dma_wait3A_306 = arith.constant 3 : i32
      %dma_wait3A_307 = arith.constant 0 : i32
      %dma_wait3A_308 = arith.constant 0 : i32
      %dma_wait3A_309 = tpu.memref_slice %arg8[%dma_wait3A_306, %dma_wait3A_307, %dma_wait3A_308] : memref<5x80x64xf32, #tpu.memory_space<vmem>> -> memref<1x80x64xf32, #tpu.memory_space<vmem>>
      %dma_wait3A_310 = tpu.memref_squeeze %dma_wait3A_309 : memref<1x80x64xf32, #tpu.memory_space<vmem>> -> memref<80x64xf32, #tpu.memory_space<vmem>>
      %dma_wait3A_311 = arith.constant 0 : i32
      %dma_wait3A_312 = tpu.memref_slice %arg6[%add3A_305, %dma_wait3A_311] : memref<250x80xi32, #tpu.memory_space<vmem>> -> memref<1x80xi32, #tpu.memory_space<vmem>>
      %dma_wait3A_313 = tpu.memref_squeeze %dma_wait3A_312 : memref<1x80xi32, #tpu.memory_space<vmem>> -> memref<80xi32, #tpu.memory_space<vmem>>
      %dma_wait3A_314 = arith.constant 0 : i32
      %dma_wait3A_315 = arith.constant 0 : i32
      %dma_wait3A_316 = tpu.memref_slice %arg2[%dma_wait3A_314, %dma_wait3A_315] : memref<20000x64xf32, #tpu.memory_space<hbm>> -> memref<20000x64xf32, #tpu.memory_space<hbm>>
      tpu.wait_indirect_dma semaphore(%arg14 : memref<!tpu.dma_semaphore, #tpu.memory_space<semaphore_mem>>) src(%dma_wait3A_316 : memref<20000x64xf32, #tpu.memory_space<hbm>>) dst(%dma_wait3A_310 : memref<80x64xf32, #tpu.memory_space<vmem>>)
      %dma_start3A_317 = arith.constant 3 : i32
      %dma_start3A_318 = arith.constant 0 : i32
      %dma_start3A_319 = arith.constant 0 : i32
      %dma_start3A_320 = tpu.memref_slice %arg8[%dma_start3A_317, %dma_start3A_318, %dma_start3A_319] : memref<5x80x64xf32, #tpu.memory_space<vmem>> -> memref<1x80x64xf32, #tpu.memory_space<vmem>>
      %dma_start3A_321 = tpu.memref_squeeze %dma_start3A_320 : memref<1x80x64xf32, #tpu.memory_space<vmem>> -> memref<80x64xf32, #tpu.memory_space<vmem>>
      %dma_start3A_322 = arith.constant 0 : i32
      %dma_start3A_323 = tpu.memref_slice %arg7[%add3A_305, %dma_start3A_322] : memref<250x80xi32, #tpu.memory_space<vmem>> -> memref<1x80xi32, #tpu.memory_space<vmem>>
      %dma_start3A_324 = tpu.memref_squeeze %dma_start3A_323 : memref<1x80xi32, #tpu.memory_space<vmem>> -> memref<80xi32, #tpu.memory_space<vmem>>
      %dma_start3A_325 = arith.constant 0 : i32
      %dma_start3A_326 = arith.constant 0 : i32
      %dma_start3A_327 = tpu.memref_slice %arg10[%dma_start3A_325, %dma_start3A_326] : memref<10240x64xf32, #tpu.memory_space<vmem_shared>> -> memref<10240x64xf32, #tpu.memory_space<vmem_shared>>
      tpu.enqueue_indirect_dma source(%dma_start3A_321 : memref<80x64xf32, #tpu.memory_space<vmem>>) target(%dma_start3A_327 : memref<10240x64xf32, #tpu.memory_space<vmem_shared>>) offsets(%dma_start3A_324 : memref<80xi32, #tpu.memory_space<vmem>>) semaphore(%arg19 : memref<!tpu.dma_semaphore, #tpu.memory_space<semaphore_mem>>) {add = true}
      %add3A_328 = arith.constant 4 : i32
      %add3A_329 = arith.addi %mul3A_231, %add3A_328 : i32
      %dma_wait3A_330 = arith.constant 4 : i32
      %dma_wait3A_331 = arith.constant 0 : i32
      %dma_wait3A_332 = arith.constant 0 : i32
      %dma_wait3A_333 = tpu.memref_slice %arg8[%dma_wait3A_330, %dma_wait3A_331, %dma_wait3A_332] : memref<5x80x64xf32, #tpu.memory_space<vmem>> -> memref<1x80x64xf32, #tpu.memory_space<vmem>>
      %dma_wait3A_334 = tpu.memref_squeeze %dma_wait3A_333 : memref<1x80x64xf32, #tpu.memory_space<vmem>> -> memref<80x64xf32, #tpu.memory_space<vmem>>
      %dma_wait3A_335 = arith.constant 0 : i32
      %dma_wait3A_336 = tpu.memref_slice %arg6[%add3A_329, %dma_wait3A_335] : memref<250x80xi32, #tpu.memory_space<vmem>> -> memref<1x80xi32, #tpu.memory_space<vmem>>
      %dma_wait3A_337 = tpu.memref_squeeze %dma_wait3A_336 : memref<1x80xi32, #tpu.memory_space<vmem>> -> memref<80xi32, #tpu.memory_space<vmem>>
      %dma_wait3A_338 = arith.constant 0 : i32
      %dma_wait3A_339 = arith.constant 0 : i32
      %dma_wait3A_340 = tpu.memref_slice %arg2[%dma_wait3A_338, %dma_wait3A_339] : memref<20000x64xf32, #tpu.memory_space<hbm>> -> memref<20000x64xf32, #tpu.memory_space<hbm>>
      tpu.wait_indirect_dma semaphore(%arg15 : memref<!tpu.dma_semaphore, #tpu.memory_space<semaphore_mem>>) src(%dma_wait3A_340 : memref<20000x64xf32, #tpu.memory_space<hbm>>) dst(%dma_wait3A_334 : memref<80x64xf32, #tpu.memory_space<vmem>>)
      %dma_start3A_341 = arith.constant 4 : i32
      %dma_start3A_342 = arith.constant 0 : i32
      %dma_start3A_343 = arith.constant 0 : i32
      %dma_start3A_344 = tpu.memref_slice %arg8[%dma_start3A_341, %dma_start3A_342, %dma_start3A_343] : memref<5x80x64xf32, #tpu.memory_space<vmem>> -> memref<1x80x64xf32, #tpu.memory_space<vmem>>
      %dma_start3A_345 = tpu.memref_squeeze %dma_start3A_344 : memref<1x80x64xf32, #tpu.memory_space<vmem>> -> memref<80x64xf32, #tpu.memory_space<vmem>>
      %dma_start3A_346 = arith.constant 0 : i32
      %dma_start3A_347 = tpu.memref_slice %arg7[%add3A_329, %dma_start3A_346] : memref<250x80xi32, #tpu.memory_space<vmem>> -> memref<1x80xi32, #tpu.memory_space<vmem>>
      %dma_start3A_348 = tpu.memref_squeeze %dma_start3A_347 : memref<1x80xi32, #tpu.memory_space<vmem>> -> memref<80xi32, #tpu.memory_space<vmem>>
      %dma_start3A_349 = arith.constant 0 : i32
      %dma_start3A_350 = arith.constant 0 : i32
      %dma_start3A_351 = tpu.memref_slice %arg10[%dma_start3A_349, %dma_start3A_350] : memref<10240x64xf32, #tpu.memory_space<vmem_shared>> -> memref<10240x64xf32, #tpu.memory_space<vmem_shared>>
      tpu.enqueue_indirect_dma source(%dma_start3A_345 : memref<80x64xf32, #tpu.memory_space<vmem>>) target(%dma_start3A_351 : memref<10240x64xf32, #tpu.memory_space<vmem_shared>>) offsets(%dma_start3A_348 : memref<80xi32, #tpu.memory_space<vmem>>) semaphore(%arg20 : memref<!tpu.dma_semaphore, #tpu.memory_space<semaphore_mem>>) {add = true}
      %add3A_352 = arith.constant 0 : i32
      %add3A_353 = arith.addi %mul3A_231, %add3A_352 : i32
      %dma_wait3A_354 = arith.constant 0 : i32
      %dma_wait3A_355 = arith.constant 0 : i32
      %dma_wait3A_356 = arith.constant 0 : i32
      %dma_wait3A_357 = tpu.memref_slice %arg8[%dma_wait3A_354, %dma_wait3A_355, %dma_wait3A_356] : memref<5x80x64xf32, #tpu.memory_space<vmem>> -> memref<1x80x64xf32, #tpu.memory_space<vmem>>
      %dma_wait3A_358 = tpu.memref_squeeze %dma_wait3A_357 : memref<1x80x64xf32, #tpu.memory_space<vmem>> -> memref<80x64xf32, #tpu.memory_space<vmem>>
      %dma_wait3A_359 = arith.constant 0 : i32
      %dma_wait3A_360 = tpu.memref_slice %arg7[%add3A_353, %dma_wait3A_359] : memref<250x80xi32, #tpu.memory_space<vmem>> -> memref<1x80xi32, #tpu.memory_space<vmem>>
      %dma_wait3A_361 = tpu.memref_squeeze %dma_wait3A_360 : memref<1x80xi32, #tpu.memory_space<vmem>> -> memref<80xi32, #tpu.memory_space<vmem>>
      %dma_wait3A_362 = arith.constant 0 : i32
      %dma_wait3A_363 = arith.constant 0 : i32
      %dma_wait3A_364 = tpu.memref_slice %arg10[%dma_wait3A_362, %dma_wait3A_363] : memref<10240x64xf32, #tpu.memory_space<vmem_shared>> -> memref<10240x64xf32, #tpu.memory_space<vmem_shared>>
      tpu.wait_indirect_dma semaphore(%arg16 : memref<!tpu.dma_semaphore, #tpu.memory_space<semaphore_mem>>) src(%dma_wait3A_358 : memref<80x64xf32, #tpu.memory_space<vmem>>) dst(%dma_wait3A_364 : memref<10240x64xf32, #tpu.memory_space<vmem_shared>>)
      %lt3A = arith.constant 49 : i32
      %lt3A_365 = arith.cmpi slt, %scan3A_229, %lt3A : i32
      %convert_element_type3A = arith.extui %lt3A_365 : i1 to i32
      %cond3A = arith.constant 0 : i32
      %cond3A_366 = arith.cmpi ne, %convert_element_type3A, %cond3A : i32
      scf.if %cond3A_366 {
        %add3A_439 = arith.constant 5 : i32
        %add3A_440 = arith.addi %mul3A_231, %add3A_439 : i32
        %add3A_441 = arith.constant 0 : i32
        %add3A_442 = arith.addi %add3A_440, %add3A_441 : i32
        %dma_start3A_443 = arith.constant 0 : i32
        %dma_start3A_444 = arith.constant 0 : i32
        %dma_start3A_445 = arith.constant 0 : i32
        %dma_start3A_446 = tpu.memref_slice %arg8[%dma_start3A_443, %dma_start3A_444, %dma_start3A_445] : memref<5x80x64xf32, #tpu.memory_space<vmem>> -> memref<1x80x64xf32, #tpu.memory_space<vmem>>
        %dma_start3A_447 = tpu.memref_squeeze %dma_start3A_446 : memref<1x80x64xf32, #tpu.memory_space<vmem>> -> memref<80x64xf32, #tpu.memory_space<vmem>>
        %dma_start3A_448 = arith.constant 0 : i32
        %dma_start3A_449 = tpu.memref_slice %arg6[%add3A_442, %dma_start3A_448] : memref<250x80xi32, #tpu.memory_space<vmem>> -> memref<1x80xi32, #tpu.memory_space<vmem>>
        %dma_start3A_450 = tpu.memref_squeeze %dma_start3A_449 : memref<1x80xi32, #tpu.memory_space<vmem>> -> memref<80xi32, #tpu.memory_space<vmem>>
        %dma_start3A_451 = arith.constant 0 : i32
        %dma_start3A_452 = arith.constant 0 : i32
        %dma_start3A_453 = tpu.memref_slice %arg2[%dma_start3A_451, %dma_start3A_452] : memref<20000x64xf32, #tpu.memory_space<hbm>> -> memref<20000x64xf32, #tpu.memory_space<hbm>>
        tpu.enqueue_indirect_dma source(%dma_start3A_453 : memref<20000x64xf32, #tpu.memory_space<hbm>>) target(%dma_start3A_447 : memref<80x64xf32, #tpu.memory_space<vmem>>) offsets(%dma_start3A_450 : memref<80xi32, #tpu.memory_space<vmem>>) semaphore(%arg11 : memref<!tpu.dma_semaphore, #tpu.memory_space<semaphore_mem>>)
      } else {
      }
      %add3A_367 = arith.constant 1 : i32
      %add3A_368 = arith.addi %mul3A_231, %add3A_367 : i32
      %dma_wait3A_369 = arith.constant 1 : i32
      %dma_wait3A_370 = arith.constant 0 : i32
      %dma_wait3A_371 = arith.constant 0 : i32
      %dma_wait3A_372 = tpu.memref_slice %arg8[%dma_wait3A_369, %dma_wait3A_370, %dma_wait3A_371] : memref<5x80x64xf32, #tpu.memory_space<vmem>> -> memref<1x80x64xf32, #tpu.memory_space<vmem>>
      %dma_wait3A_373 = tpu.memref_squeeze %dma_wait3A_372 : memref<1x80x64xf32, #tpu.memory_space<vmem>> -> memref<80x64xf32, #tpu.memory_space<vmem>>
      %dma_wait3A_374 = arith.constant 0 : i32
      %dma_wait3A_375 = tpu.memref_slice %arg7[%add3A_368, %dma_wait3A_374] : memref<250x80xi32, #tpu.memory_space<vmem>> -> memref<1x80xi32, #tpu.memory_space<vmem>>
      %dma_wait3A_376 = tpu.memref_squeeze %dma_wait3A_375 : memref<1x80xi32, #tpu.memory_space<vmem>> -> memref<80xi32, #tpu.memory_space<vmem>>
      %dma_wait3A_377 = arith.constant 0 : i32
      %dma_wait3A_378 = arith.constant 0 : i32
      %dma_wait3A_379 = tpu.memref_slice %arg10[%dma_wait3A_377, %dma_wait3A_378] : memref<10240x64xf32, #tpu.memory_space<vmem_shared>> -> memref<10240x64xf32, #tpu.memory_space<vmem_shared>>
      tpu.wait_indirect_dma semaphore(%arg17 : memref<!tpu.dma_semaphore, #tpu.memory_space<semaphore_mem>>) src(%dma_wait3A_373 : memref<80x64xf32, #tpu.memory_space<vmem>>) dst(%dma_wait3A_379 : memref<10240x64xf32, #tpu.memory_space<vmem_shared>>)
      %lt3A_380 = arith.constant 49 : i32
      %lt3A_381 = arith.cmpi slt, %scan3A_229, %lt3A_380 : i32
      %convert_element_type3A_382 = arith.extui %lt3A_381 : i1 to i32
      %cond3A_383 = arith.constant 0 : i32
      %cond3A_384 = arith.cmpi ne, %convert_element_type3A_382, %cond3A_383 : i32
      scf.if %cond3A_384 {
        %add3A_439 = arith.constant 5 : i32
        %add3A_440 = arith.addi %mul3A_231, %add3A_439 : i32
        %add3A_441 = arith.constant 1 : i32
        %add3A_442 = arith.addi %add3A_440, %add3A_441 : i32
        %dma_start3A_443 = arith.constant 1 : i32
        %dma_start3A_444 = arith.constant 0 : i32
        %dma_start3A_445 = arith.constant 0 : i32
        %dma_start3A_446 = tpu.memref_slice %arg8[%dma_start3A_443, %dma_start3A_444, %dma_start3A_445] : memref<5x80x64xf32, #tpu.memory_space<vmem>> -> memref<1x80x64xf32, #tpu.memory_space<vmem>>
        %dma_start3A_447 = tpu.memref_squeeze %dma_start3A_446 : memref<1x80x64xf32, #tpu.memory_space<vmem>> -> memref<80x64xf32, #tpu.memory_space<vmem>>
        %dma_start3A_448 = arith.constant 0 : i32
        %dma_start3A_449 = tpu.memref_slice %arg6[%add3A_442, %dma_start3A_448] : memref<250x80xi32, #tpu.memory_space<vmem>> -> memref<1x80xi32, #tpu.memory_space<vmem>>
        %dma_start3A_450 = tpu.memref_squeeze %dma_start3A_449 : memref<1x80xi32, #tpu.memory_space<vmem>> -> memref<80xi32, #tpu.memory_space<vmem>>
        %dma_start3A_451 = arith.constant 0 : i32
        %dma_start3A_452 = arith.constant 0 : i32
        %dma_start3A_453 = tpu.memref_slice %arg2[%dma_start3A_451, %dma_start3A_452] : memref<20000x64xf32, #tpu.memory_space<hbm>> -> memref<20000x64xf32, #tpu.memory_space<hbm>>
        tpu.enqueue_indirect_dma source(%dma_start3A_453 : memref<20000x64xf32, #tpu.memory_space<hbm>>) target(%dma_start3A_447 : memref<80x64xf32, #tpu.memory_space<vmem>>) offsets(%dma_start3A_450 : memref<80xi32, #tpu.memory_space<vmem>>) semaphore(%arg12 : memref<!tpu.dma_semaphore, #tpu.memory_space<semaphore_mem>>)
      } else {
      }
      %add3A_385 = arith.constant 2 : i32
      %add3A_386 = arith.addi %mul3A_231, %add3A_385 : i32
      %dma_wait3A_387 = arith.constant 2 : i32
      %dma_wait3A_388 = arith.constant 0 : i32
      %dma_wait3A_389 = arith.constant 0 : i32
      %dma_wait3A_390 = tpu.memref_slice %arg8[%dma_wait3A_387, %dma_wait3A_388, %dma_wait3A_389] : memref<5x80x64xf32, #tpu.memory_space<vmem>> -> memref<1x80x64xf32, #tpu.memory_space<vmem>>
      %dma_wait3A_391 = tpu.memref_squeeze %dma_wait3A_390 : memref<1x80x64xf32, #tpu.memory_space<vmem>> -> memref<80x64xf32, #tpu.memory_space<vmem>>
      %dma_wait3A_392 = arith.constant 0 : i32
      %dma_wait3A_393 = tpu.memref_slice %arg7[%add3A_386, %dma_wait3A_392] : memref<250x80xi32, #tpu.memory_space<vmem>> -> memref<1x80xi32, #tpu.memory_space<vmem>>
      %dma_wait3A_394 = tpu.memref_squeeze %dma_wait3A_393 : memref<1x80xi32, #tpu.memory_space<vmem>> -> memref<80xi32, #tpu.memory_space<vmem>>
      %dma_wait3A_395 = arith.constant 0 : i32
      %dma_wait3A_396 = arith.constant 0 : i32
      %dma_wait3A_397 = tpu.memref_slice %arg10[%dma_wait3A_395, %dma_wait3A_396] : memref<10240x64xf32, #tpu.memory_space<vmem_shared>> -> memref<10240x64xf32, #tpu.memory_space<vmem_shared>>
      tpu.wait_indirect_dma semaphore(%arg18 : memref<!tpu.dma_semaphore, #tpu.memory_space<semaphore_mem>>) src(%dma_wait3A_391 : memref<80x64xf32, #tpu.memory_space<vmem>>) dst(%dma_wait3A_397 : memref<10240x64xf32, #tpu.memory_space<vmem_shared>>)
      %lt3A_398 = arith.constant 49 : i32
      %lt3A_399 = arith.cmpi slt, %scan3A_229, %lt3A_398 : i32
      %convert_element_type3A_400 = arith.extui %lt3A_399 : i1 to i32
      %cond3A_401 = arith.constant 0 : i32
      %cond3A_402 = arith.cmpi ne, %convert_element_type3A_400, %cond3A_401 : i32
      scf.if %cond3A_402 {
        %add3A_439 = arith.constant 5 : i32
        %add3A_440 = arith.addi %mul3A_231, %add3A_439 : i32
        %add3A_441 = arith.constant 2 : i32
        %add3A_442 = arith.addi %add3A_440, %add3A_441 : i32
        %dma_start3A_443 = arith.constant 2 : i32
        %dma_start3A_444 = arith.constant 0 : i32
        %dma_start3A_445 = arith.constant 0 : i32
        %dma_start3A_446 = tpu.memref_slice %arg8[%dma_start3A_443, %dma_start3A_444, %dma_start3A_445] : memref<5x80x64xf32, #tpu.memory_space<vmem>> -> memref<1x80x64xf32, #tpu.memory_space<vmem>>
        %dma_start3A_447 = tpu.memref_squeeze %dma_start3A_446 : memref<1x80x64xf32, #tpu.memory_space<vmem>> -> memref<80x64xf32, #tpu.memory_space<vmem>>
        %dma_start3A_448 = arith.constant 0 : i32
        %dma_start3A_449 = tpu.memref_slice %arg6[%add3A_442, %dma_start3A_448] : memref<250x80xi32, #tpu.memory_space<vmem>> -> memref<1x80xi32, #tpu.memory_space<vmem>>
        %dma_start3A_450 = tpu.memref_squeeze %dma_start3A_449 : memref<1x80xi32, #tpu.memory_space<vmem>> -> memref<80xi32, #tpu.memory_space<vmem>>
        %dma_start3A_451 = arith.constant 0 : i32
        %dma_start3A_452 = arith.constant 0 : i32
        %dma_start3A_453 = tpu.memref_slice %arg2[%dma_start3A_451, %dma_start3A_452] : memref<20000x64xf32, #tpu.memory_space<hbm>> -> memref<20000x64xf32, #tpu.memory_space<hbm>>
        tpu.enqueue_indirect_dma source(%dma_start3A_453 : memref<20000x64xf32, #tpu.memory_space<hbm>>) target(%dma_start3A_447 : memref<80x64xf32, #tpu.memory_space<vmem>>) offsets(%dma_start3A_450 : memref<80xi32, #tpu.memory_space<vmem>>) semaphore(%arg13 : memref<!tpu.dma_semaphore, #tpu.memory_space<semaphore_mem>>)
      } else {
      }
      %add3A_403 = arith.constant 3 : i32
      %add3A_404 = arith.addi %mul3A_231, %add3A_403 : i32
      %dma_wait3A_405 = arith.constant 3 : i32
      %dma_wait3A_406 = arith.constant 0 : i32
      %dma_wait3A_407 = arith.constant 0 : i32
      %dma_wait3A_408 = tpu.memref_slice %arg8[%dma_wait3A_405, %dma_wait3A_406, %dma_wait3A_407] : memref<5x80x64xf32, #tpu.memory_space<vmem>> -> memref<1x80x64xf32, #tpu.memory_space<vmem>>
      %dma_wait3A_409 = tpu.memref_squeeze %dma_wait3A_408 : memref<1x80x64xf32, #tpu.memory_space<vmem>> -> memref<80x64xf32, #tpu.memory_space<vmem>>
      %dma_wait3A_410 = arith.constant 0 : i32
      %dma_wait3A_411 = tpu.memref_slice %arg7[%add3A_404, %dma_wait3A_410] : memref<250x80xi32, #tpu.memory_space<vmem>> -> memref<1x80xi32, #tpu.memory_space<vmem>>
      %dma_wait3A_412 = tpu.memref_squeeze %dma_wait3A_411 : memref<1x80xi32, #tpu.memory_space<vmem>> -> memref<80xi32, #tpu.memory_space<vmem>>
      %dma_wait3A_413 = arith.constant 0 : i32
      %dma_wait3A_414 = arith.constant 0 : i32
      %dma_wait3A_415 = tpu.memref_slice %arg10[%dma_wait3A_413, %dma_wait3A_414] : memref<10240x64xf32, #tpu.memory_space<vmem_shared>> -> memref<10240x64xf32, #tpu.memory_space<vmem_shared>>
      tpu.wait_indirect_dma semaphore(%arg19 : memref<!tpu.dma_semaphore, #tpu.memory_space<semaphore_mem>>) src(%dma_wait3A_409 : memref<80x64xf32, #tpu.memory_space<vmem>>) dst(%dma_wait3A_415 : memref<10240x64xf32, #tpu.memory_space<vmem_shared>>)
      %lt3A_416 = arith.constant 49 : i32
      %lt3A_417 = arith.cmpi slt, %scan3A_229, %lt3A_416 : i32
      %convert_element_type3A_418 = arith.extui %lt3A_417 : i1 to i32
      %cond3A_419 = arith.constant 0 : i32
      %cond3A_420 = arith.cmpi ne, %convert_element_type3A_418, %cond3A_419 : i32
      scf.if %cond3A_420 {
        %add3A_439 = arith.constant 5 : i32
        %add3A_440 = arith.addi %mul3A_231, %add3A_439 : i32
        %add3A_441 = arith.constant 3 : i32
        %add3A_442 = arith.addi %add3A_440, %add3A_441 : i32
        %dma_start3A_443 = arith.constant 3 : i32
        %dma_start3A_444 = arith.constant 0 : i32
        %dma_start3A_445 = arith.constant 0 : i32
        %dma_start3A_446 = tpu.memref_slice %arg8[%dma_start3A_443, %dma_start3A_444, %dma_start3A_445] : memref<5x80x64xf32, #tpu.memory_space<vmem>> -> memref<1x80x64xf32, #tpu.memory_space<vmem>>
        %dma_start3A_447 = tpu.memref_squeeze %dma_start3A_446 : memref<1x80x64xf32, #tpu.memory_space<vmem>> -> memref<80x64xf32, #tpu.memory_space<vmem>>
        %dma_start3A_448 = arith.constant 0 : i32
        %dma_start3A_449 = tpu.memref_slice %arg6[%add3A_442, %dma_start3A_448] : memref<250x80xi32, #tpu.memory_space<vmem>> -> memref<1x80xi32, #tpu.memory_space<vmem>>
        %dma_start3A_450 = tpu.memref_squeeze %dma_start3A_449 : memref<1x80xi32, #tpu.memory_space<vmem>> -> memref<80xi32, #tpu.memory_space<vmem>>
        %dma_start3A_451 = arith.constant 0 : i32
        %dma_start3A_452 = arith.constant 0 : i32
        %dma_start3A_453 = tpu.memref_slice %arg2[%dma_start3A_451, %dma_start3A_452] : memref<20000x64xf32, #tpu.memory_space<hbm>> -> memref<20000x64xf32, #tpu.memory_space<hbm>>
        tpu.enqueue_indirect_dma source(%dma_start3A_453 : memref<20000x64xf32, #tpu.memory_space<hbm>>) target(%dma_start3A_447 : memref<80x64xf32, #tpu.memory_space<vmem>>) offsets(%dma_start3A_450 : memref<80xi32, #tpu.memory_space<vmem>>) semaphore(%arg14 : memref<!tpu.dma_semaphore, #tpu.memory_space<semaphore_mem>>)
      } else {
      }
      %add3A_421 = arith.constant 4 : i32
      %add3A_422 = arith.addi %mul3A_231, %add3A_421 : i32
      %dma_wait3A_423 = arith.constant 4 : i32
      %dma_wait3A_424 = arith.constant 0 : i32
      %dma_wait3A_425 = arith.constant 0 : i32
      %dma_wait3A_426 = tpu.memref_slice %arg8[%dma_wait3A_423, %dma_wait3A_424, %dma_wait3A_425] : memref<5x80x64xf32, #tpu.memory_space<vmem>> -> memref<1x80x64xf32, #tpu.memory_space<vmem>>
      %dma_wait3A_427 = tpu.memref_squeeze %dma_wait3A_426 : memref<1x80x64xf32, #tpu.memory_space<vmem>> -> memref<80x64xf32, #tpu.memory_space<vmem>>
      %dma_wait3A_428 = arith.constant 0 : i32
      %dma_wait3A_429 = tpu.memref_slice %arg7[%add3A_422, %dma_wait3A_428] : memref<250x80xi32, #tpu.memory_space<vmem>> -> memref<1x80xi32, #tpu.memory_space<vmem>>
      %dma_wait3A_430 = tpu.memref_squeeze %dma_wait3A_429 : memref<1x80xi32, #tpu.memory_space<vmem>> -> memref<80xi32, #tpu.memory_space<vmem>>
      %dma_wait3A_431 = arith.constant 0 : i32
      %dma_wait3A_432 = arith.constant 0 : i32
      %dma_wait3A_433 = tpu.memref_slice %arg10[%dma_wait3A_431, %dma_wait3A_432] : memref<10240x64xf32, #tpu.memory_space<vmem_shared>> -> memref<10240x64xf32, #tpu.memory_space<vmem_shared>>
      tpu.wait_indirect_dma semaphore(%arg20 : memref<!tpu.dma_semaphore, #tpu.memory_space<semaphore_mem>>) src(%dma_wait3A_427 : memref<80x64xf32, #tpu.memory_space<vmem>>) dst(%dma_wait3A_433 : memref<10240x64xf32, #tpu.memory_space<vmem_shared>>)
      %lt3A_434 = arith.constant 49 : i32
      %lt3A_435 = arith.cmpi slt, %scan3A_229, %lt3A_434 : i32
      %convert_element_type3A_436 = arith.extui %lt3A_435 : i1 to i32
      %cond3A_437 = arith.constant 0 : i32
      %cond3A_438 = arith.cmpi ne, %convert_element_type3A_436, %cond3A_437 : i32
      scf.if %cond3A_438 {
        %add3A_439 = arith.constant 5 : i32
        %add3A_440 = arith.addi %mul3A_231, %add3A_439 : i32
        %add3A_441 = arith.constant 4 : i32
        %add3A_442 = arith.addi %add3A_440, %add3A_441 : i32
        %dma_start3A_443 = arith.constant 4 : i32
        %dma_start3A_444 = arith.constant 0 : i32
        %dma_start3A_445 = arith.constant 0 : i32
        %dma_start3A_446 = tpu.memref_slice %arg8[%dma_start3A_443, %dma_start3A_444, %dma_start3A_445] : memref<5x80x64xf32, #tpu.memory_space<vmem>> -> memref<1x80x64xf32, #tpu.memory_space<vmem>>
        %dma_start3A_447 = tpu.memref_squeeze %dma_start3A_446 : memref<1x80x64xf32, #tpu.memory_space<vmem>> -> memref<80x64xf32, #tpu.memory_space<vmem>>
        %dma_start3A_448 = arith.constant 0 : i32
        %dma_start3A_449 = tpu.memref_slice %arg6[%add3A_442, %dma_start3A_448] : memref<250x80xi32, #tpu.memory_space<vmem>> -> memref<1x80xi32, #tpu.memory_space<vmem>>
        %dma_start3A_450 = tpu.memref_squeeze %dma_start3A_449 : memref<1x80xi32, #tpu.memory_space<vmem>> -> memref<80xi32, #tpu.memory_space<vmem>>
        %dma_start3A_451 = arith.constant 0 : i32
        %dma_start3A_452 = arith.constant 0 : i32
        %dma_start3A_453 = tpu.memref_slice %arg2[%dma_start3A_451, %dma_start3A_452] : memref<20000x64xf32, #tpu.memory_space<hbm>> -> memref<20000x64xf32, #tpu.memory_space<hbm>>
        tpu.enqueue_indirect_dma source(%dma_start3A_453 : memref<20000x64xf32, #tpu.memory_space<hbm>>) target(%dma_start3A_447 : memref<80x64xf32, #tpu.memory_space<vmem>>) offsets(%dma_start3A_450 : memref<80xi32, #tpu.memory_space<vmem>>) semaphore(%arg15 : memref<!tpu.dma_semaphore, #tpu.memory_space<semaphore_mem>>)
      } else {
      }
    }
    %scan3A_223 = arith.constant 50 : i32
    %barrier3A_224 = arith.constant 0 : index
    tpu.barrier barrier_id(%barrier3A_224)
    %mul3A_225 = arith.constant 640 : i32
    %mul3A_226 = arith.muli %arg1, %mul3A_225 : i32
    %mul3A_227 = arith.constant 64 : i32
    %mul3A_228 = arith.muli %arg0, %mul3A_227 : i32
    "tpu.region"() ({
      %run_scoped3A = tpu.sem_alloc : memref<!tpu.dma_semaphore, #tpu.memory_space<semaphore_mem>>
      %dma_start3A_229 = tpu.memref_slice %arg5[%mul3A_226, %mul3A_228] : memref<10240x128xf32, #tpu.memory_space<hbm>> -> memref<640x64xf32, #tpu.memory_space<hbm>>
      %dma_start3A_230 = arith.constant 0 : i32
      %dma_start3A_231 = tpu.memref_slice %arg10[%mul3A_226, %dma_start3A_230] : memref<10240x64xf32, #tpu.memory_space<vmem_shared>> -> memref<640x64xf32, #tpu.memory_space<vmem_shared>>
      tpu.enqueue_dma source(%dma_start3A_231 : memref<640x64xf32, #tpu.memory_space<vmem_shared>>) target(%dma_start3A_229 : memref<640x64xf32, #tpu.memory_space<hbm>>) target_semaphore(%run_scoped3A : memref<!tpu.dma_semaphore, #tpu.memory_space<semaphore_mem>>)
      %dma_wait3A_232 = tpu.memref_slice %arg5[%mul3A_226, %mul3A_228] : memref<10240x128xf32, #tpu.memory_space<hbm>> -> memref<640x64xf32, #tpu.memory_space<hbm>>
      %dma_wait3A_233 = arith.constant 0 : i32
      %dma_wait3A_234 = tpu.memref_slice %arg10[%mul3A_226, %dma_wait3A_233] : memref<10240x64xf32, #tpu.memory_space<vmem_shared>> -> memref<640x64xf32, #tpu.memory_space<vmem_shared>>
      tpu.wait_dma2 semaphore(%run_scoped3A : memref<!tpu.dma_semaphore, #tpu.memory_space<semaphore_mem>>) src(%dma_wait3A_234 : memref<640x64xf32, #tpu.memory_space<vmem_shared>>) dst(%dma_wait3A_232 : memref<640x64xf32, #tpu.memory_space<hbm>>)
      tpu.yield
    }) : () -> ()
    return
  }
}

#map = affine_map<(d0, d1) -> (0, 0, 0, 0)>
#map1 = affine_map<(d0, d1) -> (0)>
#map2 = affine_map<(d0, d1) -> (0, 0)>
module attributes {stable_mosaic.version = 14 : i64} {
  func.func @deg_kernel(%arg0: i32, %arg1: i32, %arg2: memref<2x16x250x80xi32, #tpu.memory_space<hbm>>, %arg3: memref<80xf32, #tpu.memory_space<hbm>>, %arg4: memref<640xf32, #tpu.memory_space<hbm>>, %arg5: memref<2x10240xf32, #tpu.memory_space<hbm>>, %arg6: memref<125x80xi32, #tpu.memory_space<vmem>>, %arg7: memref<80xf32, #tpu.memory_space<vmem>>, %arg8: memref<10240xf32, #tpu.memory_space<vmem_shared>>, %arg9: memref<!tpu.dma_semaphore, #tpu.memory_space<semaphore_mem>>) attributes {dimension_semantics = [#tpu.dimension_semantics<core_parallel>, #tpu.dimension_semantics<subcore_parallel>], iteration_bounds = array<i64: 2, 16>, scalar_prefetch = 0 : i64, scratch_operands = 4 : i64, tpu.core_type = #tpu.core_type<sc_vector_subcore>, window_params = [{transform_indices = #map}, {transform_indices = #map1}, {transform_indices = #map1}, {transform_indices = #map2}]} {
    %mul3A = arith.constant 125 : i32
    %mul3A_0 = arith.muli %arg0, %mul3A : i32
    %run_scoped3A = arith.constant 1 : i32
    "tpu.region"() ({
      %run_scoped3A_15 = tpu.sem_alloc : memref<!tpu.dma_semaphore, #tpu.memory_space<semaphore_mem>>
      %dma_start3A = arith.constant 0 : i32
      %dma_start3A_16 = arith.constant 0 : i32
      %dma_start3A_17 = arith.constant 0 : i32
      %dma_start3A_18 = tpu.memref_slice %arg2[%run_scoped3A, %dma_start3A, %dma_start3A_16, %dma_start3A_17] : memref<2x16x250x80xi32, #tpu.memory_space<hbm>> -> memref<1x16x250x80xi32, #tpu.memory_space<hbm>>
      %dma_start3A_19 = tpu.memref_squeeze %dma_start3A_18 : memref<1x16x250x80xi32, #tpu.memory_space<hbm>> -> memref<16x250x80xi32, #tpu.memory_space<hbm>>
      %dma_start3A_20 = arith.constant 0 : i32
      %dma_start3A_21 = arith.constant 0 : i32
      %dma_start3A_22 = tpu.memref_slice %dma_start3A_19[%arg1, %dma_start3A_20, %dma_start3A_21] : memref<16x250x80xi32, #tpu.memory_space<hbm>> -> memref<1x250x80xi32, #tpu.memory_space<hbm>>
      %dma_start3A_23 = tpu.memref_squeeze %dma_start3A_22 : memref<1x250x80xi32, #tpu.memory_space<hbm>> -> memref<250x80xi32, #tpu.memory_space<hbm>>
      %dma_start3A_24 = arith.constant 0 : i32
      %dma_start3A_25 = tpu.memref_slice %dma_start3A_23[%mul3A_0, %dma_start3A_24] : memref<250x80xi32, #tpu.memory_space<hbm>> -> memref<125x80xi32, #tpu.memory_space<hbm>>
      %dma_start3A_26 = arith.constant 0 : i32
      %dma_start3A_27 = arith.constant 0 : i32
      %dma_start3A_28 = arith.constant 0 : i32
      %dma_start3A_29 = tpu.memref_slice %arg2[%run_scoped3A, %dma_start3A_26, %dma_start3A_27, %dma_start3A_28] : memref<2x16x250x80xi32, #tpu.memory_space<hbm>> -> memref<1x16x250x80xi32, #tpu.memory_space<hbm>>
      %dma_start3A_30 = tpu.memref_squeeze %dma_start3A_29 : memref<1x16x250x80xi32, #tpu.memory_space<hbm>> -> memref<16x250x80xi32, #tpu.memory_space<hbm>>
      %dma_start3A_31 = arith.constant 0 : i32
      %dma_start3A_32 = arith.constant 0 : i32
      %dma_start3A_33 = tpu.memref_slice %dma_start3A_30[%arg1, %dma_start3A_31, %dma_start3A_32] : memref<16x250x80xi32, #tpu.memory_space<hbm>> -> memref<1x250x80xi32, #tpu.memory_space<hbm>>
      %dma_start3A_34 = tpu.memref_squeeze %dma_start3A_33 : memref<1x250x80xi32, #tpu.memory_space<hbm>> -> memref<250x80xi32, #tpu.memory_space<hbm>>
      %dma_start3A_35 = arith.constant 0 : i32
      %dma_start3A_36 = tpu.memref_slice %dma_start3A_34[%mul3A_0, %dma_start3A_35] : memref<250x80xi32, #tpu.memory_space<hbm>> -> memref<125x80xi32, #tpu.memory_space<hbm>>
      tpu.enqueue_dma source(%dma_start3A_36 : memref<125x80xi32, #tpu.memory_space<hbm>>) target(%arg6 : memref<125x80xi32, #tpu.memory_space<vmem>>) target_semaphore(%run_scoped3A_15 : memref<!tpu.dma_semaphore, #tpu.memory_space<semaphore_mem>>)
      %dma_wait3A = arith.constant 0 : i32
      %dma_wait3A_37 = arith.constant 0 : i32
      %dma_wait3A_38 = arith.constant 0 : i32
      %dma_wait3A_39 = tpu.memref_slice %arg2[%run_scoped3A, %dma_wait3A, %dma_wait3A_37, %dma_wait3A_38] : memref<2x16x250x80xi32, #tpu.memory_space<hbm>> -> memref<1x16x250x80xi32, #tpu.memory_space<hbm>>
      %dma_wait3A_40 = tpu.memref_squeeze %dma_wait3A_39 : memref<1x16x250x80xi32, #tpu.memory_space<hbm>> -> memref<16x250x80xi32, #tpu.memory_space<hbm>>
      %dma_wait3A_41 = arith.constant 0 : i32
      %dma_wait3A_42 = arith.constant 0 : i32
      %dma_wait3A_43 = tpu.memref_slice %dma_wait3A_40[%arg1, %dma_wait3A_41, %dma_wait3A_42] : memref<16x250x80xi32, #tpu.memory_space<hbm>> -> memref<1x250x80xi32, #tpu.memory_space<hbm>>
      %dma_wait3A_44 = tpu.memref_squeeze %dma_wait3A_43 : memref<1x250x80xi32, #tpu.memory_space<hbm>> -> memref<250x80xi32, #tpu.memory_space<hbm>>
      %dma_wait3A_45 = arith.constant 0 : i32
      %dma_wait3A_46 = tpu.memref_slice %dma_wait3A_44[%mul3A_0, %dma_wait3A_45] : memref<250x80xi32, #tpu.memory_space<hbm>> -> memref<125x80xi32, #tpu.memory_space<hbm>>
      %dma_wait3A_47 = arith.constant 0 : i32
      %dma_wait3A_48 = arith.constant 0 : i32
      %dma_wait3A_49 = arith.constant 0 : i32
      %dma_wait3A_50 = tpu.memref_slice %arg2[%run_scoped3A, %dma_wait3A_47, %dma_wait3A_48, %dma_wait3A_49] : memref<2x16x250x80xi32, #tpu.memory_space<hbm>> -> memref<1x16x250x80xi32, #tpu.memory_space<hbm>>
      %dma_wait3A_51 = tpu.memref_squeeze %dma_wait3A_50 : memref<1x16x250x80xi32, #tpu.memory_space<hbm>> -> memref<16x250x80xi32, #tpu.memory_space<hbm>>
      %dma_wait3A_52 = arith.constant 0 : i32
      %dma_wait3A_53 = arith.constant 0 : i32
      %dma_wait3A_54 = tpu.memref_slice %dma_wait3A_51[%arg1, %dma_wait3A_52, %dma_wait3A_53] : memref<16x250x80xi32, #tpu.memory_space<hbm>> -> memref<1x250x80xi32, #tpu.memory_space<hbm>>
      %dma_wait3A_55 = tpu.memref_squeeze %dma_wait3A_54 : memref<1x250x80xi32, #tpu.memory_space<hbm>> -> memref<250x80xi32, #tpu.memory_space<hbm>>
      %dma_wait3A_56 = arith.constant 0 : i32
      %dma_wait3A_57 = tpu.memref_slice %dma_wait3A_55[%mul3A_0, %dma_wait3A_56] : memref<250x80xi32, #tpu.memory_space<hbm>> -> memref<125x80xi32, #tpu.memory_space<hbm>>
      tpu.wait_dma2 semaphore(%run_scoped3A_15 : memref<!tpu.dma_semaphore, #tpu.memory_space<semaphore_mem>>) src(%dma_wait3A_57 : memref<125x80xi32, #tpu.memory_space<hbm>>) dst(%arg6 : memref<125x80xi32, #tpu.memory_space<vmem>>)
      tpu.yield
    }) : () -> ()
    "tpu.region"() ({
      %run_scoped3A_15 = tpu.sem_alloc : memref<!tpu.dma_semaphore, #tpu.memory_space<semaphore_mem>>
      tpu.enqueue_dma source(%arg3 : memref<80xf32, #tpu.memory_space<hbm>>) target(%arg7 : memref<80xf32, #tpu.memory_space<vmem>>) target_semaphore(%run_scoped3A_15 : memref<!tpu.dma_semaphore, #tpu.memory_space<semaphore_mem>>)
      tpu.wait_dma2 semaphore(%run_scoped3A_15 : memref<!tpu.dma_semaphore, #tpu.memory_space<semaphore_mem>>) src(%arg3 : memref<80xf32, #tpu.memory_space<hbm>>) dst(%arg7 : memref<80xf32, #tpu.memory_space<vmem>>)
      tpu.yield
    }) : () -> ()
    %mul3A_1 = arith.constant 640 : i32
    %mul3A_2 = arith.muli %arg1, %mul3A_1 : i32
    "tpu.region"() ({
      %run_scoped3A_15 = tpu.sem_alloc : memref<!tpu.dma_semaphore, #tpu.memory_space<semaphore_mem>>
      %dma_start3A = tpu.memref_slice %arg8[%mul3A_2] : memref<10240xf32, #tpu.memory_space<vmem_shared>> -> memref<640xf32, #tpu.memory_space<vmem_shared>>
      tpu.enqueue_dma source(%arg4 : memref<640xf32, #tpu.memory_space<hbm>>) target(%dma_start3A : memref<640xf32, #tpu.memory_space<vmem_shared>>) target_semaphore(%run_scoped3A_15 : memref<!tpu.dma_semaphore, #tpu.memory_space<semaphore_mem>>)
      %dma_wait3A = tpu.memref_slice %arg8[%mul3A_2] : memref<10240xf32, #tpu.memory_space<vmem_shared>> -> memref<640xf32, #tpu.memory_space<vmem_shared>>
      tpu.wait_dma2 semaphore(%run_scoped3A_15 : memref<!tpu.dma_semaphore, #tpu.memory_space<semaphore_mem>>) src(%arg4 : memref<640xf32, #tpu.memory_space<hbm>>) dst(%dma_wait3A : memref<640xf32, #tpu.memory_space<vmem_shared>>)
      tpu.yield
    }) : () -> ()
    %barrier3A = arith.constant 0 : index
    tpu.barrier barrier_id(%barrier3A)
    %scan3A = arith.constant 0 : i32
    %scan3A_3 = arith.constant 0 : i32
    %scan3A_4 = arith.constant 125 : i32
    %scan3A_5 = arith.addi %scan3A_3, %scan3A_4 : i32
    %scan3A_6 = arith.constant 1 : i32
    scf.for %scan3A_15 = %scan3A_3 to %scan3A_5 step %scan3A_6  : i32 {
      %dma_start3A = arith.constant 0 : i32
      %dma_start3A_16 = tpu.memref_slice %arg6[%scan3A_15, %dma_start3A] : memref<125x80xi32, #tpu.memory_space<vmem>> -> memref<1x80xi32, #tpu.memory_space<vmem>>
      %dma_start3A_17 = tpu.memref_squeeze %dma_start3A_16 : memref<1x80xi32, #tpu.memory_space<vmem>> -> memref<80xi32, #tpu.memory_space<vmem>>
      %dma_start3A_18 = arith.constant 0 : i32
      %dma_start3A_19 = tpu.memref_slice %arg8[%dma_start3A_18] : memref<10240xf32, #tpu.memory_space<vmem_shared>> -> memref<10240xf32, #tpu.memory_space<vmem_shared>>
      tpu.enqueue_indirect_dma source(%arg7 : memref<80xf32, #tpu.memory_space<vmem>>) target(%dma_start3A_19 : memref<10240xf32, #tpu.memory_space<vmem_shared>>) offsets(%dma_start3A_17 : memref<80xi32, #tpu.memory_space<vmem>>) semaphore(%arg9 : memref<!tpu.dma_semaphore, #tpu.memory_space<semaphore_mem>>) {add = true}
    }
    %scan3A_7 = arith.constant 125 : i32
    %scan3A_8 = arith.constant 0 : i32
    %scan3A_9 = arith.constant 0 : i32
    %scan3A_10 = arith.constant 125 : i32
    %scan3A_11 = arith.addi %scan3A_9, %scan3A_10 : i32
    %scan3A_12 = arith.constant 1 : i32
    scf.for %scan3A_15 = %scan3A_9 to %scan3A_11 step %scan3A_12  : i32 {
      %dma_wait3A = arith.constant 0 : i32
      %dma_wait3A_16 = arith.constant 0 : i32
      %dma_wait3A_17 = tpu.memref_slice %arg6[%dma_wait3A, %dma_wait3A_16] : memref<125x80xi32, #tpu.memory_space<vmem>> -> memref<1x80xi32, #tpu.memory_space<vmem>>
      %dma_wait3A_18 = tpu.memref_squeeze %dma_wait3A_17 : memref<1x80xi32, #tpu.memory_space<vmem>> -> memref<80xi32, #tpu.memory_space<vmem>>
      %dma_wait3A_19 = arith.constant 0 : i32
      %dma_wait3A_20 = tpu.memref_slice %arg8[%dma_wait3A_19] : memref<10240xf32, #tpu.memory_space<vmem_shared>> -> memref<10240xf32, #tpu.memory_space<vmem_shared>>
      tpu.wait_indirect_dma semaphore(%arg9 : memref<!tpu.dma_semaphore, #tpu.memory_space<semaphore_mem>>) src(%arg7 : memref<80xf32, #tpu.memory_space<vmem>>) dst(%dma_wait3A_20 : memref<10240xf32, #tpu.memory_space<vmem_shared>>)
    }
    %scan3A_13 = arith.constant 125 : i32
    %barrier3A_14 = arith.constant 0 : index
    tpu.barrier barrier_id(%barrier3A_14)
    "tpu.region"() ({
      %run_scoped3A_15 = tpu.sem_alloc : memref<!tpu.dma_semaphore, #tpu.memory_space<semaphore_mem>>
      %dma_start3A = arith.constant 0 : i32
      %dma_start3A_16 = tpu.memref_slice %arg5[%arg0, %dma_start3A] : memref<2x10240xf32, #tpu.memory_space<hbm>> -> memref<1x10240xf32, #tpu.memory_space<hbm>>
      %dma_start3A_17 = tpu.memref_squeeze %dma_start3A_16 : memref<1x10240xf32, #tpu.memory_space<hbm>> -> memref<10240xf32, #tpu.memory_space<hbm>>
      %dma_start3A_18 = tpu.memref_slice %dma_start3A_17[%mul3A_2] : memref<10240xf32, #tpu.memory_space<hbm>> -> memref<640xf32, #tpu.memory_space<hbm>>
      %dma_start3A_19 = tpu.memref_slice %arg8[%mul3A_2] : memref<10240xf32, #tpu.memory_space<vmem_shared>> -> memref<640xf32, #tpu.memory_space<vmem_shared>>
      tpu.enqueue_dma source(%dma_start3A_19 : memref<640xf32, #tpu.memory_space<vmem_shared>>) target(%dma_start3A_18 : memref<640xf32, #tpu.memory_space<hbm>>) target_semaphore(%run_scoped3A_15 : memref<!tpu.dma_semaphore, #tpu.memory_space<semaphore_mem>>)
      %dma_wait3A = arith.constant 0 : i32
      %dma_wait3A_20 = tpu.memref_slice %arg5[%arg0, %dma_wait3A] : memref<2x10240xf32, #tpu.memory_space<hbm>> -> memref<1x10240xf32, #tpu.memory_space<hbm>>
      %dma_wait3A_21 = tpu.memref_squeeze %dma_wait3A_20 : memref<1x10240xf32, #tpu.memory_space<hbm>> -> memref<10240xf32, #tpu.memory_space<hbm>>
      %dma_wait3A_22 = tpu.memref_slice %dma_wait3A_21[%mul3A_2] : memref<10240xf32, #tpu.memory_space<hbm>> -> memref<640xf32, #tpu.memory_space<hbm>>
      %dma_wait3A_23 = tpu.memref_slice %arg8[%mul3A_2] : memref<10240xf32, #tpu.memory_space<vmem_shared>> -> memref<640xf32, #tpu.memory_space<vmem_shared>>
      tpu.wait_dma2 semaphore(%run_scoped3A_15 : memref<!tpu.dma_semaphore, #tpu.memory_space<semaphore_mem>>) src(%dma_wait3A_23 : memref<640xf32, #tpu.memory_space<vmem_shared>>) dst(%dma_wait3A_22 : memref<640xf32, #tpu.memory_space<hbm>>)
      tpu.yield
    }) : () -> ()
    return
  }
}

#map = affine_map<(d0, d1) -> (0, 0)>
#map1 = affine_map<(d0, d1) -> (0, 0, 0, 0)>
module attributes {stable_mosaic.version = 14 : i64} {
  func.func @agg_kernel(%arg0: i32, %arg1: i32, %arg2: memref<20000x64xf32, #tpu.memory_space<hbm>>, %arg3: memref<2x16x250x80xi32, #tpu.memory_space<hbm>>, %arg4: memref<128x64xf32, #tpu.memory_space<hbm>>, %arg5: memref<10240x128xf32, #tpu.memory_space<hbm>>, %arg6: memref<250x80xi32, #tpu.memory_space<vmem>>, %arg7: memref<250x80xi32, #tpu.memory_space<vmem>>, %arg8: memref<5x80x64xf32, #tpu.memory_space<vmem>>, %arg9: memref<128x64xf32, #tpu.memory_space<vmem>>, %arg10: memref<10240x64xf32, #tpu.memory_space<vmem_shared>>, %arg11: memref<!tpu.dma_semaphore, #tpu.memory_space<semaphore_mem>>, %arg12: memref<!tpu.dma_semaphore, #tpu.memory_space<semaphore_mem>>, %arg13: memref<!tpu.dma_semaphore, #tpu.memory_space<semaphore_mem>>, %arg14: memref<!tpu.dma_semaphore, #tpu.memory_space<semaphore_mem>>, %arg15: memref<!tpu.dma_semaphore, #tpu.memory_space<semaphore_mem>>, %arg16: memref<!tpu.dma_semaphore, #tpu.memory_space<semaphore_mem>>, %arg17: memref<!tpu.dma_semaphore, #tpu.memory_space<semaphore_mem>>, %arg18: memref<!tpu.dma_semaphore, #tpu.memory_space<semaphore_mem>>, %arg19: memref<!tpu.dma_semaphore, #tpu.memory_space<semaphore_mem>>, %arg20: memref<!tpu.dma_semaphore, #tpu.memory_space<semaphore_mem>>) attributes {dimension_semantics = [#tpu.dimension_semantics<core_parallel>, #tpu.dimension_semantics<subcore_parallel>], iteration_bounds = array<i64: 2, 16>, scalar_prefetch = 0 : i64, scratch_operands = 15 : i64, tpu.core_type = #tpu.core_type<sc_vector_subcore>, window_params = [{transform_indices = #map}, {transform_indices = #map1}, {transform_indices = #map}, {transform_indices = #map}]} {
    %dma_start3A = arith.constant 0 : i32
    %dma_start3A_0 = arith.constant 0 : i32
    %dma_start3A_1 = arith.constant 0 : i32
    %dma_start3A_2 = arith.constant 0 : i32
    %dma_start3A_3 = tpu.memref_slice %arg3[%dma_start3A, %dma_start3A_0, %dma_start3A_1, %dma_start3A_2] : memref<2x16x250x80xi32, #tpu.memory_space<hbm>> -> memref<1x16x250x80xi32, #tpu.memory_space<hbm>>
    %dma_start3A_4 = tpu.memref_squeeze %dma_start3A_3 : memref<1x16x250x80xi32, #tpu.memory_space<hbm>> -> memref<16x250x80xi32, #tpu.memory_space<hbm>>
    %dma_start3A_5 = arith.constant 0 : i32
    %dma_start3A_6 = arith.constant 0 : i32
    %dma_start3A_7 = tpu.memref_slice %dma_start3A_4[%arg1, %dma_start3A_5, %dma_start3A_6] : memref<16x250x80xi32, #tpu.memory_space<hbm>> -> memref<1x250x80xi32, #tpu.memory_space<hbm>>
    %dma_start3A_8 = tpu.memref_squeeze %dma_start3A_7 : memref<1x250x80xi32, #tpu.memory_space<hbm>> -> memref<250x80xi32, #tpu.memory_space<hbm>>
    %dma_start3A_9 = arith.constant 0 : i32
    %dma_start3A_10 = arith.constant 0 : i32
    %dma_start3A_11 = arith.constant 0 : i32
    %dma_start3A_12 = tpu.memref_slice %arg3[%dma_start3A, %dma_start3A_9, %dma_start3A_10, %dma_start3A_11] : memref<2x16x250x80xi32, #tpu.memory_space<hbm>> -> memref<1x16x250x80xi32, #tpu.memory_space<hbm>>
    %dma_start3A_13 = tpu.memref_squeeze %dma_start3A_12 : memref<1x16x250x80xi32, #tpu.memory_space<hbm>> -> memref<16x250x80xi32, #tpu.memory_space<hbm>>
    %dma_start3A_14 = arith.constant 0 : i32
    %dma_start3A_15 = arith.constant 0 : i32
    %dma_start3A_16 = tpu.memref_slice %dma_start3A_13[%arg1, %dma_start3A_14, %dma_start3A_15] : memref<16x250x80xi32, #tpu.memory_space<hbm>> -> memref<1x250x80xi32, #tpu.memory_space<hbm>>
    %dma_start3A_17 = tpu.memref_squeeze %dma_start3A_16 : memref<1x250x80xi32, #tpu.memory_space<hbm>> -> memref<250x80xi32, #tpu.memory_space<hbm>>
    tpu.enqueue_dma source(%dma_start3A_17 : memref<250x80xi32, #tpu.memory_space<hbm>>) target(%arg6 : memref<250x80xi32, #tpu.memory_space<vmem>>) target_semaphore(%arg11 : memref<!tpu.dma_semaphore, #tpu.memory_space<semaphore_mem>>)
    %dma_start3A_18 = arith.constant 1 : i32
    %dma_start3A_19 = arith.constant 0 : i32
    %dma_start3A_20 = arith.constant 0 : i32
    %dma_start3A_21 = arith.constant 0 : i32
    %dma_start3A_22 = tpu.memref_slice %arg3[%dma_start3A_18, %dma_start3A_19, %dma_start3A_20, %dma_start3A_21] : memref<2x16x250x80xi32, #tpu.memory_space<hbm>> -> memref<1x16x250x80xi32, #tpu.memory_space<hbm>>
    %dma_start3A_23 = tpu.memref_squeeze %dma_start3A_22 : memref<1x16x250x80xi32, #tpu.memory_space<hbm>> -> memref<16x250x80xi32, #tpu.memory_space<hbm>>
    %dma_start3A_24 = arith.constant 0 : i32
    %dma_start3A_25 = arith.constant 0 : i32
    %dma_start3A_26 = tpu.memref_slice %dma_start3A_23[%arg1, %dma_start3A_24, %dma_start3A_25] : memref<16x250x80xi32, #tpu.memory_space<hbm>> -> memref<1x250x80xi32, #tpu.memory_space<hbm>>
    %dma_start3A_27 = tpu.memref_squeeze %dma_start3A_26 : memref<1x250x80xi32, #tpu.memory_space<hbm>> -> memref<250x80xi32, #tpu.memory_space<hbm>>
    %dma_start3A_28 = arith.constant 0 : i32
    %dma_start3A_29 = arith.constant 0 : i32
    %dma_start3A_30 = arith.constant 0 : i32
    %dma_start3A_31 = tpu.memref_slice %arg3[%dma_start3A_18, %dma_start3A_28, %dma_start3A_29, %dma_start3A_30] : memref<2x16x250x80xi32, #tpu.memory_space<hbm>> -> memref<1x16x250x80xi32, #tpu.memory_space<hbm>>
    %dma_start3A_32 = tpu.memref_squeeze %dma_start3A_31 : memref<1x16x250x80xi32, #tpu.memory_space<hbm>> -> memref<16x250x80xi32, #tpu.memory_space<hbm>>
    %dma_start3A_33 = arith.constant 0 : i32
    %dma_start3A_34 = arith.constant 0 : i32
    %dma_start3A_35 = tpu.memref_slice %dma_start3A_32[%arg1, %dma_start3A_33, %dma_start3A_34] : memref<16x250x80xi32, #tpu.memory_space<hbm>> -> memref<1x250x80xi32, #tpu.memory_space<hbm>>
    %dma_start3A_36 = tpu.memref_squeeze %dma_start3A_35 : memref<1x250x80xi32, #tpu.memory_space<hbm>> -> memref<250x80xi32, #tpu.memory_space<hbm>>
    tpu.enqueue_dma source(%dma_start3A_36 : memref<250x80xi32, #tpu.memory_space<hbm>>) target(%arg7 : memref<250x80xi32, #tpu.memory_space<vmem>>) target_semaphore(%arg12 : memref<!tpu.dma_semaphore, #tpu.memory_space<semaphore_mem>>)
    tpu.enqueue_dma source(%arg4 : memref<128x64xf32, #tpu.memory_space<hbm>>) target(%arg9 : memref<128x64xf32, #tpu.memory_space<vmem>>) target_semaphore(%arg13 : memref<!tpu.dma_semaphore, #tpu.memory_space<semaphore_mem>>)
    tpu.wait_dma2 semaphore(%arg13 : memref<!tpu.dma_semaphore, #tpu.memory_space<semaphore_mem>>) src(%arg4 : memref<128x64xf32, #tpu.memory_space<hbm>>) dst(%arg9 : memref<128x64xf32, #tpu.memory_space<vmem>>)
    %mul3A = arith.constant 640 : i32
    %mul3A_37 = arith.muli %arg1, %mul3A : i32
    %add3A = arith.constant 0 : i32
    %add3A_38 = arith.addi %mul3A_37, %add3A : i32
    %dma_start3A_39 = arith.constant 0 : i32
    %dma_start3A_40 = tpu.memref_slice %arg10[%add3A_38, %dma_start3A_39] : memref<10240x64xf32, #tpu.memory_space<vmem_shared>> -> memref<128x64xf32, #tpu.memory_space<vmem_shared>>
    %dma_start3A_41 = arith.constant 0 : i32
    %dma_start3A_42 = tpu.memref_slice %arg10[%add3A_38, %dma_start3A_41] : memref<10240x64xf32, #tpu.memory_space<vmem_shared>> -> memref<128x64xf32, #tpu.memory_space<vmem_shared>>
    tpu.enqueue_dma source(%arg9 : memref<128x64xf32, #tpu.memory_space<vmem>>) target(%dma_start3A_42 : memref<128x64xf32, #tpu.memory_space<vmem_shared>>) target_semaphore(%arg16 : memref<!tpu.dma_semaphore, #tpu.memory_space<semaphore_mem>>)
    %mul3A_43 = arith.constant 640 : i32
    %mul3A_44 = arith.muli %arg1, %mul3A_43 : i32
    %add3A_45 = arith.constant 128 : i32
    %add3A_46 = arith.addi %mul3A_44, %add3A_45 : i32
    %dma_start3A_47 = arith.constant 0 : i32
    %dma_start3A_48 = tpu.memref_slice %arg10[%add3A_46, %dma_start3A_47] : memref<10240x64xf32, #tpu.memory_space<vmem_shared>> -> memref<128x64xf32, #tpu.memory_space<vmem_shared>>
    %dma_start3A_49 = arith.constant 0 : i32
    %dma_start3A_50 = tpu.memref_slice %arg10[%add3A_46, %dma_start3A_49] : memref<10240x64xf32, #tpu.memory_space<vmem_shared>> -> memref<128x64xf32, #tpu.memory_space<vmem_shared>>
    tpu.enqueue_dma source(%arg9 : memref<128x64xf32, #tpu.memory_space<vmem>>) target(%dma_start3A_50 : memref<128x64xf32, #tpu.memory_space<vmem_shared>>) target_semaphore(%arg17 : memref<!tpu.dma_semaphore, #tpu.memory_space<semaphore_mem>>)
    %mul3A_51 = arith.constant 640 : i32
    %mul3A_52 = arith.muli %arg1, %mul3A_51 : i32
    %add3A_53 = arith.constant 256 : i32
    %add3A_54 = arith.addi %mul3A_52, %add3A_53 : i32
    %dma_start3A_55 = arith.constant 0 : i32
    %dma_start3A_56 = tpu.memref_slice %arg10[%add3A_54, %dma_start3A_55] : memref<10240x64xf32, #tpu.memory_space<vmem_shared>> -> memref<128x64xf32, #tpu.memory_space<vmem_shared>>
    %dma_start3A_57 = arith.constant 0 : i32
    %dma_start3A_58 = tpu.memref_slice %arg10[%add3A_54, %dma_start3A_57] : memref<10240x64xf32, #tpu.memory_space<vmem_shared>> -> memref<128x64xf32, #tpu.memory_space<vmem_shared>>
    tpu.enqueue_dma source(%arg9 : memref<128x64xf32, #tpu.memory_space<vmem>>) target(%dma_start3A_58 : memref<128x64xf32, #tpu.memory_space<vmem_shared>>) target_semaphore(%arg18 : memref<!tpu.dma_semaphore, #tpu.memory_space<semaphore_mem>>)
    %mul3A_59 = arith.constant 640 : i32
    %mul3A_60 = arith.muli %arg1, %mul3A_59 : i32
    %add3A_61 = arith.constant 384 : i32
    %add3A_62 = arith.addi %mul3A_60, %add3A_61 : i32
    %dma_start3A_63 = arith.constant 0 : i32
    %dma_start3A_64 = tpu.memref_slice %arg10[%add3A_62, %dma_start3A_63] : memref<10240x64xf32, #tpu.memory_space<vmem_shared>> -> memref<128x64xf32, #tpu.memory_space<vmem_shared>>
    %dma_start3A_65 = arith.constant 0 : i32
    %dma_start3A_66 = tpu.memref_slice %arg10[%add3A_62, %dma_start3A_65] : memref<10240x64xf32, #tpu.memory_space<vmem_shared>> -> memref<128x64xf32, #tpu.memory_space<vmem_shared>>
    tpu.enqueue_dma source(%arg9 : memref<128x64xf32, #tpu.memory_space<vmem>>) target(%dma_start3A_66 : memref<128x64xf32, #tpu.memory_space<vmem_shared>>) target_semaphore(%arg19 : memref<!tpu.dma_semaphore, #tpu.memory_space<semaphore_mem>>)
    %mul3A_67 = arith.constant 640 : i32
    %mul3A_68 = arith.muli %arg1, %mul3A_67 : i32
    %add3A_69 = arith.constant 512 : i32
    %add3A_70 = arith.addi %mul3A_68, %add3A_69 : i32
    %dma_start3A_71 = arith.constant 0 : i32
    %dma_start3A_72 = tpu.memref_slice %arg10[%add3A_70, %dma_start3A_71] : memref<10240x64xf32, #tpu.memory_space<vmem_shared>> -> memref<128x64xf32, #tpu.memory_space<vmem_shared>>
    %dma_start3A_73 = arith.constant 0 : i32
    %dma_start3A_74 = tpu.memref_slice %arg10[%add3A_70, %dma_start3A_73] : memref<10240x64xf32, #tpu.memory_space<vmem_shared>> -> memref<128x64xf32, #tpu.memory_space<vmem_shared>>
    tpu.enqueue_dma source(%arg9 : memref<128x64xf32, #tpu.memory_space<vmem>>) target(%dma_start3A_74 : memref<128x64xf32, #tpu.memory_space<vmem_shared>>) target_semaphore(%arg20 : memref<!tpu.dma_semaphore, #tpu.memory_space<semaphore_mem>>)
    %dma_wait3A = arith.constant 0 : i32
    %dma_wait3A_75 = arith.constant 0 : i32
    %dma_wait3A_76 = arith.constant 0 : i32
    %dma_wait3A_77 = arith.constant 0 : i32
    %dma_wait3A_78 = tpu.memref_slice %arg3[%dma_wait3A, %dma_wait3A_75, %dma_wait3A_76, %dma_wait3A_77] : memref<2x16x250x80xi32, #tpu.memory_space<hbm>> -> memref<1x16x250x80xi32, #tpu.memory_space<hbm>>
    %dma_wait3A_79 = tpu.memref_squeeze %dma_wait3A_78 : memref<1x16x250x80xi32, #tpu.memory_space<hbm>> -> memref<16x250x80xi32, #tpu.memory_space<hbm>>
    %dma_wait3A_80 = arith.constant 0 : i32
    %dma_wait3A_81 = arith.constant 0 : i32
    %dma_wait3A_82 = tpu.memref_slice %dma_wait3A_79[%arg1, %dma_wait3A_80, %dma_wait3A_81] : memref<16x250x80xi32, #tpu.memory_space<hbm>> -> memref<1x250x80xi32, #tpu.memory_space<hbm>>
    %dma_wait3A_83 = tpu.memref_squeeze %dma_wait3A_82 : memref<1x250x80xi32, #tpu.memory_space<hbm>> -> memref<250x80xi32, #tpu.memory_space<hbm>>
    %dma_wait3A_84 = arith.constant 0 : i32
    %dma_wait3A_85 = arith.constant 0 : i32
    %dma_wait3A_86 = arith.constant 0 : i32
    %dma_wait3A_87 = tpu.memref_slice %arg3[%dma_wait3A, %dma_wait3A_84, %dma_wait3A_85, %dma_wait3A_86] : memref<2x16x250x80xi32, #tpu.memory_space<hbm>> -> memref<1x16x250x80xi32, #tpu.memory_space<hbm>>
    %dma_wait3A_88 = tpu.memref_squeeze %dma_wait3A_87 : memref<1x16x250x80xi32, #tpu.memory_space<hbm>> -> memref<16x250x80xi32, #tpu.memory_space<hbm>>
    %dma_wait3A_89 = arith.constant 0 : i32
    %dma_wait3A_90 = arith.constant 0 : i32
    %dma_wait3A_91 = tpu.memref_slice %dma_wait3A_88[%arg1, %dma_wait3A_89, %dma_wait3A_90] : memref<16x250x80xi32, #tpu.memory_space<hbm>> -> memref<1x250x80xi32, #tpu.memory_space<hbm>>
    %dma_wait3A_92 = tpu.memref_squeeze %dma_wait3A_91 : memref<1x250x80xi32, #tpu.memory_space<hbm>> -> memref<250x80xi32, #tpu.memory_space<hbm>>
    tpu.wait_dma2 semaphore(%arg11 : memref<!tpu.dma_semaphore, #tpu.memory_space<semaphore_mem>>) src(%dma_wait3A_92 : memref<250x80xi32, #tpu.memory_space<hbm>>) dst(%arg6 : memref<250x80xi32, #tpu.memory_space<vmem>>)
    %scan3A = arith.constant 0 : i32
    %scan3A_93 = arith.constant 2 : i32
    %scan3A_94 = arith.constant 0 : i32
    %scan3A_95 = arith.constant 250 : i32
    %scan3A_96 = arith.addi %scan3A_94, %scan3A_95 : i32
    %scan3A_97 = arith.constant 1 : i32
    scf.for %scan3A_229 = %scan3A_94 to %scan3A_96 step %scan3A_97  : i32 {
      %get3A = arith.index_cast %scan3A_229 : i32 to index
      %get3A_230 = arith.constant 0 : index
      %get3A_231 = tpu.vector_load %arg6[%get3A, %get3A_230] {strides = array<i32>} : memref<250x80xi32, #tpu.memory_space<vmem>>, vector<1x16xi32>,
      %get3A_232 = vector.shape_cast %get3A_231 : vector<1x16xi32> to vector<16xi32>
      %mul3A_233 = vector.broadcast %scan3A_93 : i32 to vector<16xi32>
      %mul3A_234 = arith.muli %get3A_232, %mul3A_233 : vector<16xi32>
      %add3A_235 = vector.broadcast %arg0 : i32 to vector<16xi32>
      %add3A_236 = arith.addi %mul3A_234, %add3A_235 : vector<16xi32>
      %swap3A = arith.index_cast %scan3A_229 : i32 to index
      %swap3A_237 = arith.constant 0 : index
      %swap3A_238 = tpu.vector_load %arg6[%swap3A, %swap3A_237] {strides = array<i32>} : memref<250x80xi32, #tpu.memory_space<vmem>>, vector<1x16xi32>,
      %swap3A_239 = vector.shape_cast %swap3A_238 : vector<1x16xi32> to vector<16xi32>
      %swap3A_240 = vector.shape_cast %add3A_236 : vector<16xi32> to vector<1x16xi32>
      tpu.vector_store %arg6[%swap3A, %swap3A_237], %swap3A_240 {strides = array<i32>} : memref<250x80xi32, #tpu.memory_space<vmem>>, vector<1x16xi32>,
      %get3A_241 = arith.index_cast %scan3A_229 : i32 to index
      %get3A_242 = arith.constant 16 : index
      %get3A_243 = tpu.vector_load %arg6[%get3A_241, %get3A_242] {strides = array<i32>} : memref<250x80xi32, #tpu.memory_space<vmem>>, vector<1x16xi32>,
      %get3A_244 = vector.shape_cast %get3A_243 : vector<1x16xi32> to vector<16xi32>
      %mul3A_245 = vector.broadcast %scan3A_93 : i32 to vector<16xi32>
      %mul3A_246 = arith.muli %get3A_244, %mul3A_245 : vector<16xi32>
      %add3A_247 = vector.broadcast %arg0 : i32 to vector<16xi32>
      %add3A_248 = arith.addi %mul3A_246, %add3A_247 : vector<16xi32>
      %swap3A_249 = arith.index_cast %scan3A_229 : i32 to index
      %swap3A_250 = arith.constant 16 : index
      %swap3A_251 = tpu.vector_load %arg6[%swap3A_249, %swap3A_250] {strides = array<i32>} : memref<250x80xi32, #tpu.memory_space<vmem>>, vector<1x16xi32>,
      %swap3A_252 = vector.shape_cast %swap3A_251 : vector<1x16xi32> to vector<16xi32>
      %swap3A_253 = vector.shape_cast %add3A_248 : vector<16xi32> to vector<1x16xi32>
      tpu.vector_store %arg6[%swap3A_249, %swap3A_250], %swap3A_253 {strides = array<i32>} : memref<250x80xi32, #tpu.memory_space<vmem>>, vector<1x16xi32>,
      %get3A_254 = arith.index_cast %scan3A_229 : i32 to index
      %get3A_255 = arith.constant 32 : index
      %get3A_256 = tpu.vector_load %arg6[%get3A_254, %get3A_255] {strides = array<i32>} : memref<250x80xi32, #tpu.memory_space<vmem>>, vector<1x16xi32>,
      %get3A_257 = vector.shape_cast %get3A_256 : vector<1x16xi32> to vector<16xi32>
      %mul3A_258 = vector.broadcast %scan3A_93 : i32 to vector<16xi32>
      %mul3A_259 = arith.muli %get3A_257, %mul3A_258 : vector<16xi32>
      %add3A_260 = vector.broadcast %arg0 : i32 to vector<16xi32>
      %add3A_261 = arith.addi %mul3A_259, %add3A_260 : vector<16xi32>
      %swap3A_262 = arith.index_cast %scan3A_229 : i32 to index
      %swap3A_263 = arith.constant 32 : index
      %swap3A_264 = tpu.vector_load %arg6[%swap3A_262, %swap3A_263] {strides = array<i32>} : memref<250x80xi32, #tpu.memory_space<vmem>>, vector<1x16xi32>,
      %swap3A_265 = vector.shape_cast %swap3A_264 : vector<1x16xi32> to vector<16xi32>
      %swap3A_266 = vector.shape_cast %add3A_261 : vector<16xi32> to vector<1x16xi32>
      tpu.vector_store %arg6[%swap3A_262, %swap3A_263], %swap3A_266 {strides = array<i32>} : memref<250x80xi32, #tpu.memory_space<vmem>>, vector<1x16xi32>,
      %get3A_267 = arith.index_cast %scan3A_229 : i32 to index
      %get3A_268 = arith.constant 48 : index
      %get3A_269 = tpu.vector_load %arg6[%get3A_267, %get3A_268] {strides = array<i32>} : memref<250x80xi32, #tpu.memory_space<vmem>>, vector<1x16xi32>,
      %get3A_270 = vector.shape_cast %get3A_269 : vector<1x16xi32> to vector<16xi32>
      %mul3A_271 = vector.broadcast %scan3A_93 : i32 to vector<16xi32>
      %mul3A_272 = arith.muli %get3A_270, %mul3A_271 : vector<16xi32>
      %add3A_273 = vector.broadcast %arg0 : i32 to vector<16xi32>
      %add3A_274 = arith.addi %mul3A_272, %add3A_273 : vector<16xi32>
      %swap3A_275 = arith.index_cast %scan3A_229 : i32 to index
      %swap3A_276 = arith.constant 48 : index
      %swap3A_277 = tpu.vector_load %arg6[%swap3A_275, %swap3A_276] {strides = array<i32>} : memref<250x80xi32, #tpu.memory_space<vmem>>, vector<1x16xi32>,
      %swap3A_278 = vector.shape_cast %swap3A_277 : vector<1x16xi32> to vector<16xi32>
      %swap3A_279 = vector.shape_cast %add3A_274 : vector<16xi32> to vector<1x16xi32>
      tpu.vector_store %arg6[%swap3A_275, %swap3A_276], %swap3A_279 {strides = array<i32>} : memref<250x80xi32, #tpu.memory_space<vmem>>, vector<1x16xi32>,
      %get3A_280 = arith.index_cast %scan3A_229 : i32 to index
      %get3A_281 = arith.constant 64 : index
      %get3A_282 = tpu.vector_load %arg6[%get3A_280, %get3A_281] {strides = array<i32>} : memref<250x80xi32, #tpu.memory_space<vmem>>, vector<1x16xi32>,
      %get3A_283 = vector.shape_cast %get3A_282 : vector<1x16xi32> to vector<16xi32>
      %mul3A_284 = vector.broadcast %scan3A_93 : i32 to vector<16xi32>
      %mul3A_285 = arith.muli %get3A_283, %mul3A_284 : vector<16xi32>
      %add3A_286 = vector.broadcast %arg0 : i32 to vector<16xi32>
      %add3A_287 = arith.addi %mul3A_285, %add3A_286 : vector<16xi32>
      %swap3A_288 = arith.index_cast %scan3A_229 : i32 to index
      %swap3A_289 = arith.constant 64 : index
      %swap3A_290 = tpu.vector_load %arg6[%swap3A_288, %swap3A_289] {strides = array<i32>} : memref<250x80xi32, #tpu.memory_space<vmem>>, vector<1x16xi32>,
      %swap3A_291 = vector.shape_cast %swap3A_290 : vector<1x16xi32> to vector<16xi32>
      %swap3A_292 = vector.shape_cast %add3A_287 : vector<16xi32> to vector<1x16xi32>
      tpu.vector_store %arg6[%swap3A_288, %swap3A_289], %swap3A_292 {strides = array<i32>} : memref<250x80xi32, #tpu.memory_space<vmem>>, vector<1x16xi32>,
    }
    %scan3A_98 = arith.constant 250 : i32
    %dma_wait3A_99 = arith.constant 1 : i32
    %dma_wait3A_100 = arith.constant 0 : i32
    %dma_wait3A_101 = arith.constant 0 : i32
    %dma_wait3A_102 = arith.constant 0 : i32
    %dma_wait3A_103 = tpu.memref_slice %arg3[%dma_wait3A_99, %dma_wait3A_100, %dma_wait3A_101, %dma_wait3A_102] : memref<2x16x250x80xi32, #tpu.memory_space<hbm>> -> memref<1x16x250x80xi32, #tpu.memory_space<hbm>>
    %dma_wait3A_104 = tpu.memref_squeeze %dma_wait3A_103 : memref<1x16x250x80xi32, #tpu.memory_space<hbm>> -> memref<16x250x80xi32, #tpu.memory_space<hbm>>
    %dma_wait3A_105 = arith.constant 0 : i32
    %dma_wait3A_106 = arith.constant 0 : i32
    %dma_wait3A_107 = tpu.memref_slice %dma_wait3A_104[%arg1, %dma_wait3A_105, %dma_wait3A_106] : memref<16x250x80xi32, #tpu.memory_space<hbm>> -> memref<1x250x80xi32, #tpu.memory_space<hbm>>
    %dma_wait3A_108 = tpu.memref_squeeze %dma_wait3A_107 : memref<1x250x80xi32, #tpu.memory_space<hbm>> -> memref<250x80xi32, #tpu.memory_space<hbm>>
    %dma_wait3A_109 = arith.constant 0 : i32
    %dma_wait3A_110 = arith.constant 0 : i32
    %dma_wait3A_111 = arith.constant 0 : i32
    %dma_wait3A_112 = tpu.memref_slice %arg3[%dma_wait3A_99, %dma_wait3A_109, %dma_wait3A_110, %dma_wait3A_111] : memref<2x16x250x80xi32, #tpu.memory_space<hbm>> -> memref<1x16x250x80xi32, #tpu.memory_space<hbm>>
    %dma_wait3A_113 = tpu.memref_squeeze %dma_wait3A_112 : memref<1x16x250x80xi32, #tpu.memory_space<hbm>> -> memref<16x250x80xi32, #tpu.memory_space<hbm>>
    %dma_wait3A_114 = arith.constant 0 : i32
    %dma_wait3A_115 = arith.constant 0 : i32
    %dma_wait3A_116 = tpu.memref_slice %dma_wait3A_113[%arg1, %dma_wait3A_114, %dma_wait3A_115] : memref<16x250x80xi32, #tpu.memory_space<hbm>> -> memref<1x250x80xi32, #tpu.memory_space<hbm>>
    %dma_wait3A_117 = tpu.memref_squeeze %dma_wait3A_116 : memref<1x250x80xi32, #tpu.memory_space<hbm>> -> memref<250x80xi32, #tpu.memory_space<hbm>>
    tpu.wait_dma2 semaphore(%arg12 : memref<!tpu.dma_semaphore, #tpu.memory_space<semaphore_mem>>) src(%dma_wait3A_117 : memref<250x80xi32, #tpu.memory_space<hbm>>) dst(%arg7 : memref<250x80xi32, #tpu.memory_space<vmem>>)
    %mul3A_118 = arith.constant 640 : i32
    %mul3A_119 = arith.muli %arg1, %mul3A_118 : i32
    %add3A_120 = arith.constant 0 : i32
    %add3A_121 = arith.addi %mul3A_119, %add3A_120 : i32
    %dma_wait3A_122 = arith.constant 0 : i32
    %dma_wait3A_123 = tpu.memref_slice %arg10[%add3A_121, %dma_wait3A_122] : memref<10240x64xf32, #tpu.memory_space<vmem_shared>> -> memref<128x64xf32, #tpu.memory_space<vmem_shared>>
    %dma_wait3A_124 = arith.constant 0 : i32
    %dma_wait3A_125 = tpu.memref_slice %arg10[%add3A_121, %dma_wait3A_124] : memref<10240x64xf32, #tpu.memory_space<vmem_shared>> -> memref<128x64xf32, #tpu.memory_space<vmem_shared>>
    tpu.wait_dma2 semaphore(%arg16 : memref<!tpu.dma_semaphore, #tpu.memory_space<semaphore_mem>>) src(%arg9 : memref<128x64xf32, #tpu.memory_space<vmem>>) dst(%dma_wait3A_125 : memref<128x64xf32, #tpu.memory_space<vmem_shared>>)
    %mul3A_126 = arith.constant 640 : i32
    %mul3A_127 = arith.muli %arg1, %mul3A_126 : i32
    %add3A_128 = arith.constant 128 : i32
    %add3A_129 = arith.addi %mul3A_127, %add3A_128 : i32
    %dma_wait3A_130 = arith.constant 0 : i32
    %dma_wait3A_131 = tpu.memref_slice %arg10[%add3A_129, %dma_wait3A_130] : memref<10240x64xf32, #tpu.memory_space<vmem_shared>> -> memref<128x64xf32, #tpu.memory_space<vmem_shared>>
    %dma_wait3A_132 = arith.constant 0 : i32
    %dma_wait3A_133 = tpu.memref_slice %arg10[%add3A_129, %dma_wait3A_132] : memref<10240x64xf32, #tpu.memory_space<vmem_shared>> -> memref<128x64xf32, #tpu.memory_space<vmem_shared>>
    tpu.wait_dma2 semaphore(%arg17 : memref<!tpu.dma_semaphore, #tpu.memory_space<semaphore_mem>>) src(%arg9 : memref<128x64xf32, #tpu.memory_space<vmem>>) dst(%dma_wait3A_133 : memref<128x64xf32, #tpu.memory_space<vmem_shared>>)
    %mul3A_134 = arith.constant 640 : i32
    %mul3A_135 = arith.muli %arg1, %mul3A_134 : i32
    %add3A_136 = arith.constant 256 : i32
    %add3A_137 = arith.addi %mul3A_135, %add3A_136 : i32
    %dma_wait3A_138 = arith.constant 0 : i32
    %dma_wait3A_139 = tpu.memref_slice %arg10[%add3A_137, %dma_wait3A_138] : memref<10240x64xf32, #tpu.memory_space<vmem_shared>> -> memref<128x64xf32, #tpu.memory_space<vmem_shared>>
    %dma_wait3A_140 = arith.constant 0 : i32
    %dma_wait3A_141 = tpu.memref_slice %arg10[%add3A_137, %dma_wait3A_140] : memref<10240x64xf32, #tpu.memory_space<vmem_shared>> -> memref<128x64xf32, #tpu.memory_space<vmem_shared>>
    tpu.wait_dma2 semaphore(%arg18 : memref<!tpu.dma_semaphore, #tpu.memory_space<semaphore_mem>>) src(%arg9 : memref<128x64xf32, #tpu.memory_space<vmem>>) dst(%dma_wait3A_141 : memref<128x64xf32, #tpu.memory_space<vmem_shared>>)
    %mul3A_142 = arith.constant 640 : i32
    %mul3A_143 = arith.muli %arg1, %mul3A_142 : i32
    %add3A_144 = arith.constant 384 : i32
    %add3A_145 = arith.addi %mul3A_143, %add3A_144 : i32
    %dma_wait3A_146 = arith.constant 0 : i32
    %dma_wait3A_147 = tpu.memref_slice %arg10[%add3A_145, %dma_wait3A_146] : memref<10240x64xf32, #tpu.memory_space<vmem_shared>> -> memref<128x64xf32, #tpu.memory_space<vmem_shared>>
    %dma_wait3A_148 = arith.constant 0 : i32
    %dma_wait3A_149 = tpu.memref_slice %arg10[%add3A_145, %dma_wait3A_148] : memref<10240x64xf32, #tpu.memory_space<vmem_shared>> -> memref<128x64xf32, #tpu.memory_space<vmem_shared>>
    tpu.wait_dma2 semaphore(%arg19 : memref<!tpu.dma_semaphore, #tpu.memory_space<semaphore_mem>>) src(%arg9 : memref<128x64xf32, #tpu.memory_space<vmem>>) dst(%dma_wait3A_149 : memref<128x64xf32, #tpu.memory_space<vmem_shared>>)
    %mul3A_150 = arith.constant 640 : i32
    %mul3A_151 = arith.muli %arg1, %mul3A_150 : i32
    %add3A_152 = arith.constant 512 : i32
    %add3A_153 = arith.addi %mul3A_151, %add3A_152 : i32
    %dma_wait3A_154 = arith.constant 0 : i32
    %dma_wait3A_155 = tpu.memref_slice %arg10[%add3A_153, %dma_wait3A_154] : memref<10240x64xf32, #tpu.memory_space<vmem_shared>> -> memref<128x64xf32, #tpu.memory_space<vmem_shared>>
    %dma_wait3A_156 = arith.constant 0 : i32
    %dma_wait3A_157 = tpu.memref_slice %arg10[%add3A_153, %dma_wait3A_156] : memref<10240x64xf32, #tpu.memory_space<vmem_shared>> -> memref<128x64xf32, #tpu.memory_space<vmem_shared>>
    tpu.wait_dma2 semaphore(%arg20 : memref<!tpu.dma_semaphore, #tpu.memory_space<semaphore_mem>>) src(%arg9 : memref<128x64xf32, #tpu.memory_space<vmem>>) dst(%dma_wait3A_157 : memref<128x64xf32, #tpu.memory_space<vmem_shared>>)
    %barrier3A = arith.constant 0 : index
    tpu.barrier barrier_id(%barrier3A)
    %dma_start3A_158 = arith.constant 0 : i32
    %dma_start3A_159 = arith.constant 0 : i32
    %dma_start3A_160 = arith.constant 0 : i32
    %dma_start3A_161 = arith.constant 0 : i32
    %dma_start3A_162 = tpu.memref_slice %arg8[%dma_start3A_159, %dma_start3A_160, %dma_start3A_161] : memref<5x80x64xf32, #tpu.memory_space<vmem>> -> memref<1x80x64xf32, #tpu.memory_space<vmem>>
    %dma_start3A_163 = tpu.memref_squeeze %dma_start3A_162 : memref<1x80x64xf32, #tpu.memory_space<vmem>> -> memref<80x64xf32, #tpu.memory_space<vmem>>
    %dma_start3A_164 = arith.constant 0 : i32
    %dma_start3A_165 = tpu.memref_slice %arg6[%dma_start3A_158, %dma_start3A_164] : memref<250x80xi32, #tpu.memory_space<vmem>> -> memref<1x80xi32, #tpu.memory_space<vmem>>
    %dma_start3A_166 = tpu.memref_squeeze %dma_start3A_165 : memref<1x80xi32, #tpu.memory_space<vmem>> -> memref<80xi32, #tpu.memory_space<vmem>>
    %dma_start3A_167 = arith.constant 0 : i32
    %dma_start3A_168 = arith.constant 0 : i32
    %dma_start3A_169 = tpu.memref_slice %arg2[%dma_start3A_167, %dma_start3A_168] : memref<20000x64xf32, #tpu.memory_space<hbm>> -> memref<20000x64xf32, #tpu.memory_space<hbm>>
    tpu.enqueue_indirect_dma source(%dma_start3A_169 : memref<20000x64xf32, #tpu.memory_space<hbm>>) target(%dma_start3A_163 : memref<80x64xf32, #tpu.memory_space<vmem>>) offsets(%dma_start3A_166 : memref<80xi32, #tpu.memory_space<vmem>>) semaphore(%arg11 : memref<!tpu.dma_semaphore, #tpu.memory_space<semaphore_mem>>)
    %dma_start3A_170 = arith.constant 1 : i32
    %dma_start3A_171 = arith.constant 1 : i32
    %dma_start3A_172 = arith.constant 0 : i32
    %dma_start3A_173 = arith.constant 0 : i32
    %dma_start3A_174 = tpu.memref_slice %arg8[%dma_start3A_171, %dma_start3A_172, %dma_start3A_173] : memref<5x80x64xf32, #tpu.memory_space<vmem>> -> memref<1x80x64xf32, #tpu.memory_space<vmem>>
    %dma_start3A_175 = tpu.memref_squeeze %dma_start3A_174 : memref<1x80x64xf32, #tpu.memory_space<vmem>> -> memref<80x64xf32, #tpu.memory_space<vmem>>
    %dma_start3A_176 = arith.constant 0 : i32
    %dma_start3A_177 = tpu.memref_slice %arg6[%dma_start3A_170, %dma_start3A_176] : memref<250x80xi32, #tpu.memory_space<vmem>> -> memref<1x80xi32, #tpu.memory_space<vmem>>
    %dma_start3A_178 = tpu.memref_squeeze %dma_start3A_177 : memref<1x80xi32, #tpu.memory_space<vmem>> -> memref<80xi32, #tpu.memory_space<vmem>>
    %dma_start3A_179 = arith.constant 0 : i32
    %dma_start3A_180 = arith.constant 0 : i32
    %dma_start3A_181 = tpu.memref_slice %arg2[%dma_start3A_179, %dma_start3A_180] : memref<20000x64xf32, #tpu.memory_space<hbm>> -> memref<20000x64xf32, #tpu.memory_space<hbm>>
    tpu.enqueue_indirect_dma source(%dma_start3A_181 : memref<20000x64xf32, #tpu.memory_space<hbm>>) target(%dma_start3A_175 : memref<80x64xf32, #tpu.memory_space<vmem>>) offsets(%dma_start3A_178 : memref<80xi32, #tpu.memory_space<vmem>>) semaphore(%arg12 : memref<!tpu.dma_semaphore, #tpu.memory_space<semaphore_mem>>)
    %dma_start3A_182 = arith.constant 2 : i32
    %dma_start3A_183 = arith.constant 2 : i32
    %dma_start3A_184 = arith.constant 0 : i32
    %dma_start3A_185 = arith.constant 0 : i32
    %dma_start3A_186 = tpu.memref_slice %arg8[%dma_start3A_183, %dma_start3A_184, %dma_start3A_185] : memref<5x80x64xf32, #tpu.memory_space<vmem>> -> memref<1x80x64xf32, #tpu.memory_space<vmem>>
    %dma_start3A_187 = tpu.memref_squeeze %dma_start3A_186 : memref<1x80x64xf32, #tpu.memory_space<vmem>> -> memref<80x64xf32, #tpu.memory_space<vmem>>
    %dma_start3A_188 = arith.constant 0 : i32
    %dma_start3A_189 = tpu.memref_slice %arg6[%dma_start3A_182, %dma_start3A_188] : memref<250x80xi32, #tpu.memory_space<vmem>> -> memref<1x80xi32, #tpu.memory_space<vmem>>
    %dma_start3A_190 = tpu.memref_squeeze %dma_start3A_189 : memref<1x80xi32, #tpu.memory_space<vmem>> -> memref<80xi32, #tpu.memory_space<vmem>>
    %dma_start3A_191 = arith.constant 0 : i32
    %dma_start3A_192 = arith.constant 0 : i32
    %dma_start3A_193 = tpu.memref_slice %arg2[%dma_start3A_191, %dma_start3A_192] : memref<20000x64xf32, #tpu.memory_space<hbm>> -> memref<20000x64xf32, #tpu.memory_space<hbm>>
    tpu.enqueue_indirect_dma source(%dma_start3A_193 : memref<20000x64xf32, #tpu.memory_space<hbm>>) target(%dma_start3A_187 : memref<80x64xf32, #tpu.memory_space<vmem>>) offsets(%dma_start3A_190 : memref<80xi32, #tpu.memory_space<vmem>>) semaphore(%arg13 : memref<!tpu.dma_semaphore, #tpu.memory_space<semaphore_mem>>)
    %dma_start3A_194 = arith.constant 3 : i32
    %dma_start3A_195 = arith.constant 3 : i32
    %dma_start3A_196 = arith.constant 0 : i32
    %dma_start3A_197 = arith.constant 0 : i32
    %dma_start3A_198 = tpu.memref_slice %arg8[%dma_start3A_195, %dma_start3A_196, %dma_start3A_197] : memref<5x80x64xf32, #tpu.memory_space<vmem>> -> memref<1x80x64xf32, #tpu.memory_space<vmem>>
    %dma_start3A_199 = tpu.memref_squeeze %dma_start3A_198 : memref<1x80x64xf32, #tpu.memory_space<vmem>> -> memref<80x64xf32, #tpu.memory_space<vmem>>
    %dma_start3A_200 = arith.constant 0 : i32
    %dma_start3A_201 = tpu.memref_slice %arg6[%dma_start3A_194, %dma_start3A_200] : memref<250x80xi32, #tpu.memory_space<vmem>> -> memref<1x80xi32, #tpu.memory_space<vmem>>
    %dma_start3A_202 = tpu.memref_squeeze %dma_start3A_201 : memref<1x80xi32, #tpu.memory_space<vmem>> -> memref<80xi32, #tpu.memory_space<vmem>>
    %dma_start3A_203 = arith.constant 0 : i32
    %dma_start3A_204 = arith.constant 0 : i32
    %dma_start3A_205 = tpu.memref_slice %arg2[%dma_start3A_203, %dma_start3A_204] : memref<20000x64xf32, #tpu.memory_space<hbm>> -> memref<20000x64xf32, #tpu.memory_space<hbm>>
    tpu.enqueue_indirect_dma source(%dma_start3A_205 : memref<20000x64xf32, #tpu.memory_space<hbm>>) target(%dma_start3A_199 : memref<80x64xf32, #tpu.memory_space<vmem>>) offsets(%dma_start3A_202 : memref<80xi32, #tpu.memory_space<vmem>>) semaphore(%arg14 : memref<!tpu.dma_semaphore, #tpu.memory_space<semaphore_mem>>)
    %dma_start3A_206 = arith.constant 4 : i32
    %dma_start3A_207 = arith.constant 4 : i32
    %dma_start3A_208 = arith.constant 0 : i32
    %dma_start3A_209 = arith.constant 0 : i32
    %dma_start3A_210 = tpu.memref_slice %arg8[%dma_start3A_207, %dma_start3A_208, %dma_start3A_209] : memref<5x80x64xf32, #tpu.memory_space<vmem>> -> memref<1x80x64xf32, #tpu.memory_space<vmem>>
    %dma_start3A_211 = tpu.memref_squeeze %dma_start3A_210 : memref<1x80x64xf32, #tpu.memory_space<vmem>> -> memref<80x64xf32, #tpu.memory_space<vmem>>
    %dma_start3A_212 = arith.constant 0 : i32
    %dma_start3A_213 = tpu.memref_slice %arg6[%dma_start3A_206, %dma_start3A_212] : memref<250x80xi32, #tpu.memory_space<vmem>> -> memref<1x80xi32, #tpu.memory_space<vmem>>
    %dma_start3A_214 = tpu.memref_squeeze %dma_start3A_213 : memref<1x80xi32, #tpu.memory_space<vmem>> -> memref<80xi32, #tpu.memory_space<vmem>>
    %dma_start3A_215 = arith.constant 0 : i32
    %dma_start3A_216 = arith.constant 0 : i32
    %dma_start3A_217 = tpu.memref_slice %arg2[%dma_start3A_215, %dma_start3A_216] : memref<20000x64xf32, #tpu.memory_space<hbm>> -> memref<20000x64xf32, #tpu.memory_space<hbm>>
    tpu.enqueue_indirect_dma source(%dma_start3A_217 : memref<20000x64xf32, #tpu.memory_space<hbm>>) target(%dma_start3A_211 : memref<80x64xf32, #tpu.memory_space<vmem>>) offsets(%dma_start3A_214 : memref<80xi32, #tpu.memory_space<vmem>>) semaphore(%arg15 : memref<!tpu.dma_semaphore, #tpu.memory_space<semaphore_mem>>)
    %scan3A_218 = arith.constant 0 : i32
    %scan3A_219 = arith.constant 0 : i32
    %scan3A_220 = arith.constant 50 : i32
    %scan3A_221 = arith.addi %scan3A_219, %scan3A_220 : i32
    %scan3A_222 = arith.constant 1 : i32
    scf.for %scan3A_229 = %scan3A_219 to %scan3A_221 step %scan3A_222  : i32 {
      %mul3A_230 = arith.constant 5 : i32
      %mul3A_231 = arith.muli %scan3A_229, %mul3A_230 : i32
      %add3A_232 = arith.constant 0 : i32
      %add3A_233 = arith.addi %mul3A_231, %add3A_232 : i32
      %dma_wait3A_234 = arith.constant 0 : i32
      %dma_wait3A_235 = arith.constant 0 : i32
      %dma_wait3A_236 = arith.constant 0 : i32
      %dma_wait3A_237 = tpu.memref_slice %arg8[%dma_wait3A_234, %dma_wait3A_235, %dma_wait3A_236] : memref<5x80x64xf32, #tpu.memory_space<vmem>> -> memref<1x80x64xf32, #tpu.memory_space<vmem>>
      %dma_wait3A_238 = tpu.memref_squeeze %dma_wait3A_237 : memref<1x80x64xf32, #tpu.memory_space<vmem>> -> memref<80x64xf32, #tpu.memory_space<vmem>>
      %dma_wait3A_239 = arith.constant 0 : i32
      %dma_wait3A_240 = tpu.memref_slice %arg6[%add3A_233, %dma_wait3A_239] : memref<250x80xi32, #tpu.memory_space<vmem>> -> memref<1x80xi32, #tpu.memory_space<vmem>>
      %dma_wait3A_241 = tpu.memref_squeeze %dma_wait3A_240 : memref<1x80xi32, #tpu.memory_space<vmem>> -> memref<80xi32, #tpu.memory_space<vmem>>
      %dma_wait3A_242 = arith.constant 0 : i32
      %dma_wait3A_243 = arith.constant 0 : i32
      %dma_wait3A_244 = tpu.memref_slice %arg2[%dma_wait3A_242, %dma_wait3A_243] : memref<20000x64xf32, #tpu.memory_space<hbm>> -> memref<20000x64xf32, #tpu.memory_space<hbm>>
      tpu.wait_indirect_dma semaphore(%arg11 : memref<!tpu.dma_semaphore, #tpu.memory_space<semaphore_mem>>) src(%dma_wait3A_244 : memref<20000x64xf32, #tpu.memory_space<hbm>>) dst(%dma_wait3A_238 : memref<80x64xf32, #tpu.memory_space<vmem>>)
      %dma_start3A_245 = arith.constant 0 : i32
      %dma_start3A_246 = arith.constant 0 : i32
      %dma_start3A_247 = arith.constant 0 : i32
      %dma_start3A_248 = tpu.memref_slice %arg8[%dma_start3A_245, %dma_start3A_246, %dma_start3A_247] : memref<5x80x64xf32, #tpu.memory_space<vmem>> -> memref<1x80x64xf32, #tpu.memory_space<vmem>>
      %dma_start3A_249 = tpu.memref_squeeze %dma_start3A_248 : memref<1x80x64xf32, #tpu.memory_space<vmem>> -> memref<80x64xf32, #tpu.memory_space<vmem>>
      %dma_start3A_250 = arith.constant 0 : i32
      %dma_start3A_251 = tpu.memref_slice %arg7[%add3A_233, %dma_start3A_250] : memref<250x80xi32, #tpu.memory_space<vmem>> -> memref<1x80xi32, #tpu.memory_space<vmem>>
      %dma_start3A_252 = tpu.memref_squeeze %dma_start3A_251 : memref<1x80xi32, #tpu.memory_space<vmem>> -> memref<80xi32, #tpu.memory_space<vmem>>
      %dma_start3A_253 = arith.constant 0 : i32
      %dma_start3A_254 = arith.constant 0 : i32
      %dma_start3A_255 = tpu.memref_slice %arg10[%dma_start3A_253, %dma_start3A_254] : memref<10240x64xf32, #tpu.memory_space<vmem_shared>> -> memref<10240x64xf32, #tpu.memory_space<vmem_shared>>
      tpu.enqueue_indirect_dma source(%dma_start3A_249 : memref<80x64xf32, #tpu.memory_space<vmem>>) target(%dma_start3A_255 : memref<10240x64xf32, #tpu.memory_space<vmem_shared>>) offsets(%dma_start3A_252 : memref<80xi32, #tpu.memory_space<vmem>>) semaphore(%arg16 : memref<!tpu.dma_semaphore, #tpu.memory_space<semaphore_mem>>) {add = true}
      %add3A_256 = arith.constant 1 : i32
      %add3A_257 = arith.addi %mul3A_231, %add3A_256 : i32
      %dma_wait3A_258 = arith.constant 1 : i32
      %dma_wait3A_259 = arith.constant 0 : i32
      %dma_wait3A_260 = arith.constant 0 : i32
      %dma_wait3A_261 = tpu.memref_slice %arg8[%dma_wait3A_258, %dma_wait3A_259, %dma_wait3A_260] : memref<5x80x64xf32, #tpu.memory_space<vmem>> -> memref<1x80x64xf32, #tpu.memory_space<vmem>>
      %dma_wait3A_262 = tpu.memref_squeeze %dma_wait3A_261 : memref<1x80x64xf32, #tpu.memory_space<vmem>> -> memref<80x64xf32, #tpu.memory_space<vmem>>
      %dma_wait3A_263 = arith.constant 0 : i32
      %dma_wait3A_264 = tpu.memref_slice %arg6[%add3A_257, %dma_wait3A_263] : memref<250x80xi32, #tpu.memory_space<vmem>> -> memref<1x80xi32, #tpu.memory_space<vmem>>
      %dma_wait3A_265 = tpu.memref_squeeze %dma_wait3A_264 : memref<1x80xi32, #tpu.memory_space<vmem>> -> memref<80xi32, #tpu.memory_space<vmem>>
      %dma_wait3A_266 = arith.constant 0 : i32
      %dma_wait3A_267 = arith.constant 0 : i32
      %dma_wait3A_268 = tpu.memref_slice %arg2[%dma_wait3A_266, %dma_wait3A_267] : memref<20000x64xf32, #tpu.memory_space<hbm>> -> memref<20000x64xf32, #tpu.memory_space<hbm>>
      tpu.wait_indirect_dma semaphore(%arg12 : memref<!tpu.dma_semaphore, #tpu.memory_space<semaphore_mem>>) src(%dma_wait3A_268 : memref<20000x64xf32, #tpu.memory_space<hbm>>) dst(%dma_wait3A_262 : memref<80x64xf32, #tpu.memory_space<vmem>>)
      %dma_start3A_269 = arith.constant 1 : i32
      %dma_start3A_270 = arith.constant 0 : i32
      %dma_start3A_271 = arith.constant 0 : i32
      %dma_start3A_272 = tpu.memref_slice %arg8[%dma_start3A_269, %dma_start3A_270, %dma_start3A_271] : memref<5x80x64xf32, #tpu.memory_space<vmem>> -> memref<1x80x64xf32, #tpu.memory_space<vmem>>
      %dma_start3A_273 = tpu.memref_squeeze %dma_start3A_272 : memref<1x80x64xf32, #tpu.memory_space<vmem>> -> memref<80x64xf32, #tpu.memory_space<vmem>>
      %dma_start3A_274 = arith.constant 0 : i32
      %dma_start3A_275 = tpu.memref_slice %arg7[%add3A_257, %dma_start3A_274] : memref<250x80xi32, #tpu.memory_space<vmem>> -> memref<1x80xi32, #tpu.memory_space<vmem>>
      %dma_start3A_276 = tpu.memref_squeeze %dma_start3A_275 : memref<1x80xi32, #tpu.memory_space<vmem>> -> memref<80xi32, #tpu.memory_space<vmem>>
      %dma_start3A_277 = arith.constant 0 : i32
      %dma_start3A_278 = arith.constant 0 : i32
      %dma_start3A_279 = tpu.memref_slice %arg10[%dma_start3A_277, %dma_start3A_278] : memref<10240x64xf32, #tpu.memory_space<vmem_shared>> -> memref<10240x64xf32, #tpu.memory_space<vmem_shared>>
      tpu.enqueue_indirect_dma source(%dma_start3A_273 : memref<80x64xf32, #tpu.memory_space<vmem>>) target(%dma_start3A_279 : memref<10240x64xf32, #tpu.memory_space<vmem_shared>>) offsets(%dma_start3A_276 : memref<80xi32, #tpu.memory_space<vmem>>) semaphore(%arg17 : memref<!tpu.dma_semaphore, #tpu.memory_space<semaphore_mem>>) {add = true}
      %add3A_280 = arith.constant 2 : i32
      %add3A_281 = arith.addi %mul3A_231, %add3A_280 : i32
      %dma_wait3A_282 = arith.constant 2 : i32
      %dma_wait3A_283 = arith.constant 0 : i32
      %dma_wait3A_284 = arith.constant 0 : i32
      %dma_wait3A_285 = tpu.memref_slice %arg8[%dma_wait3A_282, %dma_wait3A_283, %dma_wait3A_284] : memref<5x80x64xf32, #tpu.memory_space<vmem>> -> memref<1x80x64xf32, #tpu.memory_space<vmem>>
      %dma_wait3A_286 = tpu.memref_squeeze %dma_wait3A_285 : memref<1x80x64xf32, #tpu.memory_space<vmem>> -> memref<80x64xf32, #tpu.memory_space<vmem>>
      %dma_wait3A_287 = arith.constant 0 : i32
      %dma_wait3A_288 = tpu.memref_slice %arg6[%add3A_281, %dma_wait3A_287] : memref<250x80xi32, #tpu.memory_space<vmem>> -> memref<1x80xi32, #tpu.memory_space<vmem>>
      %dma_wait3A_289 = tpu.memref_squeeze %dma_wait3A_288 : memref<1x80xi32, #tpu.memory_space<vmem>> -> memref<80xi32, #tpu.memory_space<vmem>>
      %dma_wait3A_290 = arith.constant 0 : i32
      %dma_wait3A_291 = arith.constant 0 : i32
      %dma_wait3A_292 = tpu.memref_slice %arg2[%dma_wait3A_290, %dma_wait3A_291] : memref<20000x64xf32, #tpu.memory_space<hbm>> -> memref<20000x64xf32, #tpu.memory_space<hbm>>
      tpu.wait_indirect_dma semaphore(%arg13 : memref<!tpu.dma_semaphore, #tpu.memory_space<semaphore_mem>>) src(%dma_wait3A_292 : memref<20000x64xf32, #tpu.memory_space<hbm>>) dst(%dma_wait3A_286 : memref<80x64xf32, #tpu.memory_space<vmem>>)
      %dma_start3A_293 = arith.constant 2 : i32
      %dma_start3A_294 = arith.constant 0 : i32
      %dma_start3A_295 = arith.constant 0 : i32
      %dma_start3A_296 = tpu.memref_slice %arg8[%dma_start3A_293, %dma_start3A_294, %dma_start3A_295] : memref<5x80x64xf32, #tpu.memory_space<vmem>> -> memref<1x80x64xf32, #tpu.memory_space<vmem>>
      %dma_start3A_297 = tpu.memref_squeeze %dma_start3A_296 : memref<1x80x64xf32, #tpu.memory_space<vmem>> -> memref<80x64xf32, #tpu.memory_space<vmem>>
      %dma_start3A_298 = arith.constant 0 : i32
      %dma_start3A_299 = tpu.memref_slice %arg7[%add3A_281, %dma_start3A_298] : memref<250x80xi32, #tpu.memory_space<vmem>> -> memref<1x80xi32, #tpu.memory_space<vmem>>
      %dma_start3A_300 = tpu.memref_squeeze %dma_start3A_299 : memref<1x80xi32, #tpu.memory_space<vmem>> -> memref<80xi32, #tpu.memory_space<vmem>>
      %dma_start3A_301 = arith.constant 0 : i32
      %dma_start3A_302 = arith.constant 0 : i32
      %dma_start3A_303 = tpu.memref_slice %arg10[%dma_start3A_301, %dma_start3A_302] : memref<10240x64xf32, #tpu.memory_space<vmem_shared>> -> memref<10240x64xf32, #tpu.memory_space<vmem_shared>>
      tpu.enqueue_indirect_dma source(%dma_start3A_297 : memref<80x64xf32, #tpu.memory_space<vmem>>) target(%dma_start3A_303 : memref<10240x64xf32, #tpu.memory_space<vmem_shared>>) offsets(%dma_start3A_300 : memref<80xi32, #tpu.memory_space<vmem>>) semaphore(%arg18 : memref<!tpu.dma_semaphore, #tpu.memory_space<semaphore_mem>>) {add = true}
      %add3A_304 = arith.constant 3 : i32
      %add3A_305 = arith.addi %mul3A_231, %add3A_304 : i32
      %dma_wait3A_306 = arith.constant 3 : i32
      %dma_wait3A_307 = arith.constant 0 : i32
      %dma_wait3A_308 = arith.constant 0 : i32
      %dma_wait3A_309 = tpu.memref_slice %arg8[%dma_wait3A_306, %dma_wait3A_307, %dma_wait3A_308] : memref<5x80x64xf32, #tpu.memory_space<vmem>> -> memref<1x80x64xf32, #tpu.memory_space<vmem>>
      %dma_wait3A_310 = tpu.memref_squeeze %dma_wait3A_309 : memref<1x80x64xf32, #tpu.memory_space<vmem>> -> memref<80x64xf32, #tpu.memory_space<vmem>>
      %dma_wait3A_311 = arith.constant 0 : i32
      %dma_wait3A_312 = tpu.memref_slice %arg6[%add3A_305, %dma_wait3A_311] : memref<250x80xi32, #tpu.memory_space<vmem>> -> memref<1x80xi32, #tpu.memory_space<vmem>>
      %dma_wait3A_313 = tpu.memref_squeeze %dma_wait3A_312 : memref<1x80xi32, #tpu.memory_space<vmem>> -> memref<80xi32, #tpu.memory_space<vmem>>
      %dma_wait3A_314 = arith.constant 0 : i32
      %dma_wait3A_315 = arith.constant 0 : i32
      %dma_wait3A_316 = tpu.memref_slice %arg2[%dma_wait3A_314, %dma_wait3A_315] : memref<20000x64xf32, #tpu.memory_space<hbm>> -> memref<20000x64xf32, #tpu.memory_space<hbm>>
      tpu.wait_indirect_dma semaphore(%arg14 : memref<!tpu.dma_semaphore, #tpu.memory_space<semaphore_mem>>) src(%dma_wait3A_316 : memref<20000x64xf32, #tpu.memory_space<hbm>>) dst(%dma_wait3A_310 : memref<80x64xf32, #tpu.memory_space<vmem>>)
      %dma_start3A_317 = arith.constant 3 : i32
      %dma_start3A_318 = arith.constant 0 : i32
      %dma_start3A_319 = arith.constant 0 : i32
      %dma_start3A_320 = tpu.memref_slice %arg8[%dma_start3A_317, %dma_start3A_318, %dma_start3A_319] : memref<5x80x64xf32, #tpu.memory_space<vmem>> -> memref<1x80x64xf32, #tpu.memory_space<vmem>>
      %dma_start3A_321 = tpu.memref_squeeze %dma_start3A_320 : memref<1x80x64xf32, #tpu.memory_space<vmem>> -> memref<80x64xf32, #tpu.memory_space<vmem>>
      %dma_start3A_322 = arith.constant 0 : i32
      %dma_start3A_323 = tpu.memref_slice %arg7[%add3A_305, %dma_start3A_322] : memref<250x80xi32, #tpu.memory_space<vmem>> -> memref<1x80xi32, #tpu.memory_space<vmem>>
      %dma_start3A_324 = tpu.memref_squeeze %dma_start3A_323 : memref<1x80xi32, #tpu.memory_space<vmem>> -> memref<80xi32, #tpu.memory_space<vmem>>
      %dma_start3A_325 = arith.constant 0 : i32
      %dma_start3A_326 = arith.constant 0 : i32
      %dma_start3A_327 = tpu.memref_slice %arg10[%dma_start3A_325, %dma_start3A_326] : memref<10240x64xf32, #tpu.memory_space<vmem_shared>> -> memref<10240x64xf32, #tpu.memory_space<vmem_shared>>
      tpu.enqueue_indirect_dma source(%dma_start3A_321 : memref<80x64xf32, #tpu.memory_space<vmem>>) target(%dma_start3A_327 : memref<10240x64xf32, #tpu.memory_space<vmem_shared>>) offsets(%dma_start3A_324 : memref<80xi32, #tpu.memory_space<vmem>>) semaphore(%arg19 : memref<!tpu.dma_semaphore, #tpu.memory_space<semaphore_mem>>) {add = true}
      %add3A_328 = arith.constant 4 : i32
      %add3A_329 = arith.addi %mul3A_231, %add3A_328 : i32
      %dma_wait3A_330 = arith.constant 4 : i32
      %dma_wait3A_331 = arith.constant 0 : i32
      %dma_wait3A_332 = arith.constant 0 : i32
      %dma_wait3A_333 = tpu.memref_slice %arg8[%dma_wait3A_330, %dma_wait3A_331, %dma_wait3A_332] : memref<5x80x64xf32, #tpu.memory_space<vmem>> -> memref<1x80x64xf32, #tpu.memory_space<vmem>>
      %dma_wait3A_334 = tpu.memref_squeeze %dma_wait3A_333 : memref<1x80x64xf32, #tpu.memory_space<vmem>> -> memref<80x64xf32, #tpu.memory_space<vmem>>
      %dma_wait3A_335 = arith.constant 0 : i32
      %dma_wait3A_336 = tpu.memref_slice %arg6[%add3A_329, %dma_wait3A_335] : memref<250x80xi32, #tpu.memory_space<vmem>> -> memref<1x80xi32, #tpu.memory_space<vmem>>
      %dma_wait3A_337 = tpu.memref_squeeze %dma_wait3A_336 : memref<1x80xi32, #tpu.memory_space<vmem>> -> memref<80xi32, #tpu.memory_space<vmem>>
      %dma_wait3A_338 = arith.constant 0 : i32
      %dma_wait3A_339 = arith.constant 0 : i32
      %dma_wait3A_340 = tpu.memref_slice %arg2[%dma_wait3A_338, %dma_wait3A_339] : memref<20000x64xf32, #tpu.memory_space<hbm>> -> memref<20000x64xf32, #tpu.memory_space<hbm>>
      tpu.wait_indirect_dma semaphore(%arg15 : memref<!tpu.dma_semaphore, #tpu.memory_space<semaphore_mem>>) src(%dma_wait3A_340 : memref<20000x64xf32, #tpu.memory_space<hbm>>) dst(%dma_wait3A_334 : memref<80x64xf32, #tpu.memory_space<vmem>>)
      %dma_start3A_341 = arith.constant 4 : i32
      %dma_start3A_342 = arith.constant 0 : i32
      %dma_start3A_343 = arith.constant 0 : i32
      %dma_start3A_344 = tpu.memref_slice %arg8[%dma_start3A_341, %dma_start3A_342, %dma_start3A_343] : memref<5x80x64xf32, #tpu.memory_space<vmem>> -> memref<1x80x64xf32, #tpu.memory_space<vmem>>
      %dma_start3A_345 = tpu.memref_squeeze %dma_start3A_344 : memref<1x80x64xf32, #tpu.memory_space<vmem>> -> memref<80x64xf32, #tpu.memory_space<vmem>>
      %dma_start3A_346 = arith.constant 0 : i32
      %dma_start3A_347 = tpu.memref_slice %arg7[%add3A_329, %dma_start3A_346] : memref<250x80xi32, #tpu.memory_space<vmem>> -> memref<1x80xi32, #tpu.memory_space<vmem>>
      %dma_start3A_348 = tpu.memref_squeeze %dma_start3A_347 : memref<1x80xi32, #tpu.memory_space<vmem>> -> memref<80xi32, #tpu.memory_space<vmem>>
      %dma_start3A_349 = arith.constant 0 : i32
      %dma_start3A_350 = arith.constant 0 : i32
      %dma_start3A_351 = tpu.memref_slice %arg10[%dma_start3A_349, %dma_start3A_350] : memref<10240x64xf32, #tpu.memory_space<vmem_shared>> -> memref<10240x64xf32, #tpu.memory_space<vmem_shared>>
      tpu.enqueue_indirect_dma source(%dma_start3A_345 : memref<80x64xf32, #tpu.memory_space<vmem>>) target(%dma_start3A_351 : memref<10240x64xf32, #tpu.memory_space<vmem_shared>>) offsets(%dma_start3A_348 : memref<80xi32, #tpu.memory_space<vmem>>) semaphore(%arg20 : memref<!tpu.dma_semaphore, #tpu.memory_space<semaphore_mem>>) {add = true}
      %add3A_352 = arith.constant 0 : i32
      %add3A_353 = arith.addi %mul3A_231, %add3A_352 : i32
      %dma_wait3A_354 = arith.constant 0 : i32
      %dma_wait3A_355 = arith.constant 0 : i32
      %dma_wait3A_356 = arith.constant 0 : i32
      %dma_wait3A_357 = tpu.memref_slice %arg8[%dma_wait3A_354, %dma_wait3A_355, %dma_wait3A_356] : memref<5x80x64xf32, #tpu.memory_space<vmem>> -> memref<1x80x64xf32, #tpu.memory_space<vmem>>
      %dma_wait3A_358 = tpu.memref_squeeze %dma_wait3A_357 : memref<1x80x64xf32, #tpu.memory_space<vmem>> -> memref<80x64xf32, #tpu.memory_space<vmem>>
      %dma_wait3A_359 = arith.constant 0 : i32
      %dma_wait3A_360 = tpu.memref_slice %arg7[%add3A_353, %dma_wait3A_359] : memref<250x80xi32, #tpu.memory_space<vmem>> -> memref<1x80xi32, #tpu.memory_space<vmem>>
      %dma_wait3A_361 = tpu.memref_squeeze %dma_wait3A_360 : memref<1x80xi32, #tpu.memory_space<vmem>> -> memref<80xi32, #tpu.memory_space<vmem>>
      %dma_wait3A_362 = arith.constant 0 : i32
      %dma_wait3A_363 = arith.constant 0 : i32
      %dma_wait3A_364 = tpu.memref_slice %arg10[%dma_wait3A_362, %dma_wait3A_363] : memref<10240x64xf32, #tpu.memory_space<vmem_shared>> -> memref<10240x64xf32, #tpu.memory_space<vmem_shared>>
      tpu.wait_indirect_dma semaphore(%arg16 : memref<!tpu.dma_semaphore, #tpu.memory_space<semaphore_mem>>) src(%dma_wait3A_358 : memref<80x64xf32, #tpu.memory_space<vmem>>) dst(%dma_wait3A_364 : memref<10240x64xf32, #tpu.memory_space<vmem_shared>>)
      %lt3A = arith.constant 49 : i32
      %lt3A_365 = arith.cmpi slt, %scan3A_229, %lt3A : i32
      %convert_element_type3A = arith.extui %lt3A_365 : i1 to i32
      %cond3A = arith.constant 0 : i32
      %cond3A_366 = arith.cmpi ne, %convert_element_type3A, %cond3A : i32
      scf.if %cond3A_366 {
        %add3A_439 = arith.constant 5 : i32
        %add3A_440 = arith.addi %mul3A_231, %add3A_439 : i32
        %add3A_441 = arith.constant 0 : i32
        %add3A_442 = arith.addi %add3A_440, %add3A_441 : i32
        %dma_start3A_443 = arith.constant 0 : i32
        %dma_start3A_444 = arith.constant 0 : i32
        %dma_start3A_445 = arith.constant 0 : i32
        %dma_start3A_446 = tpu.memref_slice %arg8[%dma_start3A_443, %dma_start3A_444, %dma_start3A_445] : memref<5x80x64xf32, #tpu.memory_space<vmem>> -> memref<1x80x64xf32, #tpu.memory_space<vmem>>
        %dma_start3A_447 = tpu.memref_squeeze %dma_start3A_446 : memref<1x80x64xf32, #tpu.memory_space<vmem>> -> memref<80x64xf32, #tpu.memory_space<vmem>>
        %dma_start3A_448 = arith.constant 0 : i32
        %dma_start3A_449 = tpu.memref_slice %arg6[%add3A_442, %dma_start3A_448] : memref<250x80xi32, #tpu.memory_space<vmem>> -> memref<1x80xi32, #tpu.memory_space<vmem>>
        %dma_start3A_450 = tpu.memref_squeeze %dma_start3A_449 : memref<1x80xi32, #tpu.memory_space<vmem>> -> memref<80xi32, #tpu.memory_space<vmem>>
        %dma_start3A_451 = arith.constant 0 : i32
        %dma_start3A_452 = arith.constant 0 : i32
        %dma_start3A_453 = tpu.memref_slice %arg2[%dma_start3A_451, %dma_start3A_452] : memref<20000x64xf32, #tpu.memory_space<hbm>> -> memref<20000x64xf32, #tpu.memory_space<hbm>>
        tpu.enqueue_indirect_dma source(%dma_start3A_453 : memref<20000x64xf32, #tpu.memory_space<hbm>>) target(%dma_start3A_447 : memref<80x64xf32, #tpu.memory_space<vmem>>) offsets(%dma_start3A_450 : memref<80xi32, #tpu.memory_space<vmem>>) semaphore(%arg11 : memref<!tpu.dma_semaphore, #tpu.memory_space<semaphore_mem>>)
      } else {
      }
      %add3A_367 = arith.constant 1 : i32
      %add3A_368 = arith.addi %mul3A_231, %add3A_367 : i32
      %dma_wait3A_369 = arith.constant 1 : i32
      %dma_wait3A_370 = arith.constant 0 : i32
      %dma_wait3A_371 = arith.constant 0 : i32
      %dma_wait3A_372 = tpu.memref_slice %arg8[%dma_wait3A_369, %dma_wait3A_370, %dma_wait3A_371] : memref<5x80x64xf32, #tpu.memory_space<vmem>> -> memref<1x80x64xf32, #tpu.memory_space<vmem>>
      %dma_wait3A_373 = tpu.memref_squeeze %dma_wait3A_372 : memref<1x80x64xf32, #tpu.memory_space<vmem>> -> memref<80x64xf32, #tpu.memory_space<vmem>>
      %dma_wait3A_374 = arith.constant 0 : i32
      %dma_wait3A_375 = tpu.memref_slice %arg7[%add3A_368, %dma_wait3A_374] : memref<250x80xi32, #tpu.memory_space<vmem>> -> memref<1x80xi32, #tpu.memory_space<vmem>>
      %dma_wait3A_376 = tpu.memref_squeeze %dma_wait3A_375 : memref<1x80xi32, #tpu.memory_space<vmem>> -> memref<80xi32, #tpu.memory_space<vmem>>
      %dma_wait3A_377 = arith.constant 0 : i32
      %dma_wait3A_378 = arith.constant 0 : i32
      %dma_wait3A_379 = tpu.memref_slice %arg10[%dma_wait3A_377, %dma_wait3A_378] : memref<10240x64xf32, #tpu.memory_space<vmem_shared>> -> memref<10240x64xf32, #tpu.memory_space<vmem_shared>>
      tpu.wait_indirect_dma semaphore(%arg17 : memref<!tpu.dma_semaphore, #tpu.memory_space<semaphore_mem>>) src(%dma_wait3A_373 : memref<80x64xf32, #tpu.memory_space<vmem>>) dst(%dma_wait3A_379 : memref<10240x64xf32, #tpu.memory_space<vmem_shared>>)
      %lt3A_380 = arith.constant 49 : i32
      %lt3A_381 = arith.cmpi slt, %scan3A_229, %lt3A_380 : i32
      %convert_element_type3A_382 = arith.extui %lt3A_381 : i1 to i32
      %cond3A_383 = arith.constant 0 : i32
      %cond3A_384 = arith.cmpi ne, %convert_element_type3A_382, %cond3A_383 : i32
      scf.if %cond3A_384 {
        %add3A_439 = arith.constant 5 : i32
        %add3A_440 = arith.addi %mul3A_231, %add3A_439 : i32
        %add3A_441 = arith.constant 1 : i32
        %add3A_442 = arith.addi %add3A_440, %add3A_441 : i32
        %dma_start3A_443 = arith.constant 1 : i32
        %dma_start3A_444 = arith.constant 0 : i32
        %dma_start3A_445 = arith.constant 0 : i32
        %dma_start3A_446 = tpu.memref_slice %arg8[%dma_start3A_443, %dma_start3A_444, %dma_start3A_445] : memref<5x80x64xf32, #tpu.memory_space<vmem>> -> memref<1x80x64xf32, #tpu.memory_space<vmem>>
        %dma_start3A_447 = tpu.memref_squeeze %dma_start3A_446 : memref<1x80x64xf32, #tpu.memory_space<vmem>> -> memref<80x64xf32, #tpu.memory_space<vmem>>
        %dma_start3A_448 = arith.constant 0 : i32
        %dma_start3A_449 = tpu.memref_slice %arg6[%add3A_442, %dma_start3A_448] : memref<250x80xi32, #tpu.memory_space<vmem>> -> memref<1x80xi32, #tpu.memory_space<vmem>>
        %dma_start3A_450 = tpu.memref_squeeze %dma_start3A_449 : memref<1x80xi32, #tpu.memory_space<vmem>> -> memref<80xi32, #tpu.memory_space<vmem>>
        %dma_start3A_451 = arith.constant 0 : i32
        %dma_start3A_452 = arith.constant 0 : i32
        %dma_start3A_453 = tpu.memref_slice %arg2[%dma_start3A_451, %dma_start3A_452] : memref<20000x64xf32, #tpu.memory_space<hbm>> -> memref<20000x64xf32, #tpu.memory_space<hbm>>
        tpu.enqueue_indirect_dma source(%dma_start3A_453 : memref<20000x64xf32, #tpu.memory_space<hbm>>) target(%dma_start3A_447 : memref<80x64xf32, #tpu.memory_space<vmem>>) offsets(%dma_start3A_450 : memref<80xi32, #tpu.memory_space<vmem>>) semaphore(%arg12 : memref<!tpu.dma_semaphore, #tpu.memory_space<semaphore_mem>>)
      } else {
      }
      %add3A_385 = arith.constant 2 : i32
      %add3A_386 = arith.addi %mul3A_231, %add3A_385 : i32
      %dma_wait3A_387 = arith.constant 2 : i32
      %dma_wait3A_388 = arith.constant 0 : i32
      %dma_wait3A_389 = arith.constant 0 : i32
      %dma_wait3A_390 = tpu.memref_slice %arg8[%dma_wait3A_387, %dma_wait3A_388, %dma_wait3A_389] : memref<5x80x64xf32, #tpu.memory_space<vmem>> -> memref<1x80x64xf32, #tpu.memory_space<vmem>>
      %dma_wait3A_391 = tpu.memref_squeeze %dma_wait3A_390 : memref<1x80x64xf32, #tpu.memory_space<vmem>> -> memref<80x64xf32, #tpu.memory_space<vmem>>
      %dma_wait3A_392 = arith.constant 0 : i32
      %dma_wait3A_393 = tpu.memref_slice %arg7[%add3A_386, %dma_wait3A_392] : memref<250x80xi32, #tpu.memory_space<vmem>> -> memref<1x80xi32, #tpu.memory_space<vmem>>
      %dma_wait3A_394 = tpu.memref_squeeze %dma_wait3A_393 : memref<1x80xi32, #tpu.memory_space<vmem>> -> memref<80xi32, #tpu.memory_space<vmem>>
      %dma_wait3A_395 = arith.constant 0 : i32
      %dma_wait3A_396 = arith.constant 0 : i32
      %dma_wait3A_397 = tpu.memref_slice %arg10[%dma_wait3A_395, %dma_wait3A_396] : memref<10240x64xf32, #tpu.memory_space<vmem_shared>> -> memref<10240x64xf32, #tpu.memory_space<vmem_shared>>
      tpu.wait_indirect_dma semaphore(%arg18 : memref<!tpu.dma_semaphore, #tpu.memory_space<semaphore_mem>>) src(%dma_wait3A_391 : memref<80x64xf32, #tpu.memory_space<vmem>>) dst(%dma_wait3A_397 : memref<10240x64xf32, #tpu.memory_space<vmem_shared>>)
      %lt3A_398 = arith.constant 49 : i32
      %lt3A_399 = arith.cmpi slt, %scan3A_229, %lt3A_398 : i32
      %convert_element_type3A_400 = arith.extui %lt3A_399 : i1 to i32
      %cond3A_401 = arith.constant 0 : i32
      %cond3A_402 = arith.cmpi ne, %convert_element_type3A_400, %cond3A_401 : i32
      scf.if %cond3A_402 {
        %add3A_439 = arith.constant 5 : i32
        %add3A_440 = arith.addi %mul3A_231, %add3A_439 : i32
        %add3A_441 = arith.constant 2 : i32
        %add3A_442 = arith.addi %add3A_440, %add3A_441 : i32
        %dma_start3A_443 = arith.constant 2 : i32
        %dma_start3A_444 = arith.constant 0 : i32
        %dma_start3A_445 = arith.constant 0 : i32
        %dma_start3A_446 = tpu.memref_slice %arg8[%dma_start3A_443, %dma_start3A_444, %dma_start3A_445] : memref<5x80x64xf32, #tpu.memory_space<vmem>> -> memref<1x80x64xf32, #tpu.memory_space<vmem>>
        %dma_start3A_447 = tpu.memref_squeeze %dma_start3A_446 : memref<1x80x64xf32, #tpu.memory_space<vmem>> -> memref<80x64xf32, #tpu.memory_space<vmem>>
        %dma_start3A_448 = arith.constant 0 : i32
        %dma_start3A_449 = tpu.memref_slice %arg6[%add3A_442, %dma_start3A_448] : memref<250x80xi32, #tpu.memory_space<vmem>> -> memref<1x80xi32, #tpu.memory_space<vmem>>
        %dma_start3A_450 = tpu.memref_squeeze %dma_start3A_449 : memref<1x80xi32, #tpu.memory_space<vmem>> -> memref<80xi32, #tpu.memory_space<vmem>>
        %dma_start3A_451 = arith.constant 0 : i32
        %dma_start3A_452 = arith.constant 0 : i32
        %dma_start3A_453 = tpu.memref_slice %arg2[%dma_start3A_451, %dma_start3A_452] : memref<20000x64xf32, #tpu.memory_space<hbm>> -> memref<20000x64xf32, #tpu.memory_space<hbm>>
        tpu.enqueue_indirect_dma source(%dma_start3A_453 : memref<20000x64xf32, #tpu.memory_space<hbm>>) target(%dma_start3A_447 : memref<80x64xf32, #tpu.memory_space<vmem>>) offsets(%dma_start3A_450 : memref<80xi32, #tpu.memory_space<vmem>>) semaphore(%arg13 : memref<!tpu.dma_semaphore, #tpu.memory_space<semaphore_mem>>)
      } else {
      }
      %add3A_403 = arith.constant 3 : i32
      %add3A_404 = arith.addi %mul3A_231, %add3A_403 : i32
      %dma_wait3A_405 = arith.constant 3 : i32
      %dma_wait3A_406 = arith.constant 0 : i32
      %dma_wait3A_407 = arith.constant 0 : i32
      %dma_wait3A_408 = tpu.memref_slice %arg8[%dma_wait3A_405, %dma_wait3A_406, %dma_wait3A_407] : memref<5x80x64xf32, #tpu.memory_space<vmem>> -> memref<1x80x64xf32, #tpu.memory_space<vmem>>
      %dma_wait3A_409 = tpu.memref_squeeze %dma_wait3A_408 : memref<1x80x64xf32, #tpu.memory_space<vmem>> -> memref<80x64xf32, #tpu.memory_space<vmem>>
      %dma_wait3A_410 = arith.constant 0 : i32
      %dma_wait3A_411 = tpu.memref_slice %arg7[%add3A_404, %dma_wait3A_410] : memref<250x80xi32, #tpu.memory_space<vmem>> -> memref<1x80xi32, #tpu.memory_space<vmem>>
      %dma_wait3A_412 = tpu.memref_squeeze %dma_wait3A_411 : memref<1x80xi32, #tpu.memory_space<vmem>> -> memref<80xi32, #tpu.memory_space<vmem>>
      %dma_wait3A_413 = arith.constant 0 : i32
      %dma_wait3A_414 = arith.constant 0 : i32
      %dma_wait3A_415 = tpu.memref_slice %arg10[%dma_wait3A_413, %dma_wait3A_414] : memref<10240x64xf32, #tpu.memory_space<vmem_shared>> -> memref<10240x64xf32, #tpu.memory_space<vmem_shared>>
      tpu.wait_indirect_dma semaphore(%arg19 : memref<!tpu.dma_semaphore, #tpu.memory_space<semaphore_mem>>) src(%dma_wait3A_409 : memref<80x64xf32, #tpu.memory_space<vmem>>) dst(%dma_wait3A_415 : memref<10240x64xf32, #tpu.memory_space<vmem_shared>>)
      %lt3A_416 = arith.constant 49 : i32
      %lt3A_417 = arith.cmpi slt, %scan3A_229, %lt3A_416 : i32
      %convert_element_type3A_418 = arith.extui %lt3A_417 : i1 to i32
      %cond3A_419 = arith.constant 0 : i32
      %cond3A_420 = arith.cmpi ne, %convert_element_type3A_418, %cond3A_419 : i32
      scf.if %cond3A_420 {
        %add3A_439 = arith.constant 5 : i32
        %add3A_440 = arith.addi %mul3A_231, %add3A_439 : i32
        %add3A_441 = arith.constant 3 : i32
        %add3A_442 = arith.addi %add3A_440, %add3A_441 : i32
        %dma_start3A_443 = arith.constant 3 : i32
        %dma_start3A_444 = arith.constant 0 : i32
        %dma_start3A_445 = arith.constant 0 : i32
        %dma_start3A_446 = tpu.memref_slice %arg8[%dma_start3A_443, %dma_start3A_444, %dma_start3A_445] : memref<5x80x64xf32, #tpu.memory_space<vmem>> -> memref<1x80x64xf32, #tpu.memory_space<vmem>>
        %dma_start3A_447 = tpu.memref_squeeze %dma_start3A_446 : memref<1x80x64xf32, #tpu.memory_space<vmem>> -> memref<80x64xf32, #tpu.memory_space<vmem>>
        %dma_start3A_448 = arith.constant 0 : i32
        %dma_start3A_449 = tpu.memref_slice %arg6[%add3A_442, %dma_start3A_448] : memref<250x80xi32, #tpu.memory_space<vmem>> -> memref<1x80xi32, #tpu.memory_space<vmem>>
        %dma_start3A_450 = tpu.memref_squeeze %dma_start3A_449 : memref<1x80xi32, #tpu.memory_space<vmem>> -> memref<80xi32, #tpu.memory_space<vmem>>
        %dma_start3A_451 = arith.constant 0 : i32
        %dma_start3A_452 = arith.constant 0 : i32
        %dma_start3A_453 = tpu.memref_slice %arg2[%dma_start3A_451, %dma_start3A_452] : memref<20000x64xf32, #tpu.memory_space<hbm>> -> memref<20000x64xf32, #tpu.memory_space<hbm>>
        tpu.enqueue_indirect_dma source(%dma_start3A_453 : memref<20000x64xf32, #tpu.memory_space<hbm>>) target(%dma_start3A_447 : memref<80x64xf32, #tpu.memory_space<vmem>>) offsets(%dma_start3A_450 : memref<80xi32, #tpu.memory_space<vmem>>) semaphore(%arg14 : memref<!tpu.dma_semaphore, #tpu.memory_space<semaphore_mem>>)
      } else {
      }
      %add3A_421 = arith.constant 4 : i32
      %add3A_422 = arith.addi %mul3A_231, %add3A_421 : i32
      %dma_wait3A_423 = arith.constant 4 : i32
      %dma_wait3A_424 = arith.constant 0 : i32
      %dma_wait3A_425 = arith.constant 0 : i32
      %dma_wait3A_426 = tpu.memref_slice %arg8[%dma_wait3A_423, %dma_wait3A_424, %dma_wait3A_425] : memref<5x80x64xf32, #tpu.memory_space<vmem>> -> memref<1x80x64xf32, #tpu.memory_space<vmem>>
      %dma_wait3A_427 = tpu.memref_squeeze %dma_wait3A_426 : memref<1x80x64xf32, #tpu.memory_space<vmem>> -> memref<80x64xf32, #tpu.memory_space<vmem>>
      %dma_wait3A_428 = arith.constant 0 : i32
      %dma_wait3A_429 = tpu.memref_slice %arg7[%add3A_422, %dma_wait3A_428] : memref<250x80xi32, #tpu.memory_space<vmem>> -> memref<1x80xi32, #tpu.memory_space<vmem>>
      %dma_wait3A_430 = tpu.memref_squeeze %dma_wait3A_429 : memref<1x80xi32, #tpu.memory_space<vmem>> -> memref<80xi32, #tpu.memory_space<vmem>>
      %dma_wait3A_431 = arith.constant 0 : i32
      %dma_wait3A_432 = arith.constant 0 : i32
      %dma_wait3A_433 = tpu.memref_slice %arg10[%dma_wait3A_431, %dma_wait3A_432] : memref<10240x64xf32, #tpu.memory_space<vmem_shared>> -> memref<10240x64xf32, #tpu.memory_space<vmem_shared>>
      tpu.wait_indirect_dma semaphore(%arg20 : memref<!tpu.dma_semaphore, #tpu.memory_space<semaphore_mem>>) src(%dma_wait3A_427 : memref<80x64xf32, #tpu.memory_space<vmem>>) dst(%dma_wait3A_433 : memref<10240x64xf32, #tpu.memory_space<vmem_shared>>)
      %lt3A_434 = arith.constant 49 : i32
      %lt3A_435 = arith.cmpi slt, %scan3A_229, %lt3A_434 : i32
      %convert_element_type3A_436 = arith.extui %lt3A_435 : i1 to i32
      %cond3A_437 = arith.constant 0 : i32
      %cond3A_438 = arith.cmpi ne, %convert_element_type3A_436, %cond3A_437 : i32
      scf.if %cond3A_438 {
        %add3A_439 = arith.constant 5 : i32
        %add3A_440 = arith.addi %mul3A_231, %add3A_439 : i32
        %add3A_441 = arith.constant 4 : i32
        %add3A_442 = arith.addi %add3A_440, %add3A_441 : i32
        %dma_start3A_443 = arith.constant 4 : i32
        %dma_start3A_444 = arith.constant 0 : i32
        %dma_start3A_445 = arith.constant 0 : i32
        %dma_start3A_446 = tpu.memref_slice %arg8[%dma_start3A_443, %dma_start3A_444, %dma_start3A_445] : memref<5x80x64xf32, #tpu.memory_space<vmem>> -> memref<1x80x64xf32, #tpu.memory_space<vmem>>
        %dma_start3A_447 = tpu.memref_squeeze %dma_start3A_446 : memref<1x80x64xf32, #tpu.memory_space<vmem>> -> memref<80x64xf32, #tpu.memory_space<vmem>>
        %dma_start3A_448 = arith.constant 0 : i32
        %dma_start3A_449 = tpu.memref_slice %arg6[%add3A_442, %dma_start3A_448] : memref<250x80xi32, #tpu.memory_space<vmem>> -> memref<1x80xi32, #tpu.memory_space<vmem>>
        %dma_start3A_450 = tpu.memref_squeeze %dma_start3A_449 : memref<1x80xi32, #tpu.memory_space<vmem>> -> memref<80xi32, #tpu.memory_space<vmem>>
        %dma_start3A_451 = arith.constant 0 : i32
        %dma_start3A_452 = arith.constant 0 : i32
        %dma_start3A_453 = tpu.memref_slice %arg2[%dma_start3A_451, %dma_start3A_452] : memref<20000x64xf32, #tpu.memory_space<hbm>> -> memref<20000x64xf32, #tpu.memory_space<hbm>>
        tpu.enqueue_indirect_dma source(%dma_start3A_453 : memref<20000x64xf32, #tpu.memory_space<hbm>>) target(%dma_start3A_447 : memref<80x64xf32, #tpu.memory_space<vmem>>) offsets(%dma_start3A_450 : memref<80xi32, #tpu.memory_space<vmem>>) semaphore(%arg15 : memref<!tpu.dma_semaphore, #tpu.memory_space<semaphore_mem>>)
      } else {
      }
    }
    %scan3A_223 = arith.constant 50 : i32
    %barrier3A_224 = arith.constant 0 : index
    tpu.barrier barrier_id(%barrier3A_224)
    %mul3A_225 = arith.constant 640 : i32
    %mul3A_226 = arith.muli %arg1, %mul3A_225 : i32
    %mul3A_227 = arith.constant 64 : i32
    %mul3A_228 = arith.muli %arg0, %mul3A_227 : i32
    "tpu.region"() ({
      %run_scoped3A = tpu.sem_alloc : memref<!tpu.dma_semaphore, #tpu.memory_space<semaphore_mem>>
      %dma_start3A_229 = tpu.memref_slice %arg5[%mul3A_226, %mul3A_228] : memref<10240x128xf32, #tpu.memory_space<hbm>> -> memref<640x64xf32, #tpu.memory_space<hbm>>
      %dma_start3A_230 = arith.constant 0 : i32
      %dma_start3A_231 = tpu.memref_slice %arg10[%mul3A_226, %dma_start3A_230] : memref<10240x64xf32, #tpu.memory_space<vmem_shared>> -> memref<640x64xf32, #tpu.memory_space<vmem_shared>>
      tpu.enqueue_dma source(%dma_start3A_231 : memref<640x64xf32, #tpu.memory_space<vmem_shared>>) target(%dma_start3A_229 : memref<640x64xf32, #tpu.memory_space<hbm>>) target_semaphore(%run_scoped3A : memref<!tpu.dma_semaphore, #tpu.memory_space<semaphore_mem>>)
      %dma_wait3A_232 = tpu.memref_slice %arg5[%mul3A_226, %mul3A_228] : memref<10240x128xf32, #tpu.memory_space<hbm>> -> memref<640x64xf32, #tpu.memory_space<hbm>>
      %dma_wait3A_233 = arith.constant 0 : i32
      %dma_wait3A_234 = tpu.memref_slice %arg10[%mul3A_226, %dma_wait3A_233] : memref<10240x64xf32, #tpu.memory_space<vmem_shared>> -> memref<640x64xf32, #tpu.memory_space<vmem_shared>>
      tpu.wait_dma2 semaphore(%run_scoped3A : memref<!tpu.dma_semaphore, #tpu.memory_space<semaphore_mem>>) src(%dma_wait3A_234 : memref<640x64xf32, #tpu.memory_space<vmem_shared>>) dst(%dma_wait3A_232 : memref<640x64xf32, #tpu.memory_space<hbm>>)
      tpu.yield
    }) : () -> ()
    return
  }
}

module attributes {stable_mosaic.version = 14 : i64} {
  func.func @_tc1_body(%arg0: i32, %arg1: memref<2000x1xf32, #tpu.memory_space<vmem>>, %arg2: memref<2000x1xf32, #tpu.memory_space<vmem>>, %arg3: memref<2000x128xf32, #tpu.memory_space<vmem>>, %arg4: memref<2000x128xf32, #tpu.memory_space<vmem>>) attributes {dimension_semantics = [#tpu.dimension_semantics<arbitrary>], iteration_bounds = array<i64: 5>, scalar_prefetch = 0 : i64, scratch_operands = 0 : i64, tpu.core_type = #tpu.core_type<tc>, window_params = [{transform_indices = @transform_0, window_bounds = array<i64: 2000, 1>}, {transform_indices = @transform_1, window_bounds = array<i64: 2000, 1>}, {transform_indices = @transform_2, window_bounds = array<i64: 2000, 128>}, {transform_indices = @transform_3, window_bounds = array<i64: 2000, 128>}]} {
    %get3A = arith.constant 0 : index
    %get3A_0 = arith.constant 0 : index
    %get3A_1 = vector.load %arg3[%get3A, %get3A_0] : memref<2000x128xf32, #tpu.memory_space<vmem>>, vector<2000x128xf32>
    %get3A_2 = arith.constant 0 : index
    %get3A_3 = arith.constant 0 : index
    %get3A_4 = vector.load %arg1[%get3A_2, %get3A_3] : memref<2000x1xf32, #tpu.memory_space<vmem>>, vector<2000x1xf32>
    %get3A_5 = arith.constant 0 : index
    %get3A_6 = arith.constant 0 : index
    %get3A_7 = vector.load %arg2[%get3A_5, %get3A_6] : memref<2000x1xf32, #tpu.memory_space<vmem>>, vector<2000x1xf32>
    %add3A = arith.addf %get3A_4, %get3A_7 : vector<2000x1xf32>
    %max3A = arith.constant 1.000000e+00 : f32
    %max3A_8 = vector.broadcast %max3A : f32 to vector<2000x1xf32>
    %max3A_9 = arith.maximumf %add3A, %max3A_8 : vector<2000x1xf32>
    %rsqrt3A = math.rsqrt %max3A_9 : vector<2000x1xf32>
    %mul3A = vector.broadcast %rsqrt3A : vector<2000x1xf32> to vector<2000x128xf32>
    %mul3A_10 = arith.mulf %get3A_1, %mul3A : vector<2000x128xf32>
    %swap3A = arith.constant 0 : index
    %swap3A_11 = arith.constant 0 : index
    %swap3A_12 = vector.load %arg4[%swap3A, %swap3A_11] : memref<2000x128xf32, #tpu.memory_space<vmem>>, vector<2000x128xf32>
    tpu.vector_store %arg4[%swap3A, %swap3A_11], %mul3A_10 {strides = array<i32>} : memref<2000x128xf32, #tpu.memory_space<vmem>>, vector<2000x128xf32>,
    return
  }
  func.func @transform_0(%arg0: i32) -> (i32, i32) {
    %c0_i32 = arith.constant 0 : i32
    %c0_i32_0 = arith.constant 0 : i32
    return %arg0, %c0_i32 : i32, i32
  }
  func.func @transform_1(%arg0: i32) -> (i32, i32) {
    %c0_i32 = arith.constant 0 : i32
    %c0_i32_0 = arith.constant 0 : i32
    return %arg0, %c0_i32 : i32, i32
  }
  func.func @transform_2(%arg0: i32) -> (i32, i32) {
    %c0_i32 = arith.constant 0 : i32
    %c0_i32_0 = arith.constant 0 : i32
    return %arg0, %c0_i32 : i32, i32
  }
  func.func @transform_3(%arg0: i32) -> (i32, i32) {
    %c0_i32 = arith.constant 0 : i32
    %c0_i32_0 = arith.constant 0 : i32
    return %arg0, %c0_i32 : i32, i32
  }
}

module attributes {stable_mosaic.version = 14 : i64} {
  func.func @_tc2_body(%arg0: i32, %arg1: memref<2000x1xf32, #tpu.memory_space<vmem>>, %arg2: memref<2000x1xf32, #tpu.memory_space<vmem>>, %arg3: memref<2000x128xf32, #tpu.memory_space<vmem>>, %arg4: memref<2000x128xf32, #tpu.memory_space<vmem>>, %arg5: memref<128x128xf32, #tpu.memory_space<vmem>>, %arg6: memref<1x128xf32, #tpu.memory_space<vmem>>, %arg7: memref<2000x128xf32, #tpu.memory_space<vmem>>) attributes {dimension_semantics = [#tpu.dimension_semantics<arbitrary>], iteration_bounds = array<i64: 5>, scalar_prefetch = 0 : i64, scratch_operands = 0 : i64, tpu.core_type = #tpu.core_type<tc>, window_params = [{transform_indices = @transform_0, window_bounds = array<i64: 2000, 1>}, {transform_indices = @transform_1, window_bounds = array<i64: 2000, 1>}, {transform_indices = @transform_2, window_bounds = array<i64: 2000, 128>}, {transform_indices = @transform_3, window_bounds = array<i64: 2000, 128>}, {pipeline_mode = #tpu.pipeline_mode<synchronous>, transform_indices = @transform_4, window_bounds = array<i64: 128, 128>}, {pipeline_mode = #tpu.pipeline_mode<synchronous>, transform_indices = @transform_5, window_bounds = array<i64: 1, 128>}, {transform_indices = @transform_6, window_bounds = array<i64: 2000, 128>}]} {
    %get3A = arith.constant 0 : index
    %get3A_0 = arith.constant 0 : index
    %get3A_1 = vector.load %arg1[%get3A, %get3A_0] : memref<2000x1xf32, #tpu.memory_space<vmem>>, vector<2000x1xf32>
    %get3A_2 = arith.constant 0 : index
    %get3A_3 = arith.constant 0 : index
    %get3A_4 = vector.load %arg2[%get3A_2, %get3A_3] : memref<2000x1xf32, #tpu.memory_space<vmem>>, vector<2000x1xf32>
    %add3A = arith.addf %get3A_1, %get3A_4 : vector<2000x1xf32>
    %max3A = arith.constant 1.000000e+00 : f32
    %max3A_5 = vector.broadcast %max3A : f32 to vector<2000x1xf32>
    %max3A_6 = arith.maximumf %add3A, %max3A_5 : vector<2000x1xf32>
    %rsqrt3A = math.rsqrt %max3A_6 : vector<2000x1xf32>
    %get3A_7 = arith.constant 0 : index
    %get3A_8 = arith.constant 0 : index
    %get3A_9 = vector.load %arg3[%get3A_7, %get3A_8] : memref<2000x128xf32, #tpu.memory_space<vmem>>, vector<2000x128xf32>
    %mul3A = vector.broadcast %rsqrt3A : vector<2000x1xf32> to vector<2000x128xf32>
    %mul3A_10 = arith.mulf %get3A_9, %mul3A : vector<2000x128xf32>
    %get3A_11 = arith.constant 0 : index
    %get3A_12 = arith.constant 0 : index
    %get3A_13 = vector.load %arg5[%get3A_11, %get3A_12] : memref<128x128xf32, #tpu.memory_space<vmem>>, vector<128x128xf32>
    %dot_general3A = arith.constant dense<0.000000e+00> : vector<2000x128xf32>
    %dot_general3A_14 = tpu.matmul %mul3A_10, %get3A_13, %dot_general3A {dimension_numbers = #tpu.dot_dimension_numbers<[1], [0], [0], [1], [0, 0, 1, 1], [], []>, transpose_lhs_hint = false} : vector<2000x128xf32>, vector<128x128xf32>, vector<2000x128xf32> -> vector<2000x128xf32>
    %get3A_15 = arith.constant 0 : index
    %get3A_16 = arith.constant 0 : index
    %get3A_17 = vector.load %arg6[%get3A_15, %get3A_16] : memref<1x128xf32, #tpu.memory_space<vmem>>, vector<1x128xf32>
    %add3A_18 = vector.broadcast %get3A_17 : vector<1x128xf32> to vector<2000x128xf32>
    %add3A_19 = arith.addf %dot_general3A_14, %add3A_18 : vector<2000x128xf32>
    %get3A_20 = arith.constant 0 : index
    %get3A_21 = arith.constant 0 : index
    %get3A_22 = vector.load %arg4[%get3A_20, %get3A_21] : memref<2000x128xf32, #tpu.memory_space<vmem>>, vector<2000x128xf32>
    %add3A_23 = arith.addf %add3A_19, %get3A_22 : vector<2000x128xf32>
    %max3A_24 = arith.constant 0.000000e+00 : f32
    %max3A_25 = vector.broadcast %max3A_24 : f32 to vector<2000x128xf32>
    %max3A_26 = arith.maximumf %add3A_23, %max3A_25 : vector<2000x128xf32>
    %mul3A_27 = vector.broadcast %rsqrt3A : vector<2000x1xf32> to vector<2000x128xf32>
    %mul3A_28 = arith.mulf %max3A_26, %mul3A_27 : vector<2000x128xf32>
    %swap3A = arith.constant 0 : index
    %swap3A_29 = arith.constant 0 : index
    %swap3A_30 = vector.load %arg7[%swap3A, %swap3A_29] : memref<2000x128xf32, #tpu.memory_space<vmem>>, vector<2000x128xf32>
    tpu.vector_store %arg7[%swap3A, %swap3A_29], %mul3A_28 {strides = array<i32>} : memref<2000x128xf32, #tpu.memory_space<vmem>>, vector<2000x128xf32>,
    return
  }
  func.func @transform_0(%arg0: i32) -> (i32, i32) {
    %c0_i32 = arith.constant 0 : i32
    %c0_i32_0 = arith.constant 0 : i32
    return %arg0, %c0_i32 : i32, i32
  }
  func.func @transform_1(%arg0: i32) -> (i32, i32) {
    %c0_i32 = arith.constant 0 : i32
    %c0_i32_0 = arith.constant 0 : i32
    return %arg0, %c0_i32 : i32, i32
  }
  func.func @transform_2(%arg0: i32) -> (i32, i32) {
    %c0_i32 = arith.constant 0 : i32
    %c0_i32_0 = arith.constant 0 : i32
    return %arg0, %c0_i32 : i32, i32
  }
  func.func @transform_3(%arg0: i32) -> (i32, i32) {
    %c0_i32 = arith.constant 0 : i32
    %c0_i32_0 = arith.constant 0 : i32
    return %arg0, %c0_i32 : i32, i32
  }
  func.func @transform_4(%arg0: i32) -> (i32, i32) {
    %c0_i32 = arith.constant 0 : i32
    %c0_i32_0 = arith.constant 0 : i32
    %c0_i32_1 = arith.constant 0 : i32
    return %c0_i32, %c0_i32_0 : i32, i32
  }
  func.func @transform_5(%arg0: i32) -> (i32, i32) {
    %c0_i32 = arith.constant 0 : i32
    %c0_i32_0 = arith.constant 0 : i32
    %c0_i32_1 = arith.constant 0 : i32
    return %c0_i32, %c0_i32_0 : i32, i32
  }
  func.func @transform_6(%arg0: i32) -> (i32, i32) {
    %c0_i32 = arith.constant 0 : i32
    %c0_i32_0 = arith.constant 0 : i32
    return %arg0, %c0_i32 : i32, i32
  }
}

module attributes {stable_mosaic.version = 14 : i64} {
  func.func @_tc3_body(%arg0: i32, %arg1: memref<2000x1xf32, #tpu.memory_space<vmem>>, %arg2: memref<2000x1xf32, #tpu.memory_space<vmem>>, %arg3: memref<2000x128xf32, #tpu.memory_space<vmem>>, %arg4: memref<128x128xf32, #tpu.memory_space<vmem>>, %arg5: memref<1x128xf32, #tpu.memory_space<vmem>>, %arg6: memref<2000x128xf32, #tpu.memory_space<vmem>>) attributes {dimension_semantics = [#tpu.dimension_semantics<arbitrary>], iteration_bounds = array<i64: 5>, scalar_prefetch = 0 : i64, scratch_operands = 0 : i64, tpu.core_type = #tpu.core_type<tc>, window_params = [{transform_indices = @transform_0, window_bounds = array<i64: 2000, 1>}, {transform_indices = @transform_1, window_bounds = array<i64: 2000, 1>}, {transform_indices = @transform_2, window_bounds = array<i64: 2000, 128>}, {pipeline_mode = #tpu.pipeline_mode<synchronous>, transform_indices = @transform_3, window_bounds = array<i64: 128, 128>}, {pipeline_mode = #tpu.pipeline_mode<synchronous>, transform_indices = @transform_4, window_bounds = array<i64: 1, 128>}, {transform_indices = @transform_5, window_bounds = array<i64: 2000, 128>}]} {
    %get3A = arith.constant 0 : index
    %get3A_0 = arith.constant 0 : index
    %get3A_1 = vector.load %arg1[%get3A, %get3A_0] : memref<2000x1xf32, #tpu.memory_space<vmem>>, vector<2000x1xf32>
    %get3A_2 = arith.constant 0 : index
    %get3A_3 = arith.constant 0 : index
    %get3A_4 = vector.load %arg2[%get3A_2, %get3A_3] : memref<2000x1xf32, #tpu.memory_space<vmem>>, vector<2000x1xf32>
    %add3A = arith.addf %get3A_1, %get3A_4 : vector<2000x1xf32>
    %max3A = arith.constant 1.000000e+00 : f32
    %max3A_5 = vector.broadcast %max3A : f32 to vector<2000x1xf32>
    %max3A_6 = arith.maximumf %add3A, %max3A_5 : vector<2000x1xf32>
    %rsqrt3A = math.rsqrt %max3A_6 : vector<2000x1xf32>
    %get3A_7 = arith.constant 0 : index
    %get3A_8 = arith.constant 0 : index
    %get3A_9 = vector.load %arg3[%get3A_7, %get3A_8] : memref<2000x128xf32, #tpu.memory_space<vmem>>, vector<2000x128xf32>
    %mul3A = vector.broadcast %rsqrt3A : vector<2000x1xf32> to vector<2000x128xf32>
    %mul3A_10 = arith.mulf %get3A_9, %mul3A : vector<2000x128xf32>
    %get3A_11 = arith.constant 0 : index
    %get3A_12 = arith.constant 0 : index
    %get3A_13 = vector.load %arg4[%get3A_11, %get3A_12] : memref<128x128xf32, #tpu.memory_space<vmem>>, vector<128x128xf32>
    %dot_general3A = arith.constant dense<0.000000e+00> : vector<2000x128xf32>
    %dot_general3A_14 = tpu.matmul %mul3A_10, %get3A_13, %dot_general3A {dimension_numbers = #tpu.dot_dimension_numbers<[1], [0], [0], [1], [0, 0, 1, 1], [], []>, transpose_lhs_hint = false} : vector<2000x128xf32>, vector<128x128xf32>, vector<2000x128xf32> -> vector<2000x128xf32>
    %get3A_15 = arith.constant 0 : index
    %get3A_16 = arith.constant 0 : index
    %get3A_17 = vector.load %arg5[%get3A_15, %get3A_16] : memref<1x128xf32, #tpu.memory_space<vmem>>, vector<1x128xf32>
    %add3A_18 = vector.broadcast %get3A_17 : vector<1x128xf32> to vector<2000x128xf32>
    %add3A_19 = arith.addf %dot_general3A_14, %add3A_18 : vector<2000x128xf32>
    %swap3A = arith.constant 0 : index
    %swap3A_20 = arith.constant 0 : index
    %swap3A_21 = vector.load %arg6[%swap3A, %swap3A_20] : memref<2000x128xf32, #tpu.memory_space<vmem>>, vector<2000x128xf32>
    tpu.vector_store %arg6[%swap3A, %swap3A_20], %add3A_19 {strides = array<i32>} : memref<2000x128xf32, #tpu.memory_space<vmem>>, vector<2000x128xf32>,
    return
  }
  func.func @transform_0(%arg0: i32) -> (i32, i32) {
    %c0_i32 = arith.constant 0 : i32
    %c0_i32_0 = arith.constant 0 : i32
    return %arg0, %c0_i32 : i32, i32
  }
  func.func @transform_1(%arg0: i32) -> (i32, i32) {
    %c0_i32 = arith.constant 0 : i32
    %c0_i32_0 = arith.constant 0 : i32
    return %arg0, %c0_i32 : i32, i32
  }
  func.func @transform_2(%arg0: i32) -> (i32, i32) {
    %c0_i32 = arith.constant 0 : i32
    %c0_i32_0 = arith.constant 0 : i32
    return %arg0, %c0_i32 : i32, i32
  }
  func.func @transform_3(%arg0: i32) -> (i32, i32) {
    %c0_i32 = arith.constant 0 : i32
    %c0_i32_0 = arith.constant 0 : i32
    %c0_i32_1 = arith.constant 0 : i32
    return %c0_i32, %c0_i32_0 : i32, i32
  }
  func.func @transform_4(%arg0: i32) -> (i32, i32) {
    %c0_i32 = arith.constant 0 : i32
    %c0_i32_0 = arith.constant 0 : i32
    %c0_i32_1 = arith.constant 0 : i32
    return %c0_i32, %c0_i32_0 : i32, i32
  }
  func.func @transform_5(%arg0: i32) -> (i32, i32) {
    %c0_i32 = arith.constant 0 : i32
    %c0_i32_0 = arith.constant 0 : i32
    return %arg0, %c0_i32 : i32, i32
  }
}

</mosaic_0001>

<sc_bundles>
// kernel: kernel.11.cloned.1.call-start
scs
__scs_entry_jumppad:
0x0: {  	(pc) =	sbr.rel $0x88, $3  }
0x1: {  	(tag) =	ssettag $0x0;
	lr =	simm.s32 $0x1  }
0x2: {  	[smem:$0x3F9B] =	sst lr;
	_ =	strace $0xD0000000  }
0x3: {  	_ = 	snop  }
0x4: {  	_ = 	snop  }
0x5: {  	_ = 	snop  }
0x6: {  	_ = 	snop  }
0x7: {  	_ = 	snop  }
__scs_overlays_trampoline_lowered:
0x8: {  	[smem:$0x3FAA] =	sst s0  }
0x9: {  	[smem:$0x3FAB] =	sst s1  }
0xa: {  	[smem:$0x3FAC] =	sst s2  }
0xb: {  	[smem:$0x3FAD] =	sst s3  }
0xc: {  	[smem:$0x3FAE] =	sst s4  }
0xd: {  	[smem:$0x3FAF] =	sst s5  }
0xe: {  	[smem:$0x3FB0] =	sst s6  }
0xf: {  	[smem:$0x3FB1] =	sst s7  }
0x10: {  	[smem:$0x3FB2] =	sst s8  }
0x11: {  	[smem:$0x3FB3] =	sst s9;
	s0 =	simm.s32 @!p0 $0x0  }
0x12: {  	s1 =	sld [smem:$0x3F99];
	s0 =	simm.s32 @p0 $0x1  }
0x13: {  	[smem:$0x3FB4] =	sst s0;
	s0 =	simm.s32 @!p1 $0x0  }
0x14: {  	s2 =	sld [smem:$0x3F98];
	s0 =	simm.s32 @p1 $0x1  }
0x15: {  	[smem:$0x3FB5] =	sst s0;
	s0 =	simm.s32 @!p2 $0x0  }
0x16: {  	s3 =	sld [smem:$0x3FDB];
	s0 =	simm.s32 @p2 $0x1  }
0x17: {  	s4 =	simm.s32 $0x1BF5;
	[smem:$0x3FB7] =	sst s0  }
0x18: {  	s0 =	sld [smem:$0x3F9A];
	_ =	swait.ge [sflag:s4], $0x0  }
0x19: {  	s7 =	sld [smem:$0x3F9B]  }
0x1a: {  	s8 =	sadd.s32 $0xFFFFE003, lr  }
0x1b: {  	s9 =	sadd.s32 $0xFFFFFEF7, lr;
	s5 =	simm.s32 $0xFFFFFFFF;
	p2 =	slt.u32 s8, $0xFFFFF086  }
0x1c: {  	p1 =	slt.u32 s9, $0xF7A;
	s5 =	simm.s32 @!p2 $0x0  }
0x1d: {  	s5 =	simm.s32 @p1 $0x1;
	p0 =	seq.s32 s7, s2  }
0x1e: {  	s7 =	smul.u32 @!p0 $0xF7A, s2;
	p2 =	seq.s32 @!p0 s5, $0x0  }
0x1f: {  	s9 =	smul.u32 $0xF7A, s1;
	s8 =	simm.s32 @!p0 $0x1BF5;
	p2 =	por !p2, p0  }
0x20: {  	[sflag:s8] =	ssyncset.s32 @!p0 $0xFFFFF086;
	s6 =	sadd.s32 @!p0 s3, s7;
	s7 =	simm.s32 @!p0 $0x108  }
0x21: {  	s3 =	sadd.s32 s3, s9;
	s6 =	sadd.s32 @!p0 $0x88, s6;
	s7 =	simm.s32 @p2 $0x1082  }
0x22: {  	[simem:s7], [sflag:s8] =	dma.local @!p0 [hbm:s6], $0xF7A  }
0x23: {  	s9 =	sor.u32 $0xD0000000, s2;
	s6 =	simm.s32 $0x108;
	_ =	swait.ge @!p0 [sflag:s8], $0x0  }
0x24: {  	s3 =	sadd.s32 $0x88, s3;
	s6 =	simm.s32 @!p1 $0x1082;
	[sflag:s4] =	ssyncset.s32 $0xFFFFF086  }
0x25: {  	[simem:s6], [sflag:s4] =	dma.local [hbm:s3], $0xF7A  }
0x26: {  	[smem:$0x3F9B] =	sst s1;
	(tag) =	ssettag s2;
	_ =	strace s9  }
0x27: {  	s1 =	sld [smem:$0x3FAB]  }
0x28: {  	s2 =	sld [smem:$0x3FAC]  }
0x29: {  	s4 =	sld [smem:$0x3FAE]  }
0x2a: {  	p0 =	seq.s32 s5, $0x0;
	s5 =	sld [smem:$0x3FAF]  }
0x2b: {  	s6 =	sld [smem:$0x3FB0]  }
0x2c: {  	s7 =	sld [smem:$0x3FB1]  }
0x2d: {  	s3 =	simm.s32 $0x108;
	s8 =	sld [smem:$0x3FB2]  }
0x2e: {  	s3 =	simm.s32 @!p0 $0x1082;
	s9 =	sld [smem:$0x3FB3]  }
0x2f: {  	lr =	sadd.s32 s0, s3;
	s0 =	sld [smem:$0x3FAA]  }
0x30: {  	s3 =	sld [smem:$0x3FAD]  }
0x31: {  	[smem:$0x3FB6] =	sst s10  }
0x32: {  	s10 =	sld [smem:$0x3FB4];
	_ =	sdelay $0x3  }
0x33: {  	p0 =	seq.s32 s10, $0x1;
	s10 =	sld [smem:$0x3FB6];
	_ =	sdelay $0x3  }
0x34: {  	[smem:$0x3FB6] =	sst s10  }
0x35: {  	s10 =	sld [smem:$0x3FB5];
	_ =	sdelay $0x3  }
0x36: {  	p1 =	seq.s32 s10, $0x1;
	s10 =	sld [smem:$0x3FB6];
	_ =	sdelay $0x3  }
0x37: {  	[smem:$0x3FB6] =	sst s10  }
0x38: {  	s10 =	sld [smem:$0x3FB7]  }
0x39: {  	_ = 	snop;
	(pc) =	sbr.ind lr, $3  }
0x3a: {  	_ = 	snop  }
0x3b: {  	_ = 	snop  }
0x3c: {  	p2 =	seq.s32 s10, $0x1;
	s10 =	sld [smem:$0x3FB6]  }
0x3d: {  	_ =	shalt  }
0x3e: {  	_ =	shalt  }
0x3f: {  	_ =	shalt  }
0x40: {  	_ =	shalt  }
0x41: {  	_ =	shalt  }
0x42: {  	_ =	shalt  }
0x43: {  	_ =	shalt  }
0x44: {  	_ =	shalt  }
0x45: {  	_ =	shalt  }
0x46: {  	_ =	shalt  }
0x47: {  	_ =	shalt  }
0x48: {  	_ =	shalt  }
0x49: {  	_ =	shalt  }
0x4a: {  	_ =	shalt  }
0x4b: {  	_ =	shalt  }
0x4c: {  	_ =	shalt  }
0x4d: {  	_ =	shalt  }
0x4e: {  	_ =	shalt  }
0x4f: {  	_ =	shalt  }
0x50: {  	_ =	shalt  }
0x51: {  	_ =	shalt  }
0x52: {  	_ =	shalt  }
0x53: {  	_ =	shalt  }
0x54: {  	_ =	shalt  }
0x55: {  	_ =	shalt  }
0x56: {  	_ =	shalt  }
0x57: {  	_ =	shalt  }
0x58: {  	_ =	shalt  }
0x59: {  	_ =	shalt  }
0x5a: {  	_ =	shalt  }
0x5b: {  	_ =	shalt  }
0x5c: {  	_ =	shalt  }
0x5d: {  	_ =	shalt  }
0x5e: {  	_ =	shalt  }
0x5f: {  	_ =	shalt  }
0x60: {  	_ =	shalt  }
0x61: {  	_ =	shalt  }
0x62: {  	_ =	shalt  }
0x63: {  	_ =	shalt  }
0x64: {  	_ =	shalt  }
0x65: {  	_ =	shalt  }
0x66: {  	_ =	shalt  }
0x67: {  	_ =	shalt  }
0x68: {  	_ =	shalt  }
0x69: {  	_ =	shalt  }
0x6a: {  	_ =	shalt  }
0x6b: {  	_ =	shalt  }
0x6c: {  	_ =	shalt  }
0x6d: {  	_ =	shalt  }
0x6e: {  	_ =	shalt  }
0x6f: {  	_ =	shalt  }
0x70: {  	_ =	shalt  }
0x71: {  	_ =	shalt  }
0x72: {  	_ =	shalt  }
0x73: {  	_ =	shalt  }
0x74: {  	_ =	shalt  }
0x75: {  	_ =	shalt  }
0x76: {  	_ =	shalt  }
0x77: {  	_ =	shalt  }
0x78: {  	_ =	shalt  }
0x79: {  	_ =	shalt  }
0x7a: {  	_ =	shalt  }
0x7b: {  	_ =	shalt  }
0x7c: {  	_ =	shalt  }
0x7d: {  	_ =	shalt  }
0x7e: {  	_ =	shalt  }
0x7f: {  	_ =	shalt  }
0x80: {  	_ =	shalt  }
0x81: {  	_ =	shalt  }
0x82: {  	_ =	shalt  }
0x83: {  	_ =	shalt  }
0x84: {  	_ =	shalt  }
0x85: {  	_ =	shalt  }
0x86: {  	_ =	shalt  }
0x87: {  	_ =	shalt  }
.Lfunc_end0:
.L_simem_size_0:
called_computation.1_lowered:
.L_overlay_start_0:
0x88: {  	s2 =	sld [smem:$0x3FD9]  }
0x89: {  	s3 =	sld [smem:$0x3FFE];
	_ =	sdelay $0x1  }
0x8a: {  	s1 =	srdreg.scid  }
0x8b: {  	s0 =	sand.u32 $0x1, s1  }
0x8c: {  	s17 =	sshll.u32 s0, $0xA;
	s2 =	sadd.s32 s3, s2  }
0x8d: {  	s2 =	sadd.s32 s2, s17  }
0x8e: {  	[smem:$0x3FC2] =	sst s2  }
0x8f: {  	_ = 	snop  }
0x90: {  	s2 =	sld [smem:$0x3FD0];
	(tm) =	ssettm $0x1  }
0x91: {  	s18 =	sld [smem:$0x3FFB];
	_ =	sdelay $0x3  }
0x92: {  	_ =	strace s18  }
0x93: {  	s3 =	sld [smem:$0x3FFC];
	_ =	sdelay $0x3  }
0x94: {  	_ =	strace s3  }
0x95: {  	s3 =	sld [smem:$0x3FFD];
	_ =	sdelay $0x3  }
0x96: {  	_ =	strace s3  }
0x97: {  	_ =	strace $0x8FFFFFFF  }
0x98: {  	s19 =	sld [smem:$0x3FDB];
	_ =	sdelay $0x1  }
0x99: {  	s4 =	simm.s32 $_scs_section_size  }
0x9a: {  	s5 =	simm.s32 $_size__tile_overlayer_lowered;
	s6 =	simm.s32 $_tile_overlayer_lowered  }
0x9b: {  	s22 =	simm.s32 $0x1BFF;
	s21 =	sshll.u32 s6, $0x1;
	s3 =	sadd.s32 s4, s19  }
0x9c: {  	s7 =	simm.s32 $0x0;
	s20 =	sshll.u32 s5, $0x1;
	s5 =	sadd.s32 s21, s3  }
0x9d: {  	[timem:s7], [sflag:s22] =	dma.local [hbm:s5], s20  }
0x9e: {  	_ =	swait.ge [sflag:s22], s20  }
0x9f: {  	s4 =	ssub.s32 $0x0, s20;
	[sflag:s22] =	ssyncset.done $0x0  }
0xa0: {  	[sflag:s22] =	ssyncadd.s32 s4;
	_ =	sdelay $0x1  }
0xa1: {  	s23 =	simm.s32 $0x1B8B  }
0xa2: {  	_ =	swait.ge [sflag:s23], $0x1  }
0xa3: {  	[sflag:s23] =	ssyncset.done $0x0  }
0xa4: {  	s25 =	simm.s32 $0x1B8E;
	s24 =	sld [smem:$0x3FFE];
	[sflag:s23] =	ssyncadd.s32 $0xFFFFFFFF  }
0xa5: {  	s26 =	simm.s32 $execute0_lowered;
	[smem:$0x3FD2] =	sst s25  }
0xa6: {  	s5 =	sshll.u32 s26, $0x1;
	_ =	strace $0x80000049;
	[dreg:$0x1] =	wrdreg $0xFFFFFFFF  }
0xa7: {  	s28 =	simm.s32 $_size_execute0_lowered;
	s3 =	sadd.s32 s3, s5;
	[dreg:$0x0] =	wrdreg $0x0  }
0xa8: {  	s5 =	sshll.u32 s28, $0x1;
	[dreg:$0x2] =	wrdreg s3  }
0xa9: {  	[dreg:$0x3] =	wrdreg s5  }
0xaa: {  	[dreg:$0x4] =	wrdreg $0xC0  }
0xab: {  	_ =	task [dreg:s7], $0x5FFFF  }
0xac: {  	[dreg:$0x1] =	wrdreg $0xFFFFFFFF  }
0xad: {  	[dreg:$0x0] =	wrdreg $0x60  }
0xae: {  	[dreg:$0x2] =	wrdreg s2  }
0xaf: {  	[dreg:$0x3] =	wrdreg s24  }
0xb0: {  	[dreg:$0x4] =	wrdreg $0x120400  }
0xb1: {  	[dreg:$0x5] =	wrdreg $0x9  }
0xb2: {  	_ =	task.clear_ibuf [dreg:s7], $0x6FFFF;
	_ =	strace $0x90000049  }
0xb3: {  	s29 =	simm.s32 $0x9;
	_ =	strace $0x8000004B  }
0xb4: {  	_ =	swait.ge [sflag:s29], $0x1  }
0xb5: {  	[sflag:s29] =	ssyncadd.s32 $0xFFFFFFFF  }
0xb6: {  	_ =	strace $0x9000004B  }
0xb7: {  	_ =	sfence  }
0xb8: {  	s30 =	sld [smem:$0x0];
	_ =	sdelay $0x2  }
0xb9: {  	s31 =	sshll.u32 s1, $0xD;
	s1 =	sshrl.u32 s1, $0x2  }
0xba: {  	s3 =	sand.u32 $0x4000, s31;
	s1 =	sadd.s32 s1, s30  }
0xbb: {  	s0 =	sor.u32 s3, s0;
	s1 =	sshll.u32 s1, $0x11  }
0xbc: {  	s0 =	sor.u32 s1, s0  }
0xbd: {  	s0 =	sadd.s32 $0x8F2B, s0  }
0xbe: {  	[sflag:s0] =	ssyncadd.remote.s32 $0x1  }
0xbf: {  	_ =	sfence.sel $0xFFFF  }
0xc0: {  	[dreg:$0x0] =	wrdreg $0xFFFFFFFF;
	(pc) =	sbr.abs _section_cstart, $3  }
0xc1: {  	[dreg:$0x1] =	wrdreg $0xFFFFFFFF  }
0xc2: {  	_ =	task.clear_ibuf [dreg:s7], $0x2FFFF;
	_ =	strace $0x9FFFFFFF  }
0xc3: {  	(tm) =	ssettm $0x7FFFFFFF  }
tec
execute0_lowered:
.L_overlay_start_1:
0x0: {  	(tag) =	ssettag $0x1  }
0x1: {  	s2 =	rddreg [dreg:$0x0]  }
0x2: {  	s0 =	rddreg [dreg:$0x1]  }
0x3: {  	s3 =	rddreg [dreg:$0x2]  }
0x4: {  	s8 =	stileid.u32;
	s4 =	simm.s32 $0x0;
	s5 =	srdreg.scid  }
0x5: {  	s16 =	simm.s32 $0x10040;
	s17 =	simm.s32 $0x3;
	s18 =	simm.s32 $0x1  }
0x6: {  	s19 =	simm.s32 $0x2;
	s20 =	simm.s32 $0x6;
	s28 =	simm.s32 $0xB040  }
0x7: {  	s30 =	simm.s32 $0xC440;
	s29 =	simm.s32 $0x4;
	s1 =	smul.u32 $0x9C4, s8  }
0x8: {  	s31 =	simm.s32 $0x5;
	s15 =	simm.s32 $0xB;
	s6 =	smul.u32 $0x14000, s8  }
0x9: {  	[smem:$0x7FF] =	sst s4;
	s5 =	sand.u32 $0x1, s5;
	s21 =	smul.u32 $0x28000, s8  }
0xa: {  	s22 =	sadd.s32 $0x15E00, s0;
	_ =	strace $0x8000004A;
	s7 =	sshll.u32 s5, $0x6  }
0xb: {  	[dreg:$0x4] =	wrdreg s22;
	s23 =	ssub.s32 $0x2, s5;
	s22 =	simm.s32 $0x8  }
0xc: {  	v0 =	vmov s5;
	s5 =	simm.s32 $0x0;
	s1 =	sadd.s32 s1, s0;
	s6 =	sor.u32 s7, s6  }
0xd: {  	s24 =	sshrl.u32 s23, $0x1;
	s7 =	sshrl.u32 s21, $0x2;
	s21 =	simm.s32 $0x7  }
0xe: {  	s6 =	sshrl.u32 s6, $0x3;
	s25 =	sadd.s32 $0x2400, s1;
	s7 =	sadd.s32 s7, s3  }
0xf: {  	s1 =	sadd.s32 $0xC040, s1;
	s0 =	sadd.s32 s6, s0;
	[dreg:$0x5] =	wrdreg s25  }
0x10: {  	s6 =	ssub.s32 s23, s24;
	[dreg:$0x6] =	wrdreg s1;
	s26 =	sadd.s32 $0x2000, s7  }
0x11: {  	s10 =	sadd.s32 $0x4000, s7;
	s11 =	sadd.s32 $0x6000, s7;
	s12 =	sadd.s32 $0x8000, s7  }
0x12: {  	s23 =	simm.s32 $0x9;
	s24 =	simm.s32 $0xA;
	s25 =	simm.s32 $0x50  }
0x13: {  	s1 =	simm.s32 $0xEC40;
	[dreg:$0x7] =	wrdreg s26;
	s13 =	sadd.s32 $0x16200, s0  }
0x14: {  	s14 =	smax.u32 s6, $0x1;
	s26 =	simm.s32 $0x9C40;
	s0 =	simm.s32 $0xD840  }
.LBB2_1:
0x15: {  	s6 =	rddreg [dreg:$0x5]  }
0x16: {  	[tilespmem:s4], [sflag:$0x1] =	stream.linear.gather [hbm4b:s6+s4], $0x4E20, $0x38;
	[tilespmem:$0x1C040] =	vst v63  }
0x17: {  	s9 =	rddreg [dreg:$0x6];
	s8 =	simm.s32 $0x4E20  }
0x18: {  	[tilespmem:s8], [sflag:$0x2] =	stream.linear.gather [hbm4b:s9+s4], $0x4E20, $0x38;
	[tilespmem:$0x1C040] =	vst v63  }
0x19: {  	s8 =	rddreg [dreg:$0x4]  }
0x1a: {  	[tilespmem:s16], [sflag:$0x3] =	stream.linear.gather [hbm4b:s8+s4], $0x2000, $0x38;
	[tilespmem:$0x1C040] =	vst v63  }
0x1b: {  	_ =	swait.ge [sflag:s17], $0x2000  }
0x1c: {  	[sflag:s17] =	ssyncset.done $0x0  }
0x1d: {  	[sflag:s17] =	ssyncadd.s32 $0xFFFFE000  }
0x1e: {  	[spmem:s7] =	stream.linear.scatter [tilespmem:s16], [sflag:$0x6], $0x2000, $0x38;
	[tilespmem:$0x1C040] =	vst v63  }
0x1f: {  	s9 =	rddreg [dreg:$0x7]  }
0x20: {  	[spmem:s9] =	stream.linear.scatter [tilespmem:s16], [sflag:$0x7], $0x2000, $0x38;
	[tilespmem:$0x1C040] =	vst v63  }
0x21: {  	_ = 	snop  }
0x22: {  	[spmem:s10] =	stream.linear.scatter [tilespmem:s16], [sflag:$0x8], $0x2000, $0x38;
	[tilespmem:$0x1C040] =	vst v63  }
0x23: {  	_ = 	snop  }
0x24: {  	[spmem:s11] =	stream.linear.scatter [tilespmem:s16], [sflag:$0x9], $0x2000, $0x38;
	[tilespmem:$0x1C040] =	vst v63  }
0x25: {  	_ = 	snop  }
0x26: {  	[spmem:s12] =	stream.linear.scatter [tilespmem:s16], [sflag:$0xA], $0x2000, $0x38;
	[tilespmem:$0x1C040] =	vst v63  }
0x27: {  	_ =	swait.ge [sflag:s18], $0x4E20  }
0x28: {  	[sflag:s18] =	ssyncset.done $0x0  }
0x29: {  	s6 =	simm.s32 $0x0;
	[sflag:s18] =	ssyncadd.s32 $0xFFFFB1E0  }
0x2a: {  	v3 =	vld [tilespmem:s6+$0x0]  }
0x2b: {  	v4 =	vld [tilespmem:s6+$0x10]  }
0x2c: {  	v2 =	vld [tilespmem:s6+$0x20]  }
0x2d: {  	s8 =	simm.s32 $0x140;
	v1 =	vld [tilespmem:s6+$0x30]  }
.LBB2_2:
0x2e: {  	p0 =	sne.s32 s8, $0x13740;
	v5 =	vld [tilespmem:s6+$0x40]  }
0x2f: {  	v3 =	vshll.u32 v3, $0x1  }
0x30: {  	v3 =	vor.u32 v0, v3;
	v4 =	vshll.u32 v4, $0x1  }
.Ltmp0:
0x31: {  	s9 =	sshra.s32 s8, $0x2;
	[tilespmem:s6+$0x0] =	vst v3;
	v4 =	vor.u32 v0, v4;
	v2 =	vshll.u32 v2, $0x1;
	(pc) =	sbr.rel @p0 .LBB2_2-.Ltmp0, $4  }
0x32: {  	v3 =	vld [tilespmem:s9+$0x0];
	[tilespmem:s6+$0x10] =	vst v4;
	v2 =	vor.u32 v0, v2;
	v1 =	vshll.u32 v1, $0x1  }
0x33: {  	v4 =	vld [tilespmem:s9+$0x10];
	[tilespmem:s6+$0x20] =	vst v2;
	v1 =	vor.u32 v0, v1;
	v5 =	vshll.u32 v5, $0x1  }
0x34: {  	v2 =	vld [tilespmem:s9+$0x20];
	[tilespmem:s6+$0x30] =	vst v1;
	v5 =	vor.u32 v0, v5  }
0x35: {  	s8 =	sadd.s32 $0x140, s8;
	v1 =	vld [tilespmem:s9+$0x30];
	[tilespmem:s6+$0x40] =	vst v5;
	s6 =	smov.u32 s9  }
0x36: {  	v5 =	vld [tilespmem:s6+$0x40]  }
0x37: {  	v3 =	vshll.u32 v3, $0x1  }
0x38: {  	v3 =	vor.u32 v0, v3;
	v4 =	vshll.u32 v4, $0x1  }
0x39: {  	[tilespmem:s6+$0x0] =	vst v3;
	v3 =	vor.u32 v0, v4;
	v2 =	vshll.u32 v2, $0x1  }
0x3a: {  	[tilespmem:s6+$0x10] =	vst v3;
	v2 =	vor.u32 v0, v2;
	v1 =	vshll.u32 v1, $0x1  }
0x3b: {  	[tilespmem:s6+$0x20] =	vst v2;
	v1 =	vor.u32 v0, v1;
	v2 =	vshll.u32 v5, $0x1  }
0x3c: {  	[tilespmem:s6+$0x30] =	vst v1;
	v1 =	vor.u32 v0, v2  }
0x3d: {  	[tilespmem:s6+$0x40] =	vst v1  }
0x3e: {  	_ =	swait.ge [sflag:s19], $0x4E20  }
0x3f: {  	[sflag:s19] =	ssyncset.done $0x0  }
0x40: {  	[sflag:s19] =	ssyncadd.s32 $0xFFFFB1E0  }
0x41: {  	_ =	swait.ge [sflag:s20], $0x2000  }
0x42: {  	[sflag:s20] =	ssyncset.done $0x0  }
0x43: {  	[sflag:s20] =	ssyncadd.s32 $0xFFFFE000  }
0x44: {  	_ =	swait.ge [sflag:s21], $0x2000  }
0x45: {  	[sflag:s21] =	ssyncset.done $0x0  }
0x46: {  	[sflag:s21] =	ssyncadd.s32 $0xFFFFE000  }
0x47: {  	_ =	swait.ge [sflag:s22], $0x2000  }
0x48: {  	[sflag:s22] =	ssyncset.done $0x0  }
0x49: {  	[sflag:s22] =	ssyncadd.s32 $0xFFFFE000  }
0x4a: {  	_ =	swait.ge [sflag:s23], $0x2000  }
0x4b: {  	[sflag:s23] =	ssyncset.done $0x0  }
0x4c: {  	[sflag:s23] =	ssyncadd.s32 $0xFFFFE000  }
0x4d: {  	_ =	swait.ge [sflag:s24], $0x2000  }
0x4e: {  	[sflag:s24] =	ssyncset.done $0x0  }
0x4f: {  	[sflag:s24] =	ssyncadd.s32 $0xFFFFE000  }
0x50: {  	s9 =	simm.s32 $0x0;
	[bflag:$0x0] =	sbarrier.arrive $0xFFFF  }
0x51: {  	[tilespmem:s26], [sflag:$0x1] =	stream.indirect.gather [hbm4b:s2+s25], $0x40, s9, s25, $0xb8;
	[tilespmem:$0x1C040] =	vst v63  }
0x52: {  	_ = 	snop  }
0x53: {  	[tilespmem:s28], [sflag:$0x2] =	stream.indirect.gather [hbm4b:s2+s25], $0x40, s25, s25, $0xb8;
	[tilespmem:$0x1C040] =	vst v63  }
0x54: {  	s8 =	simm.s32 $0xA0  }
0x55: {  	[tilespmem:s30], [sflag:$0x3] =	stream.indirect.gather [hbm4b:s2+s25], $0x40, s8, s25, $0xb8;
	[tilespmem:$0x1C040] =	vst v63  }
0x56: {  	s9 =	simm.s32 $0xF0  }
0x57: {  	[tilespmem:s0], [sflag:$0x4] =	stream.indirect.gather [hbm4b:s2+s25], $0x40, s9, s25, $0xb8;
	[tilespmem:$0x1C040] =	vst v63  }
0x58: {  	s8 =	simm.s32 $0x140  }
0x59: {  	[tilespmem:s1], [sflag:$0x5] =	stream.indirect.gather [hbm4b:s2+s25], $0x40, s8, s25, $0xb8;
	[tilespmem:$0x1C040] =	vst v63  }
0x5a: {  	_ =	swait.ge [sflag:s18], $0x1400  }
0x5b: {  	[sflag:s18] =	ssyncset.done $0x0  }
0x5c: {  	s9 =	simm.s32 $0x4E20;
	[sflag:s18] =	ssyncadd.s32 $0xFFFFEC00  }
0x5d: {  	[spmem:s3] =	stream.indirect.scatter.add.f32 [tilespmem:s26], [sflag:$0x6], $0x40, s9, s25, $0xb8;
	[tilespmem:$0x1C040] =	vst v63  }
0x5e: {  	_ =	swait.ge [sflag:s19], $0x1400  }
0x5f: {  	[sflag:s19] =	ssyncset.done $0x0  }
0x60: {  	s8 =	simm.s32 $0x4E70;
	[sflag:s19] =	ssyncadd.s32 $0xFFFFEC00  }
0x61: {  	[spmem:s3] =	stream.indirect.scatter.add.f32 [tilespmem:s28], [sflag:$0x7], $0x40, s8, s25, $0xb8;
	[tilespmem:$0x1C040] =	vst v63  }
0x62: {  	_ =	swait.ge [sflag:s17], $0x1400  }
0x63: {  	[sflag:s17] =	ssyncset.done $0x0  }
0x64: {  	s9 =	simm.s32 $0x4EC0;
	[sflag:s17] =	ssyncadd.s32 $0xFFFFEC00  }
0x65: {  	[spmem:s3] =	stream.indirect.scatter.add.f32 [tilespmem:s30], [sflag:$0x8], $0x40, s9, s25, $0xb8;
	[tilespmem:$0x1C040] =	vst v63  }
0x66: {  	_ =	swait.ge [sflag:s29], $0x1400  }
0x67: {  	[sflag:s29] =	ssyncset.done $0x0  }
0x68: {  	s8 =	simm.s32 $0x4F10;
	[sflag:s29] =	ssyncadd.s32 $0xFFFFEC00  }
0x69: {  	[spmem:s3] =	stream.indirect.scatter.add.f32 [tilespmem:s0], [sflag:$0x9], $0x40, s8, s25, $0xb8;
	[tilespmem:$0x1C040] =	vst v63  }
0x6a: {  	_ =	swait.ge [sflag:s31], $0x1400  }
0x6b: {  	[sflag:s31] =	ssyncset.done $0x0  }
0x6c: {  	s9 =	simm.s32 $0x4F60;
	[sflag:s31] =	ssyncadd.s32 $0xFFFFEC00  }
0x6d: {  	[spmem:s3] =	stream.indirect.scatter.add.f32 [tilespmem:s1], [sflag:$0xA], $0x40, s9, s25, $0xb8;
	[tilespmem:$0x1C040] =	vst v63  }
0x6e: {  	_ =	swait.ge [sflag:s20], $0x1400  }
0x6f: {  	[sflag:s20] =	ssyncset.done $0x0  }
0x70: {  	s8 =	simm.s32 $0x190;
	[sflag:s20] =	ssyncadd.s32 $0xFFFFEC00  }
0x71: {  	[tilespmem:s26], [sflag:$0x1] =	stream.indirect.gather [hbm4b:s2+s25], $0x40, s8, s25, $0xb8;
	[tilespmem:$0x1C040] =	vst v63  }
0x72: {  	_ =	swait.ge [sflag:s21], $0x1400  }
0x73: {  	[sflag:s21] =	ssyncset.done $0x0  }
0x74: {  	s9 =	simm.s32 $0x1E0;
	[sflag:s21] =	ssyncadd.s32 $0xFFFFEC00  }
0x75: {  	[tilespmem:s28], [sflag:$0x2] =	stream.indirect.gather [hbm4b:s2+s25], $0x40, s9, s25, $0xb8;
	[tilespmem:$0x1C040] =	vst v63  }
0x76: {  	_ =	swait.ge [sflag:s22], $0x1400  }
0x77: {  	[sflag:s22] =	ssyncset.done $0x0  }
0x78: {  	s8 =	simm.s32 $0x230;
	[sflag:s22] =	ssyncadd.s32 $0xFFFFEC00  }
0x79: {  	[tilespmem:s30], [sflag:$0x3] =	stream.indirect.gather [hbm4b:s2+s25], $0x40, s8, s25, $0xb8;
	[tilespmem:$0x1C040] =	vst v63  }
0x7a: {  	_ =	swait.ge [sflag:s23], $0x1400  }
0x7b: {  	[sflag:s23] =	ssyncset.done $0x0  }
0x7c: {  	s9 =	simm.s32 $0x280;
	[sflag:s23] =	ssyncadd.s32 $0xFFFFEC00  }
0x7d: {  	[tilespmem:s0], [sflag:$0x4] =	stream.indirect.gather [hbm4b:s2+s25], $0x40, s9, s25, $0xb8;
	[tilespmem:$0x1C040] =	vst v63  }
0x7e: {  	_ =	swait.ge [sflag:s24], $0x1400  }
0x7f: {  	[sflag:s24] =	ssyncset.done $0x0  }
0x80: {  	s6 =	simm.s32 $0x640;
	s8 =	simm.s32 $0x2D0;
	[sflag:s24] =	ssyncadd.s32 $0xFFFFEC00  }
.LBB2_4:
0x81: {  	[tilespmem:s1], [sflag:$0x5] =	stream.indirect.gather [hbm4b:s2+s25], $0x40, s8, s25, $0xb8;
	[tilespmem:$0x1C040] =	vst v63  }
0x82: {  	s8 =	smov.u32 s6  }
0x83: {  	p0 =	sne.s32 s6, $0x12C00;
	s6 =	sadd.s32 $0x640, s6;
	_ =	swait.ge [sflag:s18], $0x1400  }
0x84: {  	s8 =	sshra.s32 s8, $0x2;
	[sflag:s18] =	ssyncset.done $0x0  }
0x85: {  	s9 =	sadd.s32 $0x4E20, s8;
	[sflag:s18] =	ssyncadd.s32 $0xFFFFEC00  }
0x86: {  	[spmem:s3] =	stream.indirect.scatter.add.f32 [tilespmem:s26], [sflag:$0x6], $0x40, s9, s25, $0xb8;
	[tilespmem:$0x1C040] =	vst v63  }
0x87: {  	_ =	swait.ge [sflag:s19], $0x1400  }
0x88: {  	[sflag:s19] =	ssyncset.done $0x0  }
0x89: {  	s9 =	sadd.s32 $0x4E70, s8;
	[sflag:s19] =	ssyncadd.s32 $0xFFFFEC00  }
0x8a: {  	[spmem:s3] =	stream.indirect.scatter.add.f32 [tilespmem:s28], [sflag:$0x7], $0x40, s9, s25, $0xb8;
	[tilespmem:$0x1C040] =	vst v63  }
0x8b: {  	_ =	swait.ge [sflag:s17], $0x1400  }
0x8c: {  	[sflag:s17] =	ssyncset.done $0x0  }
0x8d: {  	s9 =	sadd.s32 $0x4EC0, s8;
	[sflag:s17] =	ssyncadd.s32 $0xFFFFEC00  }
0x8e: {  	[spmem:s3] =	stream.indirect.scatter.add.f32 [tilespmem:s30], [sflag:$0x8], $0x40, s9, s25, $0xb8;
	[tilespmem:$0x1C040] =	vst v63  }
0x8f: {  	_ =	swait.ge [sflag:s29], $0x1400  }
0x90: {  	[sflag:s29] =	ssyncset.done $0x0  }
0x91: {  	s9 =	sadd.s32 $0x4F10, s8;
	[sflag:s29] =	ssyncadd.s32 $0xFFFFEC00  }
0x92: {  	[spmem:s3] =	stream.indirect.scatter.add.f32 [tilespmem:s0], [sflag:$0x9], $0x40, s9, s25, $0xb8;
	[tilespmem:$0x1C040] =	vst v63  }
0x93: {  	_ =	swait.ge [sflag:s31], $0x1400  }
0x94: {  	[sflag:s31] =	ssyncset.done $0x0  }
0x95: {  	s9 =	sadd.s32 $0x4F60, s8;
	[sflag:s31] =	ssyncadd.s32 $0xFFFFEC00  }
0x96: {  	[spmem:s3] =	stream.indirect.scatter.add.f32 [tilespmem:s1], [sflag:$0xA], $0x40, s9, s25, $0xb8;
	[tilespmem:$0x1C040] =	vst v63  }
0x97: {  	_ =	swait.ge [sflag:s20], $0x1400  }
0x98: {  	[sflag:s20] =	ssyncset.done $0x0  }
0x99: {  	s9 =	sadd.s32 $0x190, s8;
	[sflag:s20] =	ssyncadd.s32 $0xFFFFEC00  }
0x9a: {  	[tilespmem:s26], [sflag:$0x1] =	stream.indirect.gather [hbm4b:s2+s25], $0x40, s9, s25, $0xb8;
	[tilespmem:$0x1C040] =	vst v63  }
0x9b: {  	_ =	swait.ge [sflag:s21], $0x1400  }
0x9c: {  	[sflag:s21] =	ssyncset.done $0x0  }
0x9d: {  	s9 =	sadd.s32 $0x1E0, s8;
	[sflag:s21] =	ssyncadd.s32 $0xFFFFEC00  }
0x9e: {  	[tilespmem:s28], [sflag:$0x2] =	stream.indirect.gather [hbm4b:s2+s25], $0x40, s9, s25, $0xb8;
	[tilespmem:$0x1C040] =	vst v63  }
0x9f: {  	_ =	swait.ge [sflag:s22], $0x1400  }
0xa0: {  	[sflag:s22] =	ssyncset.done $0x0  }
0xa1: {  	s9 =	sadd.s32 $0x230, s8;
	[sflag:s22] =	ssyncadd.s32 $0xFFFFEC00  }
0xa2: {  	[tilespmem:s30], [sflag:$0x3] =	stream.indirect.gather [hbm4b:s2+s25], $0x40, s9, s25, $0xb8;
	[tilespmem:$0x1C040] =	vst v63  }
0xa3: {  	_ =	swait.ge [sflag:s23], $0x1400  }
0xa4: {  	[sflag:s23] =	ssyncset.done $0x0  }
.Ltmp1:
0xa5: {  	s9 =	sadd.s32 $0x280, s8;
	[sflag:s23] =	ssyncadd.s32 $0xFFFFEC00;
	(pc) =	sbr.rel @p0 .LBB2_4-.Ltmp1, $4  }
0xa6: {  	[tilespmem:s0], [sflag:$0x4] =	stream.indirect.gather [hbm4b:s2+s25], $0x40, s9, s25, $0xb8;
	[tilespmem:$0x1C040] =	vst v63  }
0xa7: {  	_ =	swait.ge [sflag:s24], $0x1400  }
0xa8: {  	[sflag:s24] =	ssyncset.done $0x0  }
0xa9: {  	s8 =	sadd.s32 $0x2D0, s8;
	[sflag:s24] =	ssyncadd.s32 $0xFFFFEC00  }
0xaa: {  	[tilespmem:s1], [sflag:$0x5] =	stream.indirect.gather [hbm4b:s2+s25], $0x40, s8, s25, $0xb8;
	[tilespmem:$0x1C040] =	vst v63  }
0xab: {  	_ =	swait.ge [sflag:s18], $0x1400  }
0xac: {  	[sflag:s18] =	ssyncset.done $0x0  }
0xad: {  	s6 =	simm.s32 $0x9AB0;
	[sflag:s18] =	ssyncadd.s32 $0xFFFFEC00  }
0xae: {  	[spmem:s3] =	stream.indirect.scatter.add.f32 [tilespmem:s26], [sflag:$0x6], $0x40, s6, s25, $0xb8;
	[tilespmem:$0x1C040] =	vst v63  }
0xaf: {  	_ =	swait.ge [sflag:s19], $0x1400  }
0xb0: {  	[sflag:s19] =	ssyncset.done $0x0  }
0xb1: {  	s9 =	simm.s32 $0x9B00;
	[sflag:s19] =	ssyncadd.s32 $0xFFFFEC00  }
0xb2: {  	[spmem:s3] =	stream.indirect.scatter.add.f32 [tilespmem:s28], [sflag:$0x7], $0x40, s9, s25, $0xb8;
	[tilespmem:$0x1C040] =	vst v63  }
0xb3: {  	_ =	swait.ge [sflag:s17], $0x1400  }
0xb4: {  	[sflag:s17] =	ssyncset.done $0x0  }
0xb5: {  	s8 =	simm.s32 $0x9B50;
	[sflag:s17] =	ssyncadd.s32 $0xFFFFEC00  }
0xb6: {  	[spmem:s3] =	stream.indirect.scatter.add.f32 [tilespmem:s30], [sflag:$0x8], $0x40, s8, s25, $0xb8;
	[tilespmem:$0x1C040] =	vst v63  }
0xb7: {  	_ =	swait.ge [sflag:s29], $0x1400  }
0xb8: {  	[sflag:s29] =	ssyncset.done $0x0  }
0xb9: {  	s9 =	simm.s32 $0x9BA0;
	[sflag:s29] =	ssyncadd.s32 $0xFFFFEC00  }
0xba: {  	[spmem:s3] =	stream.indirect.scatter.add.f32 [tilespmem:s0], [sflag:$0x9], $0x40, s9, s25, $0xb8;
	[tilespmem:$0x1C040] =	vst v63  }
0xbb: {  	_ =	swait.ge [sflag:s31], $0x1400  }
0xbc: {  	[sflag:s31] =	ssyncset.done $0x0  }
0xbd: {  	s8 =	simm.s32 $0x9BF0;
	[sflag:s31] =	ssyncadd.s32 $0xFFFFEC00  }
0xbe: {  	[spmem:s3] =	stream.indirect.scatter.add.f32 [tilespmem:s1], [sflag:$0xA], $0x40, s8, s25, $0xb8;
	[tilespmem:$0x1C040] =	vst v63  }
0xbf: {  	_ =	swait.ge [sflag:s20], $0x1400  }
0xc0: {  	[sflag:s20] =	ssyncset.done $0x0  }
0xc1: {  	[sflag:s20] =	ssyncadd.s32 $0xFFFFEC00  }
0xc2: {  	_ =	swait.ge [sflag:s21], $0x1400  }
0xc3: {  	[sflag:s21] =	ssyncset.done $0x0  }
0xc4: {  	[sflag:s21] =	ssyncadd.s32 $0xFFFFEC00  }
0xc5: {  	_ =	swait.ge [sflag:s22], $0x1400  }
0xc6: {  	[sflag:s22] =	ssyncset.done $0x0  }
0xc7: {  	[sflag:s22] =	ssyncadd.s32 $0xFFFFEC00  }
0xc8: {  	_ =	swait.ge [sflag:s23], $0x1400  }
0xc9: {  	[sflag:s23] =	ssyncset.done $0x0  }
0xca: {  	[sflag:s23] =	ssyncadd.s32 $0xFFFFEC00  }
0xcb: {  	s5 =	sadd.s32 $0x1, s5;
	s9 =	stileid.u32;
	_ =	swait.ge [sflag:s24], $0x1400  }
0xcc: {  	p0 =	sne.s32 s5, s14;
	s6 =	sshll.u32 s9, $0x6;
	[sflag:s24] =	ssyncset.done $0x0  }
0xcd: {  	s9 =	simm.s32 $0x10;
	s6 =	sor.u32 $0x1C0B, s6;
	[sflag:s24] =	ssyncadd.s32 $0xFFFFEC00  }
.Ltmp2:
0xce: {  	s8 =	sshrl.u32 s7, $0x3;
	[bflag:$0x0] =	sbarrier.arrive $0xFFFF;
	(pc) =	sbr.rel @p0 .LBB2_1-.Ltmp2, $4  }
0xcf: {  	[hbm:s13@s9], [sflag:s6] =	dma.strided [spmem:s8@s22], $0x1400, s18, $0x8   }
0xd0: {  	_ =	swait.ge [sflag:s15], $0x1400  }
0xd1: {  	[sflag:s15] =	ssyncset.done $0x0  }
0xd2: {  	[sflag:s15] =	ssyncadd.s32 $0xFFFFEC00  }
0xd3: {  	_ =	sfence.sel $0x180000  }
0xd4: {  	[bflag:$0x0] =	sbarrier.arrive $0xFFFF  }
0xd5: {  	_ =	strace $0x9000004A  }
0xd6: {  	s0 =	stileid.u32;
	[bflag:$0x2] =	sbarrier.arrive $0xFFFF  }
0xd7: {  	p0 =	sne.s32 s0, $0x0;
	s0 =	rddreg [dreg:$0x3]  }
0xd8: {  	s0 =	sadd.s32 @!p0 $0x100000, s0  }
0xd9: {  	[sflag:s0] =	ssyncadd.tile.s32 @!p0 $0x1;
	_ =	shalt  }
.Lfunc_end2:
_tile_overlayer_lowered:
.L_overlay_start_2:
0xda: {  	(tag) =	ssettag $0x2  }
0xdb: {  	s0 =	rddreg [dreg:$0x0];
	s2 =	stileid.u32  }
0xdc: {  	s1 =	rddreg [dreg:$0x1];
	p0 =	sne.s32 s2, $0x0  }
0xdd: {  	s3 =	rddreg [dreg:$0x2];
	[bflag:$0x3] =	sbarrier.arrive $0xFFFF;
	s2 =	simm.s32 @!p0 $0x1C0B  }
0xde: {  	[timem:s3], [sflag:s2] =	dma.local @!p0 [hbm:s0], s1  }
0xdf: {  	s0 =	simm.s32 @!p0 $0xB  }
0xe0: {  	_ =	swait.ge @!p0 [sflag:s0], s1  }
0xe1: {  	s1 =	ssub.s32 @!p0 $0x0, s1;
	[sflag:s0] =	ssyncset.done @!p0 $0x0  }
0xe2: {  	[sflag:s0] =	ssyncadd.s32 @!p0 s1  }
0xe3: {  	[bflag:$0x3] =	sbarrier.arrive $0xFFFF  }
0xe4: {  	_ =	shalt  }

// kernel: kernel.14.cloned.1.call-start
scs
__scs_entry_jumppad:
0x0: {  	(pc) =	sbr.rel $0x88, $3  }
0x1: {  	(tag) =	ssettag $0x0;
	lr =	simm.s32 $0x1  }
0x2: {  	[smem:$0x3F9B] =	sst lr;
	_ =	strace $0xD0000000  }
0x3: {  	_ = 	snop  }
0x4: {  	_ = 	snop  }
0x5: {  	_ = 	snop  }
0x6: {  	_ = 	snop  }
0x7: {  	_ = 	snop  }
__scs_overlays_trampoline_lowered:
0x8: {  	[smem:$0x3FAA] =	sst s0  }
0x9: {  	[smem:$0x3FAB] =	sst s1  }
0xa: {  	[smem:$0x3FAC] =	sst s2  }
0xb: {  	[smem:$0x3FAD] =	sst s3  }
0xc: {  	[smem:$0x3FAE] =	sst s4  }
0xd: {  	[smem:$0x3FAF] =	sst s5  }
0xe: {  	[smem:$0x3FB0] =	sst s6  }
0xf: {  	[smem:$0x3FB1] =	sst s7  }
0x10: {  	[smem:$0x3FB2] =	sst s8  }
0x11: {  	[smem:$0x3FB3] =	sst s9;
	s0 =	simm.s32 @!p0 $0x0  }
0x12: {  	s1 =	sld [smem:$0x3F99];
	s0 =	simm.s32 @p0 $0x1  }
0x13: {  	[smem:$0x3FB4] =	sst s0;
	s0 =	simm.s32 @!p1 $0x0  }
0x14: {  	s2 =	sld [smem:$0x3F98];
	s0 =	simm.s32 @p1 $0x1  }
0x15: {  	[smem:$0x3FB5] =	sst s0;
	s0 =	simm.s32 @!p2 $0x0  }
0x16: {  	s3 =	sld [smem:$0x3FDB];
	s0 =	simm.s32 @p2 $0x1  }
0x17: {  	s4 =	simm.s32 $0x1BF5;
	[smem:$0x3FB7] =	sst s0  }
0x18: {  	s0 =	sld [smem:$0x3F9A];
	_ =	swait.ge [sflag:s4], $0x0  }
0x19: {  	s7 =	sld [smem:$0x3F9B]  }
0x1a: {  	s8 =	sadd.s32 $0xFFFFE003, lr  }
0x1b: {  	s9 =	sadd.s32 $0xFFFFFEF7, lr;
	s5 =	simm.s32 $0xFFFFFFFF;
	p2 =	slt.u32 s8, $0xFFFFF086  }
0x1c: {  	p1 =	slt.u32 s9, $0xF7A;
	s5 =	simm.s32 @!p2 $0x0  }
0x1d: {  	s5 =	simm.s32 @p1 $0x1;
	p0 =	seq.s32 s7, s2  }
0x1e: {  	s7 =	smul.u32 @!p0 $0xF7A, s2;
	p2 =	seq.s32 @!p0 s5, $0x0  }
0x1f: {  	s9 =	smul.u32 $0xF7A, s1;
	s8 =	simm.s32 @!p0 $0x1BF5;
	p2 =	por !p2, p0  }
0x20: {  	[sflag:s8] =	ssyncset.s32 @!p0 $0xFFFFF086;
	s6 =	sadd.s32 @!p0 s3, s7;
	s7 =	simm.s32 @!p0 $0x108  }
0x21: {  	s3 =	sadd.s32 s3, s9;
	s6 =	sadd.s32 @!p0 $0x88, s6;
	s7 =	simm.s32 @p2 $0x1082  }
0x22: {  	[simem:s7], [sflag:s8] =	dma.local @!p0 [hbm:s6], $0xF7A  }
0x23: {  	s9 =	sor.u32 $0xD0000000, s2;
	s6 =	simm.s32 $0x108;
	_ =	swait.ge @!p0 [sflag:s8], $0x0  }
0x24: {  	s3 =	sadd.s32 $0x88, s3;
	s6 =	simm.s32 @!p1 $0x1082;
	[sflag:s4] =	ssyncset.s32 $0xFFFFF086  }
0x25: {  	[simem:s6], [sflag:s4] =	dma.local [hbm:s3], $0xF7A  }
0x26: {  	[smem:$0x3F9B] =	sst s1;
	(tag) =	ssettag s2;
	_ =	strace s9  }
0x27: {  	s1 =	sld [smem:$0x3FAB]  }
0x28: {  	s2 =	sld [smem:$0x3FAC]  }
0x29: {  	s4 =	sld [smem:$0x3FAE]  }
0x2a: {  	p0 =	seq.s32 s5, $0x0;
	s5 =	sld [smem:$0x3FAF]  }
0x2b: {  	s6 =	sld [smem:$0x3FB0]  }
0x2c: {  	s7 =	sld [smem:$0x3FB1]  }
0x2d: {  	s3 =	simm.s32 $0x108;
	s8 =	sld [smem:$0x3FB2]  }
0x2e: {  	s3 =	simm.s32 @!p0 $0x1082;
	s9 =	sld [smem:$0x3FB3]  }
0x2f: {  	lr =	sadd.s32 s0, s3;
	s0 =	sld [smem:$0x3FAA]  }
0x30: {  	s3 =	sld [smem:$0x3FAD]  }
0x31: {  	[smem:$0x3FB6] =	sst s10  }
0x32: {  	s10 =	sld [smem:$0x3FB4];
	_ =	sdelay $0x3  }
0x33: {  	p0 =	seq.s32 s10, $0x1;
	s10 =	sld [smem:$0x3FB6];
	_ =	sdelay $0x3  }
0x34: {  	[smem:$0x3FB6] =	sst s10  }
0x35: {  	s10 =	sld [smem:$0x3FB5];
	_ =	sdelay $0x3  }
0x36: {  	p1 =	seq.s32 s10, $0x1;
	s10 =	sld [smem:$0x3FB6];
	_ =	sdelay $0x3  }
0x37: {  	[smem:$0x3FB6] =	sst s10  }
0x38: {  	s10 =	sld [smem:$0x3FB7]  }
0x39: {  	_ = 	snop;
	(pc) =	sbr.ind lr, $3  }
0x3a: {  	_ = 	snop  }
0x3b: {  	_ = 	snop  }
0x3c: {  	p2 =	seq.s32 s10, $0x1;
	s10 =	sld [smem:$0x3FB6]  }
0x3d: {  	_ =	shalt  }
0x3e: {  	_ =	shalt  }
0x3f: {  	_ =	shalt  }
0x40: {  	_ =	shalt  }
0x41: {  	_ =	shalt  }
0x42: {  	_ =	shalt  }
0x43: {  	_ =	shalt  }
0x44: {  	_ =	shalt  }
0x45: {  	_ =	shalt  }
0x46: {  	_ =	shalt  }
0x47: {  	_ =	shalt  }
0x48: {  	_ =	shalt  }
0x49: {  	_ =	shalt  }
0x4a: {  	_ =	shalt  }
0x4b: {  	_ =	shalt  }
0x4c: {  	_ =	shalt  }
0x4d: {  	_ =	shalt  }
0x4e: {  	_ =	shalt  }
0x4f: {  	_ =	shalt  }
0x50: {  	_ =	shalt  }
0x51: {  	_ =	shalt  }
0x52: {  	_ =	shalt  }
0x53: {  	_ =	shalt  }
0x54: {  	_ =	shalt  }
0x55: {  	_ =	shalt  }
0x56: {  	_ =	shalt  }
0x57: {  	_ =	shalt  }
0x58: {  	_ =	shalt  }
0x59: {  	_ =	shalt  }
0x5a: {  	_ =	shalt  }
0x5b: {  	_ =	shalt  }
0x5c: {  	_ =	shalt  }
0x5d: {  	_ =	shalt  }
0x5e: {  	_ =	shalt  }
0x5f: {  	_ =	shalt  }
0x60: {  	_ =	shalt  }
0x61: {  	_ =	shalt  }
0x62: {  	_ =	shalt  }
0x63: {  	_ =	shalt  }
0x64: {  	_ =	shalt  }
0x65: {  	_ =	shalt  }
0x66: {  	_ =	shalt  }
0x67: {  	_ =	shalt  }
0x68: {  	_ =	shalt  }
0x69: {  	_ =	shalt  }
0x6a: {  	_ =	shalt  }
0x6b: {  	_ =	shalt  }
0x6c: {  	_ =	shalt  }
0x6d: {  	_ =	shalt  }
0x6e: {  	_ =	shalt  }
0x6f: {  	_ =	shalt  }
0x70: {  	_ =	shalt  }
0x71: {  	_ =	shalt  }
0x72: {  	_ =	shalt  }
0x73: {  	_ =	shalt  }
0x74: {  	_ =	shalt  }
0x75: {  	_ =	shalt  }
0x76: {  	_ =	shalt  }
0x77: {  	_ =	shalt  }
0x78: {  	_ =	shalt  }
0x79: {  	_ =	shalt  }
0x7a: {  	_ =	shalt  }
0x7b: {  	_ =	shalt  }
0x7c: {  	_ =	shalt  }
0x7d: {  	_ =	shalt  }
0x7e: {  	_ =	shalt  }
0x7f: {  	_ =	shalt  }
0x80: {  	_ =	shalt  }
0x81: {  	_ =	shalt  }
0x82: {  	_ =	shalt  }
0x83: {  	_ =	shalt  }
0x84: {  	_ =	shalt  }
0x85: {  	_ =	shalt  }
0x86: {  	_ =	shalt  }
0x87: {  	_ =	shalt  }
.Lfunc_end0:
.L_simem_size_0:
called_computation.2_lowered:
.L_overlay_start_0:
0x88: {  	s2 =	sld [smem:$0x3FD9]  }
0x89: {  	s3 =	sld [smem:$0x3FFE];
	_ =	sdelay $0x1  }
0x8a: {  	s1 =	srdreg.scid  }
0x8b: {  	s0 =	sand.u32 $0x1, s1  }
0x8c: {  	s17 =	sshll.u32 s0, $0xA;
	s2 =	sadd.s32 s3, s2  }
0x8d: {  	s2 =	sadd.s32 s2, s17  }
0x8e: {  	[smem:$0x3FC2] =	sst s2  }
0x8f: {  	_ = 	snop  }
0x90: {  	s2 =	sld [smem:$0x3FD0];
	(tm) =	ssettm $0x1  }
0x91: {  	s18 =	sld [smem:$0x3FFB];
	_ =	sdelay $0x3  }
0x92: {  	_ =	strace s18  }
0x93: {  	s3 =	sld [smem:$0x3FFC];
	_ =	sdelay $0x3  }
0x94: {  	_ =	strace s3  }
0x95: {  	s3 =	sld [smem:$0x3FFD];
	_ =	sdelay $0x3  }
0x96: {  	_ =	strace s3  }
0x97: {  	_ =	strace $0x8FFFFFFF  }
0x98: {  	s19 =	sld [smem:$0x3FDB];
	_ =	sdelay $0x1  }
0x99: {  	s4 =	simm.s32 $_scs_section_size  }
0x9a: {  	s5 =	simm.s32 $_size__tile_overlayer_lowered;
	s6 =	simm.s32 $_tile_overlayer_lowered  }
0x9b: {  	s22 =	simm.s32 $0x1BFF;
	s21 =	sshll.u32 s6, $0x1;
	s3 =	sadd.s32 s4, s19  }
0x9c: {  	s7 =	simm.s32 $0x0;
	s20 =	sshll.u32 s5, $0x1;
	s5 =	sadd.s32 s21, s3  }
0x9d: {  	[timem:s7], [sflag:s22] =	dma.local [hbm:s5], s20  }
0x9e: {  	_ =	swait.ge [sflag:s22], s20  }
0x9f: {  	s4 =	ssub.s32 $0x0, s20;
	[sflag:s22] =	ssyncset.done $0x0  }
0xa0: {  	[sflag:s22] =	ssyncadd.s32 s4;
	_ =	sdelay $0x1  }
0xa1: {  	s23 =	simm.s32 $0x1B8B  }
0xa2: {  	_ =	swait.ge [sflag:s23], $0x1  }
0xa3: {  	[sflag:s23] =	ssyncset.done $0x0  }
0xa4: {  	s25 =	simm.s32 $0x1B8E;
	s24 =	sld [smem:$0x3FFE];
	[sflag:s23] =	ssyncadd.s32 $0xFFFFFFFF  }
0xa5: {  	s26 =	simm.s32 $execute0_lowered;
	[smem:$0x3FD2] =	sst s25  }
0xa6: {  	s5 =	sshll.u32 s26, $0x1;
	_ =	strace $0x8000004C;
	[dreg:$0x1] =	wrdreg $0xFFFFFFFF  }
0xa7: {  	s28 =	simm.s32 $_size_execute0_lowered;
	s3 =	sadd.s32 s3, s5;
	[dreg:$0x0] =	wrdreg $0x0  }
0xa8: {  	s5 =	sshll.u32 s28, $0x1;
	[dreg:$0x2] =	wrdreg s3  }
0xa9: {  	[dreg:$0x3] =	wrdreg s5  }
0xaa: {  	[dreg:$0x4] =	wrdreg $0xC0  }
0xab: {  	_ =	task [dreg:s7], $0x5FFFF  }
0xac: {  	[dreg:$0x1] =	wrdreg $0xFFFFFFFF  }
0xad: {  	[dreg:$0x0] =	wrdreg $0x60  }
0xae: {  	[dreg:$0x2] =	wrdreg s2  }
0xaf: {  	[dreg:$0x3] =	wrdreg s24  }
0xb0: {  	[dreg:$0x4] =	wrdreg $0x120400  }
0xb1: {  	[dreg:$0x5] =	wrdreg $0x9  }
0xb2: {  	_ =	task.clear_ibuf [dreg:s7], $0x6FFFF;
	_ =	strace $0x9000004C  }
0xb3: {  	s29 =	simm.s32 $0x9;
	_ =	strace $0x8000004E  }
0xb4: {  	_ =	swait.ge [sflag:s29], $0x1  }
0xb5: {  	[sflag:s29] =	ssyncadd.s32 $0xFFFFFFFF  }
0xb6: {  	_ =	strace $0x9000004E  }
0xb7: {  	_ =	sfence  }
0xb8: {  	s30 =	sld [smem:$0x0];
	_ =	sdelay $0x2  }
0xb9: {  	s31 =	sshll.u32 s1, $0xD;
	s1 =	sshrl.u32 s1, $0x2  }
0xba: {  	s3 =	sand.u32 $0x4000, s31;
	s1 =	sadd.s32 s1, s30  }
0xbb: {  	s0 =	sor.u32 s3, s0;
	s1 =	sshll.u32 s1, $0x11  }
0xbc: {  	s0 =	sor.u32 s1, s0  }
0xbd: {  	s0 =	sadd.s32 $0x8F2B, s0  }
0xbe: {  	[sflag:s0] =	ssyncadd.remote.s32 $0x1  }
0xbf: {  	_ =	sfence.sel $0xFFFF  }
0xc0: {  	[dreg:$0x0] =	wrdreg $0xFFFFFFFF;
	(pc) =	sbr.abs _section_cstart, $3  }
0xc1: {  	[dreg:$0x1] =	wrdreg $0xFFFFFFFF  }
0xc2: {  	_ =	task.clear_ibuf [dreg:s7], $0x2FFFF;
	_ =	strace $0x9FFFFFFF  }
0xc3: {  	(tm) =	ssettm $0x7FFFFFFF  }
tec
execute0_lowered:
.L_overlay_start_1:
0x0: {  	(tag) =	ssettag $0x1  }
0x1: {  	s2 =	rddreg [dreg:$0x0]  }
0x2: {  	s0 =	rddreg [dreg:$0x1]  }
0x3: {  	s3 =	rddreg [dreg:$0x2]  }
0x4: {  	s8 =	stileid.u32;
	s4 =	simm.s32 $0x0;
	s5 =	srdreg.scid  }
0x5: {  	s16 =	simm.s32 $0x10040;
	s17 =	simm.s32 $0x3;
	s18 =	simm.s32 $0x1  }
0x6: {  	s19 =	simm.s32 $0x2;
	s20 =	simm.s32 $0x6;
	s28 =	simm.s32 $0xB040  }
0x7: {  	s30 =	simm.s32 $0xC440;
	s29 =	simm.s32 $0x4;
	s1 =	smul.u32 $0x9C4, s8  }
0x8: {  	s31 =	simm.s32 $0x5;
	s15 =	simm.s32 $0xB;
	s6 =	smul.u32 $0x14000, s8  }
0x9: {  	[smem:$0x7FF] =	sst s4;
	s5 =	sand.u32 $0x1, s5;
	s21 =	smul.u32 $0x28000, s8  }
0xa: {  	s22 =	sadd.s32 $0x15E00, s0;
	_ =	strace $0x8000004D;
	s7 =	sshll.u32 s5, $0x6  }
0xb: {  	[dreg:$0x4] =	wrdreg s22;
	s23 =	ssub.s32 $0x2, s5;
	s22 =	simm.s32 $0x8  }
0xc: {  	v0 =	vmov s5;
	s5 =	simm.s32 $0x0;
	s1 =	sadd.s32 s1, s0;
	s6 =	sor.u32 s7, s6  }
0xd: {  	s24 =	sshrl.u32 s23, $0x1;
	s7 =	sshrl.u32 s21, $0x2;
	s21 =	simm.s32 $0x7  }
0xe: {  	s6 =	sshrl.u32 s6, $0x3;
	s25 =	sadd.s32 $0x2400, s1;
	s7 =	sadd.s32 s7, s3  }
0xf: {  	s1 =	sadd.s32 $0xC040, s1;
	s0 =	sadd.s32 s6, s0;
	[dreg:$0x5] =	wrdreg s25  }
0x10: {  	s6 =	ssub.s32 s23, s24;
	[dreg:$0x6] =	wrdreg s1;
	s26 =	sadd.s32 $0x2000, s7  }
0x11: {  	s10 =	sadd.s32 $0x4000, s7;
	s11 =	sadd.s32 $0x6000, s7;
	s12 =	sadd.s32 $0x8000, s7  }
0x12: {  	s23 =	simm.s32 $0x9;
	s24 =	simm.s32 $0xA;
	s25 =	simm.s32 $0x50  }
0x13: {  	s1 =	simm.s32 $0xEC40;
	[dreg:$0x7] =	wrdreg s26;
	s13 =	sadd.s32 $0x16200, s0  }
0x14: {  	s14 =	smax.u32 s6, $0x1;
	s26 =	simm.s32 $0x9C40;
	s0 =	simm.s32 $0xD840  }
.LBB2_1:
0x15: {  	s6 =	rddreg [dreg:$0x5]  }
0x16: {  	[tilespmem:s4], [sflag:$0x1] =	stream.linear.gather [hbm4b:s6+s4], $0x4E20, $0x38;
	[tilespmem:$0x1C040] =	vst v63  }
0x17: {  	s9 =	rddreg [dreg:$0x6];
	s8 =	simm.s32 $0x4E20  }
0x18: {  	[tilespmem:s8], [sflag:$0x2] =	stream.linear.gather [hbm4b:s9+s4], $0x4E20, $0x38;
	[tilespmem:$0x1C040] =	vst v63  }
0x19: {  	s8 =	rddreg [dreg:$0x4]  }
0x1a: {  	[tilespmem:s16], [sflag:$0x3] =	stream.linear.gather [hbm4b:s8+s4], $0x2000, $0x38;
	[tilespmem:$0x1C040] =	vst v63  }
0x1b: {  	_ =	swait.ge [sflag:s17], $0x2000  }
0x1c: {  	[sflag:s17] =	ssyncset.done $0x0  }
0x1d: {  	[sflag:s17] =	ssyncadd.s32 $0xFFFFE000  }
0x1e: {  	[spmem:s7] =	stream.linear.scatter [tilespmem:s16], [sflag:$0x6], $0x2000, $0x38;
	[tilespmem:$0x1C040] =	vst v63  }
0x1f: {  	s9 =	rddreg [dreg:$0x7]  }
0x20: {  	[spmem:s9] =	stream.linear.scatter [tilespmem:s16], [sflag:$0x7], $0x2000, $0x38;
	[tilespmem:$0x1C040] =	vst v63  }
0x21: {  	_ = 	snop  }
0x22: {  	[spmem:s10] =	stream.linear.scatter [tilespmem:s16], [sflag:$0x8], $0x2000, $0x38;
	[tilespmem:$0x1C040] =	vst v63  }
0x23: {  	_ = 	snop  }
0x24: {  	[spmem:s11] =	stream.linear.scatter [tilespmem:s16], [sflag:$0x9], $0x2000, $0x38;
	[tilespmem:$0x1C040] =	vst v63  }
0x25: {  	_ = 	snop  }
0x26: {  	[spmem:s12] =	stream.linear.scatter [tilespmem:s16], [sflag:$0xA], $0x2000, $0x38;
	[tilespmem:$0x1C040] =	vst v63  }
0x27: {  	_ =	swait.ge [sflag:s18], $0x4E20  }
0x28: {  	[sflag:s18] =	ssyncset.done $0x0  }
0x29: {  	s6 =	simm.s32 $0x0;
	[sflag:s18] =	ssyncadd.s32 $0xFFFFB1E0  }
0x2a: {  	v3 =	vld [tilespmem:s6+$0x0]  }
0x2b: {  	v4 =	vld [tilespmem:s6+$0x10]  }
0x2c: {  	v2 =	vld [tilespmem:s6+$0x20]  }
0x2d: {  	s8 =	simm.s32 $0x140;
	v1 =	vld [tilespmem:s6+$0x30]  }
.LBB2_2:
0x2e: {  	p0 =	sne.s32 s8, $0x13740;
	v5 =	vld [tilespmem:s6+$0x40]  }
0x2f: {  	v3 =	vshll.u32 v3, $0x1  }
0x30: {  	v3 =	vor.u32 v0, v3;
	v4 =	vshll.u32 v4, $0x1  }
.Ltmp0:
0x31: {  	s9 =	sshra.s32 s8, $0x2;
	[tilespmem:s6+$0x0] =	vst v3;
	v4 =	vor.u32 v0, v4;
	v2 =	vshll.u32 v2, $0x1;
	(pc) =	sbr.rel @p0 .LBB2_2-.Ltmp0, $4  }
0x32: {  	v3 =	vld [tilespmem:s9+$0x0];
	[tilespmem:s6+$0x10] =	vst v4;
	v2 =	vor.u32 v0, v2;
	v1 =	vshll.u32 v1, $0x1  }
0x33: {  	v4 =	vld [tilespmem:s9+$0x10];
	[tilespmem:s6+$0x20] =	vst v2;
	v1 =	vor.u32 v0, v1;
	v5 =	vshll.u32 v5, $0x1  }
0x34: {  	v2 =	vld [tilespmem:s9+$0x20];
	[tilespmem:s6+$0x30] =	vst v1;
	v5 =	vor.u32 v0, v5  }
0x35: {  	s8 =	sadd.s32 $0x140, s8;
	v1 =	vld [tilespmem:s9+$0x30];
	[tilespmem:s6+$0x40] =	vst v5;
	s6 =	smov.u32 s9  }
0x36: {  	v5 =	vld [tilespmem:s6+$0x40]  }
0x37: {  	v3 =	vshll.u32 v3, $0x1  }
0x38: {  	v3 =	vor.u32 v0, v3;
	v4 =	vshll.u32 v4, $0x1  }
0x39: {  	[tilespmem:s6+$0x0] =	vst v3;
	v3 =	vor.u32 v0, v4;
	v2 =	vshll.u32 v2, $0x1  }
0x3a: {  	[tilespmem:s6+$0x10] =	vst v3;
	v2 =	vor.u32 v0, v2;
	v1 =	vshll.u32 v1, $0x1  }
0x3b: {  	[tilespmem:s6+$0x20] =	vst v2;
	v1 =	vor.u32 v0, v1;
	v2 =	vshll.u32 v5, $0x1  }
0x3c: {  	[tilespmem:s6+$0x30] =	vst v1;
	v1 =	vor.u32 v0, v2  }
0x3d: {  	[tilespmem:s6+$0x40] =	vst v1  }
0x3e: {  	_ =	swait.ge [sflag:s19], $0x4E20  }
0x3f: {  	[sflag:s19] =	ssyncset.done $0x0  }
0x40: {  	[sflag:s19] =	ssyncadd.s32 $0xFFFFB1E0  }
0x41: {  	_ =	swait.ge [sflag:s20], $0x2000  }
0x42: {  	[sflag:s20] =	ssyncset.done $0x0  }
0x43: {  	[sflag:s20] =	ssyncadd.s32 $0xFFFFE000  }
0x44: {  	_ =	swait.ge [sflag:s21], $0x2000  }
0x45: {  	[sflag:s21] =	ssyncset.done $0x0  }
0x46: {  	[sflag:s21] =	ssyncadd.s32 $0xFFFFE000  }
0x47: {  	_ =	swait.ge [sflag:s22], $0x2000  }
0x48: {  	[sflag:s22] =	ssyncset.done $0x0  }
0x49: {  	[sflag:s22] =	ssyncadd.s32 $0xFFFFE000  }
0x4a: {  	_ =	swait.ge [sflag:s23], $0x2000  }
0x4b: {  	[sflag:s23] =	ssyncset.done $0x0  }
0x4c: {  	[sflag:s23] =	ssyncadd.s32 $0xFFFFE000  }
0x4d: {  	_ =	swait.ge [sflag:s24], $0x2000  }
0x4e: {  	[sflag:s24] =	ssyncset.done $0x0  }
0x4f: {  	[sflag:s24] =	ssyncadd.s32 $0xFFFFE000  }
0x50: {  	s9 =	simm.s32 $0x0;
	[bflag:$0x0] =	sbarrier.arrive $0xFFFF  }
0x51: {  	[tilespmem:s26], [sflag:$0x1] =	stream.indirect.gather [hbm4b:s2+s25], $0x40, s9, s25, $0xb8;
	[tilespmem:$0x1C040] =	vst v63  }
0x52: {  	_ = 	snop  }
0x53: {  	[tilespmem:s28], [sflag:$0x2] =	stream.indirect.gather [hbm4b:s2+s25], $0x40, s25, s25, $0xb8;
	[tilespmem:$0x1C040] =	vst v63  }
0x54: {  	s8 =	simm.s32 $0xA0  }
0x55: {  	[tilespmem:s30], [sflag:$0x3] =	stream.indirect.gather [hbm4b:s2+s25], $0x40, s8, s25, $0xb8;
	[tilespmem:$0x1C040] =	vst v63  }
0x56: {  	s9 =	simm.s32 $0xF0  }
0x57: {  	[tilespmem:s0], [sflag:$0x4] =	stream.indirect.gather [hbm4b:s2+s25], $0x40, s9, s25, $0xb8;
	[tilespmem:$0x1C040] =	vst v63  }
0x58: {  	s8 =	simm.s32 $0x140  }
0x59: {  	[tilespmem:s1], [sflag:$0x5] =	stream.indirect.gather [hbm4b:s2+s25], $0x40, s8, s25, $0xb8;
	[tilespmem:$0x1C040] =	vst v63  }
0x5a: {  	_ =	swait.ge [sflag:s18], $0x1400  }
0x5b: {  	[sflag:s18] =	ssyncset.done $0x0  }
0x5c: {  	s9 =	simm.s32 $0x4E20;
	[sflag:s18] =	ssyncadd.s32 $0xFFFFEC00  }
0x5d: {  	[spmem:s3] =	stream.indirect.scatter.add.f32 [tilespmem:s26], [sflag:$0x6], $0x40, s9, s25, $0xb8;
	[tilespmem:$0x1C040] =	vst v63  }
0x5e: {  	_ =	swait.ge [sflag:s19], $0x1400  }
0x5f: {  	[sflag:s19] =	ssyncset.done $0x0  }
0x60: {  	s8 =	simm.s32 $0x4E70;
	[sflag:s19] =	ssyncadd.s32 $0xFFFFEC00  }
0x61: {  	[spmem:s3] =	stream.indirect.scatter.add.f32 [tilespmem:s28], [sflag:$0x7], $0x40, s8, s25, $0xb8;
	[tilespmem:$0x1C040] =	vst v63  }
0x62: {  	_ =	swait.ge [sflag:s17], $0x1400  }
0x63: {  	[sflag:s17] =	ssyncset.done $0x0  }
0x64: {  	s9 =	simm.s32 $0x4EC0;
	[sflag:s17] =	ssyncadd.s32 $0xFFFFEC00  }
0x65: {  	[spmem:s3] =	stream.indirect.scatter.add.f32 [tilespmem:s30], [sflag:$0x8], $0x40, s9, s25, $0xb8;
	[tilespmem:$0x1C040] =	vst v63  }
0x66: {  	_ =	swait.ge [sflag:s29], $0x1400  }
0x67: {  	[sflag:s29] =	ssyncset.done $0x0  }
0x68: {  	s8 =	simm.s32 $0x4F10;
	[sflag:s29] =	ssyncadd.s32 $0xFFFFEC00  }
0x69: {  	[spmem:s3] =	stream.indirect.scatter.add.f32 [tilespmem:s0], [sflag:$0x9], $0x40, s8, s25, $0xb8;
	[tilespmem:$0x1C040] =	vst v63  }
0x6a: {  	_ =	swait.ge [sflag:s31], $0x1400  }
0x6b: {  	[sflag:s31] =	ssyncset.done $0x0  }
0x6c: {  	s9 =	simm.s32 $0x4F60;
	[sflag:s31] =	ssyncadd.s32 $0xFFFFEC00  }
0x6d: {  	[spmem:s3] =	stream.indirect.scatter.add.f32 [tilespmem:s1], [sflag:$0xA], $0x40, s9, s25, $0xb8;
	[tilespmem:$0x1C040] =	vst v63  }
0x6e: {  	_ =	swait.ge [sflag:s20], $0x1400  }
0x6f: {  	[sflag:s20] =	ssyncset.done $0x0  }
0x70: {  	s8 =	simm.s32 $0x190;
	[sflag:s20] =	ssyncadd.s32 $0xFFFFEC00  }
0x71: {  	[tilespmem:s26], [sflag:$0x1] =	stream.indirect.gather [hbm4b:s2+s25], $0x40, s8, s25, $0xb8;
	[tilespmem:$0x1C040] =	vst v63  }
0x72: {  	_ =	swait.ge [sflag:s21], $0x1400  }
0x73: {  	[sflag:s21] =	ssyncset.done $0x0  }
0x74: {  	s9 =	simm.s32 $0x1E0;
	[sflag:s21] =	ssyncadd.s32 $0xFFFFEC00  }
0x75: {  	[tilespmem:s28], [sflag:$0x2] =	stream.indirect.gather [hbm4b:s2+s25], $0x40, s9, s25, $0xb8;
	[tilespmem:$0x1C040] =	vst v63  }
0x76: {  	_ =	swait.ge [sflag:s22], $0x1400  }
0x77: {  	[sflag:s22] =	ssyncset.done $0x0  }
0x78: {  	s8 =	simm.s32 $0x230;
	[sflag:s22] =	ssyncadd.s32 $0xFFFFEC00  }
0x79: {  	[tilespmem:s30], [sflag:$0x3] =	stream.indirect.gather [hbm4b:s2+s25], $0x40, s8, s25, $0xb8;
	[tilespmem:$0x1C040] =	vst v63  }
0x7a: {  	_ =	swait.ge [sflag:s23], $0x1400  }
0x7b: {  	[sflag:s23] =	ssyncset.done $0x0  }
0x7c: {  	s9 =	simm.s32 $0x280;
	[sflag:s23] =	ssyncadd.s32 $0xFFFFEC00  }
0x7d: {  	[tilespmem:s0], [sflag:$0x4] =	stream.indirect.gather [hbm4b:s2+s25], $0x40, s9, s25, $0xb8;
	[tilespmem:$0x1C040] =	vst v63  }
0x7e: {  	_ =	swait.ge [sflag:s24], $0x1400  }
0x7f: {  	[sflag:s24] =	ssyncset.done $0x0  }
0x80: {  	s6 =	simm.s32 $0x640;
	s8 =	simm.s32 $0x2D0;
	[sflag:s24] =	ssyncadd.s32 $0xFFFFEC00  }
.LBB2_4:
0x81: {  	[tilespmem:s1], [sflag:$0x5] =	stream.indirect.gather [hbm4b:s2+s25], $0x40, s8, s25, $0xb8;
	[tilespmem:$0x1C040] =	vst v63  }
0x82: {  	s8 =	smov.u32 s6  }
0x83: {  	p0 =	sne.s32 s6, $0x12C00;
	s6 =	sadd.s32 $0x640, s6;
	_ =	swait.ge [sflag:s18], $0x1400  }
0x84: {  	s8 =	sshra.s32 s8, $0x2;
	[sflag:s18] =	ssyncset.done $0x0  }
0x85: {  	s9 =	sadd.s32 $0x4E20, s8;
	[sflag:s18] =	ssyncadd.s32 $0xFFFFEC00  }
0x86: {  	[spmem:s3] =	stream.indirect.scatter.add.f32 [tilespmem:s26], [sflag:$0x6], $0x40, s9, s25, $0xb8;
	[tilespmem:$0x1C040] =	vst v63  }
0x87: {  	_ =	swait.ge [sflag:s19], $0x1400  }
0x88: {  	[sflag:s19] =	ssyncset.done $0x0  }
0x89: {  	s9 =	sadd.s32 $0x4E70, s8;
	[sflag:s19] =	ssyncadd.s32 $0xFFFFEC00  }
0x8a: {  	[spmem:s3] =	stream.indirect.scatter.add.f32 [tilespmem:s28], [sflag:$0x7], $0x40, s9, s25, $0xb8;
	[tilespmem:$0x1C040] =	vst v63  }
0x8b: {  	_ =	swait.ge [sflag:s17], $0x1400  }
0x8c: {  	[sflag:s17] =	ssyncset.done $0x0  }
0x8d: {  	s9 =	sadd.s32 $0x4EC0, s8;
	[sflag:s17] =	ssyncadd.s32 $0xFFFFEC00  }
0x8e: {  	[spmem:s3] =	stream.indirect.scatter.add.f32 [tilespmem:s30], [sflag:$0x8], $0x40, s9, s25, $0xb8;
	[tilespmem:$0x1C040] =	vst v63  }
0x8f: {  	_ =	swait.ge [sflag:s29], $0x1400  }
0x90: {  	[sflag:s29] =	ssyncset.done $0x0  }
0x91: {  	s9 =	sadd.s32 $0x4F10, s8;
	[sflag:s29] =	ssyncadd.s32 $0xFFFFEC00  }
0x92: {  	[spmem:s3] =	stream.indirect.scatter.add.f32 [tilespmem:s0], [sflag:$0x9], $0x40, s9, s25, $0xb8;
	[tilespmem:$0x1C040] =	vst v63  }
0x93: {  	_ =	swait.ge [sflag:s31], $0x1400  }
0x94: {  	[sflag:s31] =	ssyncset.done $0x0  }
0x95: {  	s9 =	sadd.s32 $0x4F60, s8;
	[sflag:s31] =	ssyncadd.s32 $0xFFFFEC00  }
0x96: {  	[spmem:s3] =	stream.indirect.scatter.add.f32 [tilespmem:s1], [sflag:$0xA], $0x40, s9, s25, $0xb8;
	[tilespmem:$0x1C040] =	vst v63  }
0x97: {  	_ =	swait.ge [sflag:s20], $0x1400  }
0x98: {  	[sflag:s20] =	ssyncset.done $0x0  }
0x99: {  	s9 =	sadd.s32 $0x190, s8;
	[sflag:s20] =	ssyncadd.s32 $0xFFFFEC00  }
0x9a: {  	[tilespmem:s26], [sflag:$0x1] =	stream.indirect.gather [hbm4b:s2+s25], $0x40, s9, s25, $0xb8;
	[tilespmem:$0x1C040] =	vst v63  }
0x9b: {  	_ =	swait.ge [sflag:s21], $0x1400  }
0x9c: {  	[sflag:s21] =	ssyncset.done $0x0  }
0x9d: {  	s9 =	sadd.s32 $0x1E0, s8;
	[sflag:s21] =	ssyncadd.s32 $0xFFFFEC00  }
0x9e: {  	[tilespmem:s28], [sflag:$0x2] =	stream.indirect.gather [hbm4b:s2+s25], $0x40, s9, s25, $0xb8;
	[tilespmem:$0x1C040] =	vst v63  }
0x9f: {  	_ =	swait.ge [sflag:s22], $0x1400  }
0xa0: {  	[sflag:s22] =	ssyncset.done $0x0  }
0xa1: {  	s9 =	sadd.s32 $0x230, s8;
	[sflag:s22] =	ssyncadd.s32 $0xFFFFEC00  }
0xa2: {  	[tilespmem:s30], [sflag:$0x3] =	stream.indirect.gather [hbm4b:s2+s25], $0x40, s9, s25, $0xb8;
	[tilespmem:$0x1C040] =	vst v63  }
0xa3: {  	_ =	swait.ge [sflag:s23], $0x1400  }
0xa4: {  	[sflag:s23] =	ssyncset.done $0x0  }
.Ltmp1:
0xa5: {  	s9 =	sadd.s32 $0x280, s8;
	[sflag:s23] =	ssyncadd.s32 $0xFFFFEC00;
	(pc) =	sbr.rel @p0 .LBB2_4-.Ltmp1, $4  }
0xa6: {  	[tilespmem:s0], [sflag:$0x4] =	stream.indirect.gather [hbm4b:s2+s25], $0x40, s9, s25, $0xb8;
	[tilespmem:$0x1C040] =	vst v63  }
0xa7: {  	_ =	swait.ge [sflag:s24], $0x1400  }
0xa8: {  	[sflag:s24] =	ssyncset.done $0x0  }
0xa9: {  	s8 =	sadd.s32 $0x2D0, s8;
	[sflag:s24] =	ssyncadd.s32 $0xFFFFEC00  }
0xaa: {  	[tilespmem:s1], [sflag:$0x5] =	stream.indirect.gather [hbm4b:s2+s25], $0x40, s8, s25, $0xb8;
	[tilespmem:$0x1C040] =	vst v63  }
0xab: {  	_ =	swait.ge [sflag:s18], $0x1400  }
0xac: {  	[sflag:s18] =	ssyncset.done $0x0  }
0xad: {  	s6 =	simm.s32 $0x9AB0;
	[sflag:s18] =	ssyncadd.s32 $0xFFFFEC00  }
0xae: {  	[spmem:s3] =	stream.indirect.scatter.add.f32 [tilespmem:s26], [sflag:$0x6], $0x40, s6, s25, $0xb8;
	[tilespmem:$0x1C040] =	vst v63  }
0xaf: {  	_ =	swait.ge [sflag:s19], $0x1400  }
0xb0: {  	[sflag:s19] =	ssyncset.done $0x0  }
0xb1: {  	s9 =	simm.s32 $0x9B00;
	[sflag:s19] =	ssyncadd.s32 $0xFFFFEC00  }
0xb2: {  	[spmem:s3] =	stream.indirect.scatter.add.f32 [tilespmem:s28], [sflag:$0x7], $0x40, s9, s25, $0xb8;
	[tilespmem:$0x1C040] =	vst v63  }
0xb3: {  	_ =	swait.ge [sflag:s17], $0x1400  }
0xb4: {  	[sflag:s17] =	ssyncset.done $0x0  }
0xb5: {  	s8 =	simm.s32 $0x9B50;
	[sflag:s17] =	ssyncadd.s32 $0xFFFFEC00  }
0xb6: {  	[spmem:s3] =	stream.indirect.scatter.add.f32 [tilespmem:s30], [sflag:$0x8], $0x40, s8, s25, $0xb8;
	[tilespmem:$0x1C040] =	vst v63  }
0xb7: {  	_ =	swait.ge [sflag:s29], $0x1400  }
0xb8: {  	[sflag:s29] =	ssyncset.done $0x0  }
0xb9: {  	s9 =	simm.s32 $0x9BA0;
	[sflag:s29] =	ssyncadd.s32 $0xFFFFEC00  }
0xba: {  	[spmem:s3] =	stream.indirect.scatter.add.f32 [tilespmem:s0], [sflag:$0x9], $0x40, s9, s25, $0xb8;
	[tilespmem:$0x1C040] =	vst v63  }
0xbb: {  	_ =	swait.ge [sflag:s31], $0x1400  }
0xbc: {  	[sflag:s31] =	ssyncset.done $0x0  }
0xbd: {  	s8 =	simm.s32 $0x9BF0;
	[sflag:s31] =	ssyncadd.s32 $0xFFFFEC00  }
0xbe: {  	[spmem:s3] =	stream.indirect.scatter.add.f32 [tilespmem:s1], [sflag:$0xA], $0x40, s8, s25, $0xb8;
	[tilespmem:$0x1C040] =	vst v63  }
0xbf: {  	_ =	swait.ge [sflag:s20], $0x1400  }
0xc0: {  	[sflag:s20] =	ssyncset.done $0x0  }
0xc1: {  	[sflag:s20] =	ssyncadd.s32 $0xFFFFEC00  }
0xc2: {  	_ =	swait.ge [sflag:s21], $0x1400  }
0xc3: {  	[sflag:s21] =	ssyncset.done $0x0  }
0xc4: {  	[sflag:s21] =	ssyncadd.s32 $0xFFFFEC00  }
0xc5: {  	_ =	swait.ge [sflag:s22], $0x1400  }
0xc6: {  	[sflag:s22] =	ssyncset.done $0x0  }
0xc7: {  	[sflag:s22] =	ssyncadd.s32 $0xFFFFEC00  }
0xc8: {  	_ =	swait.ge [sflag:s23], $0x1400  }
0xc9: {  	[sflag:s23] =	ssyncset.done $0x0  }
0xca: {  	[sflag:s23] =	ssyncadd.s32 $0xFFFFEC00  }
0xcb: {  	s5 =	sadd.s32 $0x1, s5;
	s9 =	stileid.u32;
	_ =	swait.ge [sflag:s24], $0x1400  }
0xcc: {  	p0 =	sne.s32 s5, s14;
	s6 =	sshll.u32 s9, $0x6;
	[sflag:s24] =	ssyncset.done $0x0  }
0xcd: {  	s9 =	simm.s32 $0x10;
	s6 =	sor.u32 $0x1C0B, s6;
	[sflag:s24] =	ssyncadd.s32 $0xFFFFEC00  }
.Ltmp2:
0xce: {  	s8 =	sshrl.u32 s7, $0x3;
	[bflag:$0x0] =	sbarrier.arrive $0xFFFF;
	(pc) =	sbr.rel @p0 .LBB2_1-.Ltmp2, $4  }
0xcf: {  	[hbm:s13@s9], [sflag:s6] =	dma.strided [spmem:s8@s22], $0x1400, s18, $0x8   }
0xd0: {  	_ =	swait.ge [sflag:s15], $0x1400  }
0xd1: {  	[sflag:s15] =	ssyncset.done $0x0  }
0xd2: {  	[sflag:s15] =	ssyncadd.s32 $0xFFFFEC00  }
0xd3: {  	_ =	sfence.sel $0x180000  }
0xd4: {  	[bflag:$0x0] =	sbarrier.arrive $0xFFFF  }
0xd5: {  	_ =	strace $0x9000004D  }
0xd6: {  	s0 =	stileid.u32;
	[bflag:$0x2] =	sbarrier.arrive $0xFFFF  }
0xd7: {  	p0 =	sne.s32 s0, $0x0;
	s0 =	rddreg [dreg:$0x3]  }
0xd8: {  	s0 =	sadd.s32 @!p0 $0x100000, s0  }
0xd9: {  	[sflag:s0] =	ssyncadd.tile.s32 @!p0 $0x1;
	_ =	shalt  }
.Lfunc_end2:
_tile_overlayer_lowered:
.L_overlay_start_2:
0xda: {  	(tag) =	ssettag $0x2  }
0xdb: {  	s0 =	rddreg [dreg:$0x0];
	s2 =	stileid.u32  }
0xdc: {  	s1 =	rddreg [dreg:$0x1];
	p0 =	sne.s32 s2, $0x0  }
0xdd: {  	s3 =	rddreg [dreg:$0x2];
	[bflag:$0x3] =	sbarrier.arrive $0xFFFF;
	s2 =	simm.s32 @!p0 $0x1C0B  }
0xde: {  	[timem:s3], [sflag:s2] =	dma.local @!p0 [hbm:s0], s1  }
0xdf: {  	s0 =	simm.s32 @!p0 $0xB  }
0xe0: {  	_ =	swait.ge @!p0 [sflag:s0], s1  }
0xe1: {  	s1 =	ssub.s32 @!p0 $0x0, s1;
	[sflag:s0] =	ssyncset.done @!p0 $0x0  }
0xe2: {  	[sflag:s0] =	ssyncadd.s32 @!p0 s1  }
0xe3: {  	[bflag:$0x3] =	sbarrier.arrive $0xFFFF  }
0xe4: {  	_ =	shalt  }

// kernel: kernel.8.cloned.1.call-start
scs
__scs_entry_jumppad:
0x0: {  	(pc) =	sbr.rel $0x88, $3  }
0x1: {  	(tag) =	ssettag $0x0;
	lr =	simm.s32 $0x1  }
0x2: {  	[smem:$0x3F9B] =	sst lr;
	_ =	strace $0xD0000000  }
0x3: {  	_ = 	snop  }
0x4: {  	_ = 	snop  }
0x5: {  	_ = 	snop  }
0x6: {  	_ = 	snop  }
0x7: {  	_ = 	snop  }
__scs_overlays_trampoline_lowered:
0x8: {  	[smem:$0x3FAA] =	sst s0  }
0x9: {  	[smem:$0x3FAB] =	sst s1  }
0xa: {  	[smem:$0x3FAC] =	sst s2  }
0xb: {  	[smem:$0x3FAD] =	sst s3  }
0xc: {  	[smem:$0x3FAE] =	sst s4  }
0xd: {  	[smem:$0x3FAF] =	sst s5  }
0xe: {  	[smem:$0x3FB0] =	sst s6  }
0xf: {  	[smem:$0x3FB1] =	sst s7  }
0x10: {  	[smem:$0x3FB2] =	sst s8  }
0x11: {  	[smem:$0x3FB3] =	sst s9;
	s0 =	simm.s32 @!p0 $0x0  }
0x12: {  	s1 =	sld [smem:$0x3F99];
	s0 =	simm.s32 @p0 $0x1  }
0x13: {  	[smem:$0x3FB4] =	sst s0;
	s0 =	simm.s32 @!p1 $0x0  }
0x14: {  	s2 =	sld [smem:$0x3F98];
	s0 =	simm.s32 @p1 $0x1  }
0x15: {  	[smem:$0x3FB5] =	sst s0;
	s0 =	simm.s32 @!p2 $0x0  }
0x16: {  	s3 =	sld [smem:$0x3FDB];
	s0 =	simm.s32 @p2 $0x1  }
0x17: {  	s4 =	simm.s32 $0x1BF5;
	[smem:$0x3FB7] =	sst s0  }
0x18: {  	s0 =	sld [smem:$0x3F9A];
	_ =	swait.ge [sflag:s4], $0x0  }
0x19: {  	s7 =	sld [smem:$0x3F9B]  }
0x1a: {  	s8 =	sadd.s32 $0xFFFFE003, lr  }
0x1b: {  	s9 =	sadd.s32 $0xFFFFFEF7, lr;
	s5 =	simm.s32 $0xFFFFFFFF;
	p2 =	slt.u32 s8, $0xFFFFF086  }
0x1c: {  	p1 =	slt.u32 s9, $0xF7A;
	s5 =	simm.s32 @!p2 $0x0  }
0x1d: {  	s5 =	simm.s32 @p1 $0x1;
	p0 =	seq.s32 s7, s2  }
0x1e: {  	s7 =	smul.u32 @!p0 $0xF7A, s2;
	p2 =	seq.s32 @!p0 s5, $0x0  }
0x1f: {  	s9 =	smul.u32 $0xF7A, s1;
	s8 =	simm.s32 @!p0 $0x1BF5;
	p2 =	por !p2, p0  }
0x20: {  	[sflag:s8] =	ssyncset.s32 @!p0 $0xFFFFF086;
	s6 =	sadd.s32 @!p0 s3, s7;
	s7 =	simm.s32 @!p0 $0x108  }
0x21: {  	s3 =	sadd.s32 s3, s9;
	s6 =	sadd.s32 @!p0 $0x88, s6;
	s7 =	simm.s32 @p2 $0x1082  }
0x22: {  	[simem:s7], [sflag:s8] =	dma.local @!p0 [hbm:s6], $0xF7A  }
0x23: {  	s9 =	sor.u32 $0xD0000000, s2;
	s6 =	simm.s32 $0x108;
	_ =	swait.ge @!p0 [sflag:s8], $0x0  }
0x24: {  	s3 =	sadd.s32 $0x88, s3;
	s6 =	simm.s32 @!p1 $0x1082;
	[sflag:s4] =	ssyncset.s32 $0xFFFFF086  }
0x25: {  	[simem:s6], [sflag:s4] =	dma.local [hbm:s3], $0xF7A  }
0x26: {  	[smem:$0x3F9B] =	sst s1;
	(tag) =	ssettag s2;
	_ =	strace s9  }
0x27: {  	s1 =	sld [smem:$0x3FAB]  }
0x28: {  	s2 =	sld [smem:$0x3FAC]  }
0x29: {  	s4 =	sld [smem:$0x3FAE]  }
0x2a: {  	p0 =	seq.s32 s5, $0x0;
	s5 =	sld [smem:$0x3FAF]  }
0x2b: {  	s6 =	sld [smem:$0x3FB0]  }
0x2c: {  	s7 =	sld [smem:$0x3FB1]  }
0x2d: {  	s3 =	simm.s32 $0x108;
	s8 =	sld [smem:$0x3FB2]  }
0x2e: {  	s3 =	simm.s32 @!p0 $0x1082;
	s9 =	sld [smem:$0x3FB3]  }
0x2f: {  	lr =	sadd.s32 s0, s3;
	s0 =	sld [smem:$0x3FAA]  }
0x30: {  	s3 =	sld [smem:$0x3FAD]  }
0x31: {  	[smem:$0x3FB6] =	sst s10  }
0x32: {  	s10 =	sld [smem:$0x3FB4];
	_ =	sdelay $0x3  }
0x33: {  	p0 =	seq.s32 s10, $0x1;
	s10 =	sld [smem:$0x3FB6];
	_ =	sdelay $0x3  }
0x34: {  	[smem:$0x3FB6] =	sst s10  }
0x35: {  	s10 =	sld [smem:$0x3FB5];
	_ =	sdelay $0x3  }
0x36: {  	p1 =	seq.s32 s10, $0x1;
	s10 =	sld [smem:$0x3FB6];
	_ =	sdelay $0x3  }
0x37: {  	[smem:$0x3FB6] =	sst s10  }
0x38: {  	s10 =	sld [smem:$0x3FB7]  }
0x39: {  	_ = 	snop;
	(pc) =	sbr.ind lr, $3  }
0x3a: {  	_ = 	snop  }
0x3b: {  	_ = 	snop  }
0x3c: {  	p2 =	seq.s32 s10, $0x1;
	s10 =	sld [smem:$0x3FB6]  }
0x3d: {  	_ =	shalt  }
0x3e: {  	_ =	shalt  }
0x3f: {  	_ =	shalt  }
0x40: {  	_ =	shalt  }
0x41: {  	_ =	shalt  }
0x42: {  	_ =	shalt  }
0x43: {  	_ =	shalt  }
0x44: {  	_ =	shalt  }
0x45: {  	_ =	shalt  }
0x46: {  	_ =	shalt  }
0x47: {  	_ =	shalt  }
0x48: {  	_ =	shalt  }
0x49: {  	_ =	shalt  }
0x4a: {  	_ =	shalt  }
0x4b: {  	_ =	shalt  }
0x4c: {  	_ =	shalt  }
0x4d: {  	_ =	shalt  }
0x4e: {  	_ =	shalt  }
0x4f: {  	_ =	shalt  }
0x50: {  	_ =	shalt  }
0x51: {  	_ =	shalt  }
0x52: {  	_ =	shalt  }
0x53: {  	_ =	shalt  }
0x54: {  	_ =	shalt  }
0x55: {  	_ =	shalt  }
0x56: {  	_ =	shalt  }
0x57: {  	_ =	shalt  }
0x58: {  	_ =	shalt  }
0x59: {  	_ =	shalt  }
0x5a: {  	_ =	shalt  }
0x5b: {  	_ =	shalt  }
0x5c: {  	_ =	shalt  }
0x5d: {  	_ =	shalt  }
0x5e: {  	_ =	shalt  }
0x5f: {  	_ =	shalt  }
0x60: {  	_ =	shalt  }
0x61: {  	_ =	shalt  }
0x62: {  	_ =	shalt  }
0x63: {  	_ =	shalt  }
0x64: {  	_ =	shalt  }
0x65: {  	_ =	shalt  }
0x66: {  	_ =	shalt  }
0x67: {  	_ =	shalt  }
0x68: {  	_ =	shalt  }
0x69: {  	_ =	shalt  }
0x6a: {  	_ =	shalt  }
0x6b: {  	_ =	shalt  }
0x6c: {  	_ =	shalt  }
0x6d: {  	_ =	shalt  }
0x6e: {  	_ =	shalt  }
0x6f: {  	_ =	shalt  }
0x70: {  	_ =	shalt  }
0x71: {  	_ =	shalt  }
0x72: {  	_ =	shalt  }
0x73: {  	_ =	shalt  }
0x74: {  	_ =	shalt  }
0x75: {  	_ =	shalt  }
0x76: {  	_ =	shalt  }
0x77: {  	_ =	shalt  }
0x78: {  	_ =	shalt  }
0x79: {  	_ =	shalt  }
0x7a: {  	_ =	shalt  }
0x7b: {  	_ =	shalt  }
0x7c: {  	_ =	shalt  }
0x7d: {  	_ =	shalt  }
0x7e: {  	_ =	shalt  }
0x7f: {  	_ =	shalt  }
0x80: {  	_ =	shalt  }
0x81: {  	_ =	shalt  }
0x82: {  	_ =	shalt  }
0x83: {  	_ =	shalt  }
0x84: {  	_ =	shalt  }
0x85: {  	_ =	shalt  }
0x86: {  	_ =	shalt  }
0x87: {  	_ =	shalt  }
.Lfunc_end0:
.L_simem_size_0:
called_computation_lowered:
.L_overlay_start_0:
0x88: {  	s2 =	sld [smem:$0x3FD9]  }
0x89: {  	s3 =	sld [smem:$0x3FFE];
	_ =	sdelay $0x1  }
0x8a: {  	s1 =	srdreg.scid  }
0x8b: {  	s0 =	sand.u32 $0x1, s1  }
0x8c: {  	s17 =	sshll.u32 s0, $0xA;
	s2 =	sadd.s32 s3, s2  }
0x8d: {  	s2 =	sadd.s32 s2, s17  }
0x8e: {  	[smem:$0x3FC2] =	sst s2  }
0x8f: {  	_ = 	snop  }
0x90: {  	s2 =	sld [smem:$0x3FD0];
	(tm) =	ssettm $0x1  }
0x91: {  	s18 =	sld [smem:$0x3FFB];
	_ =	sdelay $0x3  }
0x92: {  	_ =	strace s18  }
0x93: {  	s3 =	sld [smem:$0x3FFC];
	_ =	sdelay $0x3  }
0x94: {  	_ =	strace s3  }
0x95: {  	s3 =	sld [smem:$0x3FFD];
	_ =	sdelay $0x3  }
0x96: {  	_ =	strace s3  }
0x97: {  	_ =	strace $0x8FFFFFFF  }
0x98: {  	s19 =	sld [smem:$0x3FDB];
	_ =	sdelay $0x1  }
0x99: {  	s4 =	simm.s32 $_scs_section_size  }
0x9a: {  	s5 =	simm.s32 $_size__tile_overlayer_lowered;
	s6 =	simm.s32 $_tile_overlayer_lowered  }
0x9b: {  	s22 =	simm.s32 $0x1BFF;
	s21 =	sshll.u32 s6, $0x1;
	s3 =	sadd.s32 s4, s19  }
0x9c: {  	s7 =	simm.s32 $0x0;
	s20 =	sshll.u32 s5, $0x1;
	s5 =	sadd.s32 s21, s3  }
0x9d: {  	[timem:s7], [sflag:s22] =	dma.local [hbm:s5], s20  }
0x9e: {  	_ =	swait.ge [sflag:s22], s20  }
0x9f: {  	s4 =	ssub.s32 $0x0, s20;
	[sflag:s22] =	ssyncset.done $0x0  }
0xa0: {  	[sflag:s22] =	ssyncadd.s32 s4;
	_ =	sdelay $0x1  }
0xa1: {  	s23 =	simm.s32 $0x1B8B  }
0xa2: {  	_ =	swait.ge [sflag:s23], $0x1  }
0xa3: {  	[sflag:s23] =	ssyncset.done $0x0  }
0xa4: {  	s25 =	simm.s32 $0x1B8E;
	s24 =	sld [smem:$0x3FFE];
	[sflag:s23] =	ssyncadd.s32 $0xFFFFFFFF  }
0xa5: {  	s26 =	simm.s32 $execute0_lowered;
	[smem:$0x3FD2] =	sst s25  }
0xa6: {  	s5 =	sshll.u32 s26, $0x1;
	_ =	strace $0x80000046;
	[dreg:$0x1] =	wrdreg $0xFFFFFFFF  }
0xa7: {  	s28 =	simm.s32 $_size_execute0_lowered;
	s3 =	sadd.s32 s3, s5;
	[dreg:$0x0] =	wrdreg $0x0  }
0xa8: {  	s5 =	sshll.u32 s28, $0x1;
	[dreg:$0x2] =	wrdreg s3  }
0xa9: {  	[dreg:$0x3] =	wrdreg s5  }
0xaa: {  	[dreg:$0x4] =	wrdreg $0xC0  }
0xab: {  	_ =	task [dreg:s7], $0x5FFFF  }
0xac: {  	[dreg:$0x1] =	wrdreg $0xFFFFFFFF  }
0xad: {  	[dreg:$0x0] =	wrdreg $0x60  }
0xae: {  	[dreg:$0x2] =	wrdreg s24  }
0xaf: {  	[dreg:$0x3] =	wrdreg s2  }
0xb0: {  	[dreg:$0x4] =	wrdreg $0x27600  }
0xb1: {  	[dreg:$0x5] =	wrdreg $0x9  }
0xb2: {  	_ =	task.clear_ibuf [dreg:s7], $0x6FFFF;
	_ =	strace $0x90000046  }
0xb3: {  	s29 =	simm.s32 $0x9;
	_ =	strace $0x80000048  }
0xb4: {  	_ =	swait.ge [sflag:s29], $0x1  }
0xb5: {  	[sflag:s29] =	ssyncadd.s32 $0xFFFFFFFF  }
0xb6: {  	_ =	strace $0x90000048  }
0xb7: {  	_ =	sfence  }
0xb8: {  	s30 =	sld [smem:$0x0];
	_ =	sdelay $0x2  }
0xb9: {  	s31 =	sshll.u32 s1, $0xD;
	s1 =	sshrl.u32 s1, $0x2  }
0xba: {  	s3 =	sand.u32 $0x4000, s31;
	s1 =	sadd.s32 s1, s30  }
0xbb: {  	s0 =	sor.u32 s3, s0;
	s1 =	sshll.u32 s1, $0x11  }
0xbc: {  	s0 =	sor.u32 s1, s0  }
0xbd: {  	s0 =	sadd.s32 $0x8F2B, s0  }
0xbe: {  	[sflag:s0] =	ssyncadd.remote.s32 $0x1  }
0xbf: {  	_ =	sfence.sel $0xFFFF  }
0xc0: {  	[dreg:$0x0] =	wrdreg $0xFFFFFFFF;
	(pc) =	sbr.abs _section_cstart, $3  }
0xc1: {  	[dreg:$0x1] =	wrdreg $0xFFFFFFFF  }
0xc2: {  	_ =	task.clear_ibuf [dreg:s7], $0x2FFFF;
	_ =	strace $0x9FFFFFFF  }
0xc3: {  	(tm) =	ssettm $0x7FFFFFFF  }
tec
execute0_lowered:
.L_overlay_start_1:
0x0: {  	(tag) =	ssettag $0x1  }
0x1: {  	s5 =	rddreg [dreg:$0x0]  }
0x2: {  	s7 =	rddreg [dreg:$0x1]  }
0x3: {  	s2 =	rddreg [dreg:$0x2]  }
0x4: {  	s0 =	rddreg [dreg:$0x3];
	s1 =	stileid.u32  }
0x5: {  	s3 =	simm.s32 $0x0;
	s6 =	srdreg.scid;
	s4 =	smul.u32 $0x9C4, s1  }
0x6: {  	s13 =	simm.s32 $0x1;
	s6 =	sand.u32 $0x1, s6;
	s11 =	smul.u32 $0x280, s1  }
0x7: {  	[smem:$0x7FF] =	sst s3;
	s31 =	sshll.u32 s1, $0x6;
	s9 =	smul.u32 $0x4E2, s6  }
0x8: {  	_ =	strace $0x80000047;
	s10 =	ssub.s32 $0x2, s6;
	s29 =	smul.u32 $0x500, s6  }
0x9: {  	s8 =	sadd.s32 s4, s5;
	s4 =	sadd.s32 $0x15E00, s5;
	s5 =	sadd.s32 $0x16000, s5  }
0xa: {  	s12 =	sshrl.u32 s10, $0x1;
	s30 =	sadd.s32 s11, s2;
	s15 =	sshrl.u32 s11, $0x3  }
0xb: {  	s8 =	sadd.s32 s9, s8;
	s10 =	ssub.s32 s10, s12;
	s14 =	sadd.s32 s7, s29  }
0xc: {  	s9 =	simm.s32 $0x2710;
	s11 =	sshrl.u32 s30, $0x3;
	s12 =	simm.s32 $0x50  }
0xd: {  	s6 =	sadd.s32 $0xC040, s8;
	s7 =	smax.u32 s10, $0x1;
	s8 =	simm.s32 $0x2  }
0xe: {  	s10 =	sor.u32 $0x1C02, s31;
	s14 =	sadd.s32 s15, s14;
	s15 =	simm.s32 $0x0  }
.LBB2_1:
0xf: {  	[tilespmem:s3], [sflag:$0x2] =	stream.linear.gather [hbm4b:s6+s3], $0x2710, $0x38;
	[tilespmem:$0x29E0] =	vst v63  }
0x10: {  	_ =	swait.ge [sflag:s8], $0x2710  }
0x11: {  	[sflag:s8] =	ssyncset.done $0x0  }
0x12: {  	[sflag:s8] =	ssyncadd.s32 $0xFFFFD8F0  }
0x13: {  	[tilespmem:s9], [sflag:$0x2] =	stream.linear.gather [hbm4b:s4+s3], $0x50, $0x38;
	[tilespmem:$0x29E0] =	vst v63  }
0x14: {  	_ =	swait.ge [sflag:s8], $0x50  }
0x15: {  	[sflag:s8] =	ssyncset.done $0x0  }
0x16: {  	[sflag:s8] =	ssyncadd.s32 $0xFFFFFFB0  }
0x17: {  	[spmem:s11], [sflag:s10] =	dma.local [hbm:s5], $0x50  }
0x18: {  	_ =	swait.ge [sflag:s8], $0x50  }
0x19: {  	[sflag:s8] =	ssyncset.done $0x0  }
0x1a: {  	[sflag:s8] =	ssyncadd.s32 $0xFFFFFFB0  }
0x1b: {  	s16 =	simm.s32 $0x0;
	[bflag:$0x0] =	sbarrier.arrive $0xFFFF  }
.LBB2_2:
0x1c: {  	p0 =	sne.s32 s16, $0x9B00  }
.Ltmp0:
0x1d: {  	_ = 	snop;
	(pc) =	sbr.rel @p0 .LBB2_2-.Ltmp0, $3  }
0x1e: {  	_ =	sdelay $0x1  }
0x1f: {  	s17 =	sshra.s32 s16, $0x2;
	s16 =	sadd.s32 $0x140, s16  }
0x20: {  	[spmem:s2] =	stream.indirect.scatter.add.f32 [tilespmem:s9], [sflag:$0x1], $0x1, s17, s12, $0xb8;
	[tilespmem:$0x29E0] =	vst v63  }
0x21: {  	_ =	swait.ge [sflag:s13], $0x50  }
0x22: {  	s16 =	simm.s32 $0x7C;
	[sflag:s13] =	ssyncset.done $0x0  }
.LBB2_4:
0x23: {  	p0 =	sne.s32 s16, $0x1;
	s16 =	sadd.s32 $0xFFFFFFFF, s16;
	[sflag:s13] =	ssyncadd.s32 $0xFFFFFFB0  }
.Ltmp1:
0x24: {  	(pc) =	sbr.rel @p0 .LBB2_4-.Ltmp1, $3  }
0x25: {  	_ =	sdelay $0x1  }
0x26: {  	_ =	swait.ge [sflag:s13], $0x50  }
0x27: {  	[sflag:s13] =	ssyncset.done $0x0  }
0x28: {  	s15 =	sadd.s32 $0x1, s15  }
0x29: {  	[sflag:s13] =	ssyncadd.s32 $0xFFFFFFB0;
	p0 =	sne.s32 s15, s7  }
.Ltmp2:
0x2a: {  	[bflag:$0x0] =	sbarrier.arrive $0xFFFF;
	(pc) =	sbr.rel @p0 .LBB2_1-.Ltmp2, $4  }
0x2b: {  	[hbm:s14], [sflag:s10] =	dma.local [spmem:s11], $0x50  }
0x2c: {  	_ =	swait.ge [sflag:s8], $0x50  }
0x2d: {  	[sflag:s8] =	ssyncset.done $0x0  }
0x2e: {  	[sflag:s8] =	ssyncadd.s32 $0xFFFFFFB0  }
0x2f: {  	_ =	sfence.sel $0x180000  }
0x30: {  	[bflag:$0x0] =	sbarrier.arrive $0xFFFF  }
0x31: {  	p0 =	sne.s32 s1, $0x0;
	_ =	strace $0x90000047  }
0x32: {  	s0 =	sadd.s32 @!p0 $0x100000, s0;
	[bflag:$0x2] =	sbarrier.arrive $0xFFFF  }
0x33: {  	[sflag:s0] =	ssyncadd.tile.s32 @!p0 $0x1;
	_ =	shalt  }
.Lfunc_end2:
_tile_overlayer_lowered:
.L_overlay_start_2:
0x34: {  	(tag) =	ssettag $0x2  }
0x35: {  	s0 =	rddreg [dreg:$0x0];
	s2 =	stileid.u32  }
0x36: {  	s1 =	rddreg [dreg:$0x1];
	p0 =	sne.s32 s2, $0x0  }
0x37: {  	s3 =	rddreg [dreg:$0x2];
	[bflag:$0x3] =	sbarrier.arrive $0xFFFF;
	s2 =	simm.s32 @!p0 $0x1C02  }
0x38: {  	[timem:s3], [sflag:s2] =	dma.local @!p0 [hbm:s0], s1  }
0x39: {  	s0 =	simm.s32 @!p0 $0x2  }
0x3a: {  	_ =	swait.ge @!p0 [sflag:s0], s1  }
0x3b: {  	s1 =	ssub.s32 @!p0 $0x0, s1;
	[sflag:s0] =	ssyncset.done @!p0 $0x0  }
0x3c: {  	[sflag:s0] =	ssyncadd.s32 @!p0 s1  }
0x3d: {  	[bflag:$0x3] =	sbarrier.arrive $0xFFFF  }
0x3e: {  	_ =	shalt  }

</sc_bundles>
